<compile_context>
chip_gen: v7x
topology: tpu7x:2x2x1
jax: 0.10.2.dev20260603
libtpu: 0.0.44.dev20260713+nightly
codegen_flags: <defaults>
</compile_context>

<pallas_src>
import functools

import jax
import jax.numpy as jnp
from jax import lax
from jax.experimental import pallas as pl
from jax.experimental.pallas import tpu as pltpu
from jax.experimental.pallas import tpu_sc as plsc



def _combine_body(p_ref, x_ref, w_ref, w0_ref, b_ref, o_ref):
    z = jnp.dot(p_ref[0], w_ref[0], preferred_element_type=jnp.float32)
    z += jnp.dot(p_ref[1], w_ref[1], preferred_element_type=jnp.float32)
    z += jnp.dot(x_ref[...], w0_ref[...], preferred_element_type=jnp.float32)
    o_ref[...] = jnp.maximum(z + b_ref[...], 0.0)


def _combine(P, Xp, W, W_0, b, bm):
    n_sc, Nr, U = P.shape
    D = Xp.shape[1]
    nm = Nr // bm
    return pl.pallas_call(
        _combine_body,
        grid=(nm,),
        in_specs=[
            pl.BlockSpec((n_sc, bm, U), lambda m: (0, m, 0)),
            pl.BlockSpec((bm, D), lambda m: (m, 0)),
            pl.BlockSpec((n_sc, D, U), lambda m: (0, 0, 0)),
            pl.BlockSpec((D, U), lambda m: (0, 0)),
            pl.BlockSpec((1, U), lambda m: (0, 0)),
        ],
        out_specs=pl.BlockSpec((bm, U), lambda m: (m, 0)),
        out_shape=jax.ShapeDtypeStruct((Nr, U), jnp.float32),
    )(P, Xp, W, W_0, b.reshape(1, U))



_K = 16


def _make_scatter(Nr, U, n_sc, n_sub, chunk, nb, rpt):
    mesh = plsc.VectorSubcoreMesh(core_axis_name="c", subcore_axis_name="s")
    assert nb % 2 == 0
    kc = _K * chunk

    @functools.partial(
        pl.kernel,
        out_type=jax.ShapeDtypeStruct((n_sc, Nr, U), jnp.float32),
        mesh=mesh,
        scratch_types=[
            pltpu.VMEM((kc,), jnp.int32),
            pltpu.VMEM((kc,), jnp.int32),
            pltpu.VMEM((_K, chunk), jnp.int32),
            pltpu.VMEM((_K, chunk), jnp.int32),
            pltpu.VMEM((chunk, U), jnp.float32),
            pltpu.VMEM((chunk, U), jnp.float32),
            pltpu.VMEM_SHARED((Nr, U), jnp.float32),
            pltpu.SemaphoreType.DMA,
            pltpu.SemaphoreType.DMA,
            pltpu.SemaphoreType.DMA,
            pltpu.SemaphoreType.DMA,
        ],
    )
    def scatter_kernel(x_hbm, src_hbm, dst_hbm, zeros_hbm, out_hbm,
                       sidx0, sidx1, didx0, didx1, rows0, rows1, acc,
                       gsem0, gsem1, isem0, isem1):
        sidx = (sidx0, sidx1)
        didx = (didx0, didx1)
        rows = (rows0, rows1)
        gsem = (gsem0, gsem1)
        isem = (isem0, isem1)
        c = lax.axis_index("c")
        s = lax.axis_index("s")
        wid = s * n_sc + c
        sbase = wid * (nb + 2) * kc
        dbase = wid * (nb + 2) * _K

        def fetch_descs(m, sl):
            return (
                pltpu.make_async_copy(
                    src_hbm.at[pl.ds(sbase + m * kc, kc)], sidx[sl], isem[sl]),
                pltpu.make_async_copy(
                    dst_hbm.at[pl.ds(dbase + m * _K, _K)], didx[sl], isem[sl]),
            )

        def gather_desc(isl, jj, rsl):
            return pltpu.make_async_copy(
                x_hbm.at[sidx[isl].at[pl.ds(jj * chunk, chunk)]],
                rows[rsl], gsem[rsl])

        pltpu.sync_copy(zeros_hbm, acc.at[pl.ds(s * rpt, rpt)])
        for d in fetch_descs(0, 0):
            d.start()
        for d in fetch_descs(0, 0):
            d.wait()
        for d in fetch_descs(1, 1):
            d.start()
        plsc.subcore_barrier()
        gather_desc(0, 0, 0).start()

        def two_batches(m2, carry):
            for mb in range(2):
                m = m2 * 2 + mb
                for jj in range(_K):
                    rsl = jj % 2
                    gather_desc(mb, jj, rsl).wait()
                    if jj < _K - 1:
                        gather_desc(mb, jj + 1, 1 - rsl).start()
                    else:
                        for d in fetch_descs(m + 1, 1 - mb):
                            d.wait()
                        gather_desc(1 - mb, 0, 1 - rsl).start()
                    pltpu.sync_copy(rows[rsl], acc.at[didx[mb].at[jj]],
                                    add=True)
                for d in fetch_descs(m + 2, mb):
                    d.start()
            return carry

        lax.fori_loop(0, nb // 2, two_batches, 0)
        for d in fetch_descs(nb + 1, 1):
            d.wait()
        gather_desc(0, 0, 0).wait()
        plsc.subcore_barrier()
        pltpu.sync_copy(acc.at[pl.ds(s * rpt, rpt)],
                        out_hbm.at[c, pl.ds(s * rpt, rpt)])

    return scatter_kernel



def kernel(X, ref_a, ref_b, W, W_0, b):
    N, D = X.shape
    R, _, U = W.shape
    E = ref_a.shape[1]

    info = plsc.get_sparse_core_info()
    n_sc, n_sub = info.num_cores, info.num_subcores
    chunk = 128
    bm = 512
    Nr = -(-(N + 1) // bm) * bm
    rpt = Nr // n_sub
    assert rpt % 8 == 0 and Nr % bm == 0
    dst_pad = N

    srcs = jnp.concatenate([ref_b, ref_a], axis=1)
    dsts = jnp.concatenate([ref_a, ref_b], axis=1)
    per_rel = 2 * E
    kc = _K * chunk
    cpw = -(-per_rel // (n_sub * chunk))
    cpw = -(-cpw // (2 * _K)) * (2 * _K)
    nb = cpw // _K
    pad = n_sub * cpw * chunk - per_rel
    if pad:
        srcs = jnp.concatenate(
            [srcs, jnp.zeros((R, pad), jnp.int32)], axis=1)
        dsts = jnp.concatenate(
            [dsts, jnp.full((R, pad), dst_pad, jnp.int32)], axis=1)
    srcs = jnp.concatenate(
        [srcs.reshape(n_sc, n_sub, nb * kc),
         jnp.zeros((n_sc, n_sub, 2 * kc), jnp.int32)],
        axis=2).transpose(1, 0, 2).reshape(-1)
    dsts = jnp.concatenate(
        [dsts.reshape(n_sc, n_sub, nb * _K, chunk),
         jnp.full((n_sc, n_sub, 2 * _K, chunk), dst_pad, jnp.int32)],
        axis=2).transpose(1, 0, 2, 3).reshape(-1, chunk)

    zeros_hbm = jnp.zeros((rpt, U), jnp.float32)
    P = _make_scatter(Nr, U, n_sc, n_sub, chunk, nb, rpt)(
        X, srcs, dsts, zeros_hbm)

    Xp = jnp.concatenate([X, jnp.zeros((Nr - N, D), jnp.float32)])
    out = _combine(P, Xp, W, W_0, b, bm)
    return out[:N]

# --- scband reference (transcript-rebuilt; emitter-appended) ---
"""Pipeline reference for scband-rgnnlayer-80221399155533 (READ-ONLY COPY).

The authoritative reference and input builder live on the scoring server;
editing this copy changes nothing except your own understanding.
"""

import jax, jax.numpy as jnp
import numpy as np

N, D, U, R, E = 10000, 128, 128, 2, 160000

def setup_inputs(seed: int = 0) -> dict:
    key = jax.random.key(seed)
    k1, k2, k3, k4, k5 = jax.random.split(key, 5)
    X = jax.random.normal(k1, (N, D), dtype=jnp.float32)
    ref_a = jax.random.randint(k2, (R, E), 0, N, dtype=jnp.int32)
    ref_b = jax.random.randint(k3, (R, E), 0, N, dtype=jnp.int32)
    # Glorot-uniform learned parameters per build(): W [R, D, U], W_0 [D, U], b [U]
    lim = float(np.sqrt(6.0 / (D + U)))
    W = jax.random.uniform(k4, (R, D, U), minval=-lim, maxval=lim, dtype=jnp.float32)
    W_0 = jax.random.uniform(k5, (D, U), minval=-lim, maxval=lim, dtype=jnp.float32)
    b = jnp.zeros((U,), dtype=jnp.float32)
    return {"X": X, "ref_a": ref_a, "ref_b": ref_b, "W": W, "W_0": W_0, "b": b}

def wl1_convolution(X_zero, X, a, b, directed=False):
    # Aggregate neighbor features: X_agg[a] += X[b]; if undirected also X_agg[b] += X[a]
    agg = X_zero.at[a].add(jnp.take(X, b, axis=0))
    if not directed:
        agg = agg.at[b].add(jnp.take(X, a, axis=0))
    return agg

def reference(X, ref_a, ref_b, W, W_0, b):
    X_zero = jnp.zeros_like(X)
    X_aggs = []
    for i in range(R):
        X_agg = wl1_convolution(X_zero, X, ref_a[i], ref_b[i], directed=False)
        X_aggs.append(X_agg @ W[i, :, :])
    # selfloops
    X_aggs.append(X @ W_0)
    X_out = X_aggs[0]
    for t in X_aggs[1:]:
        X_out = X_out + t
    X_out = X_out + b  # bias_add
    X_out = jax.nn.relu(X_out)  # activation
    return X_out

if __name__ == "__main__":
    import jax
    _d = setup_inputs()
    print(jax.jit(kernel)(*tuple(_d.values())))

</pallas_src>

<mosaic_0001>
#map = affine_map<(d0, d1) -> (0, 0)>
#map1 = affine_map<(d0, d1) -> (0)>
#map2 = affine_map<(d0, d1) -> (0, 0, 0)>
module attributes {stable_mosaic.version = 14 : i64} {
  func.func @scatter_kernel(%arg0: i32, %arg1: i32, %arg2: memref<10000x128xf32, #tpu.memory_space<hbm>>, %arg3: memref<786432xi32, #tpu.memory_space<hbm>>, %arg4: memref<6144x128xi32, #tpu.memory_space<hbm>>, %arg5: memref<640x128xf32, #tpu.memory_space<hbm>>, %arg6: memref<2x10240x128xf32, #tpu.memory_space<hbm>>, %arg7: memref<2048xi32, #tpu.memory_space<vmem>>, %arg8: memref<2048xi32, #tpu.memory_space<vmem>>, %arg9: memref<16x128xi32, #tpu.memory_space<vmem>>, %arg10: memref<16x128xi32, #tpu.memory_space<vmem>>, %arg11: memref<128x128xf32, #tpu.memory_space<vmem>>, %arg12: memref<128x128xf32, #tpu.memory_space<vmem>>, %arg13: memref<10240x128xf32, #tpu.memory_space<vmem_shared>>, %arg14: memref<!tpu.dma_semaphore, #tpu.memory_space<semaphore_mem>>, %arg15: memref<!tpu.dma_semaphore, #tpu.memory_space<semaphore_mem>>, %arg16: memref<!tpu.dma_semaphore, #tpu.memory_space<semaphore_mem>>, %arg17: memref<!tpu.dma_semaphore, #tpu.memory_space<semaphore_mem>>) attributes {dimension_semantics = [#tpu.dimension_semantics<core_parallel>, #tpu.dimension_semantics<subcore_parallel>], iteration_bounds = array<i64: 2, 16>, scalar_prefetch = 0 : i64, scratch_operands = 11 : i64, tpu.core_type = #tpu.core_type<sc_vector_subcore>, window_params = [{transform_indices = #map}, {transform_indices = #map1}, {transform_indices = #map}, {transform_indices = #map}, {transform_indices = #map2}]} {
    %mul3A = arith.constant 2 : i32
    %mul3A_0 = arith.muli %arg1, %mul3A : i32
    %add3A = arith.addi %mul3A_0, %arg0 : i32
    %mul3A_1 = arith.constant 12 : i32
    %mul3A_2 = arith.muli %add3A, %mul3A_1 : i32
    %mul3A_3 = arith.constant 2048 : i32
    %mul3A_4 = arith.muli %mul3A_2, %mul3A_3 : i32
    %mul3A_5 = arith.constant 12 : i32
    %mul3A_6 = arith.muli %add3A, %mul3A_5 : i32
    %mul3A_7 = arith.constant 16 : i32
    %mul3A_8 = arith.muli %mul3A_6, %mul3A_7 : i32
    %mul3A_9 = arith.constant 640 : i32
    %mul3A_10 = arith.muli %arg1, %mul3A_9 : i32
    "tpu.region"() ({
      %run_scoped3A = tpu.sem_alloc : memref<!tpu.dma_semaphore, #tpu.memory_space<semaphore_mem>>
      %dma_start3A_69 = arith.constant 0 : i32
      %dma_start3A_70 = tpu.memref_slice %arg13[%mul3A_10, %dma_start3A_69] : memref<10240x128xf32, #tpu.memory_space<vmem_shared>> -> memref<640x128xf32, #tpu.memory_space<vmem_shared>>
      tpu.enqueue_dma source(%arg5 : memref<640x128xf32, #tpu.memory_space<hbm>>) target(%dma_start3A_70 : memref<640x128xf32, #tpu.memory_space<vmem_shared>>) target_semaphore(%run_scoped3A : memref<!tpu.dma_semaphore, #tpu.memory_space<semaphore_mem>>)
      %dma_wait3A_71 = arith.constant 0 : i32
      %dma_wait3A_72 = tpu.memref_slice %arg13[%mul3A_10, %dma_wait3A_71] : memref<10240x128xf32, #tpu.memory_space<vmem_shared>> -> memref<640x128xf32, #tpu.memory_space<vmem_shared>>
      tpu.wait_dma2 semaphore(%run_scoped3A : memref<!tpu.dma_semaphore, #tpu.memory_space<semaphore_mem>>) src(%arg5 : memref<640x128xf32, #tpu.memory_space<hbm>>) dst(%dma_wait3A_72 : memref<640x128xf32, #tpu.memory_space<vmem_shared>>)
      tpu.yield
    }) : () -> ()
    %add3A_11 = arith.constant 0 : i32
    %add3A_12 = arith.addi %mul3A_4, %add3A_11 : i32
    %add3A_13 = arith.constant 0 : i32
    %add3A_14 = arith.addi %mul3A_8, %add3A_13 : i32
    %dma_start3A = tpu.memref_slice %arg3[%add3A_12] : memref<786432xi32, #tpu.memory_space<hbm>> -> memref<2048xi32, #tpu.memory_space<hbm>>
    %dma_start3A_15 = tpu.memref_slice %arg3[%add3A_12] : memref<786432xi32, #tpu.memory_space<hbm>> -> memref<2048xi32, #tpu.memory_space<hbm>>
    tpu.enqueue_dma source(%dma_start3A_15 : memref<2048xi32, #tpu.memory_space<hbm>>) target(%arg7 : memref<2048xi32, #tpu.memory_space<vmem>>) target_semaphore(%arg16 : memref<!tpu.dma_semaphore, #tpu.memory_space<semaphore_mem>>)
    %dma_start3A_16 = arith.constant 0 : i32
    %dma_start3A_17 = tpu.memref_slice %arg4[%add3A_14, %dma_start3A_16] : memref<6144x128xi32, #tpu.memory_space<hbm>> -> memref<16x128xi32, #tpu.memory_space<hbm>>
    %dma_start3A_18 = arith.constant 0 : i32
    %dma_start3A_19 = tpu.memref_slice %arg4[%add3A_14, %dma_start3A_18] : memref<6144x128xi32, #tpu.memory_space<hbm>> -> memref<16x128xi32, #tpu.memory_space<hbm>>
    tpu.enqueue_dma source(%dma_start3A_19 : memref<16x128xi32, #tpu.memory_space<hbm>>) target(%arg9 : memref<16x128xi32, #tpu.memory_space<vmem>>) target_semaphore(%arg16 : memref<!tpu.dma_semaphore, #tpu.memory_space<semaphore_mem>>)
    %add3A_20 = arith.constant 0 : i32
    %add3A_21 = arith.addi %mul3A_4, %add3A_20 : i32
    %add3A_22 = arith.constant 0 : i32
    %add3A_23 = arith.addi %mul3A_8, %add3A_22 : i32
    %dma_wait3A = tpu.memref_slice %arg3[%add3A_21] : memref<786432xi32, #tpu.memory_space<hbm>> -> memref<2048xi32, #tpu.memory_space<hbm>>
    %dma_wait3A_24 = tpu.memref_slice %arg3[%add3A_21] : memref<786432xi32, #tpu.memory_space<hbm>> -> memref<2048xi32, #tpu.memory_space<hbm>>
    tpu.wait_dma2 semaphore(%arg16 : memref<!tpu.dma_semaphore, #tpu.memory_space<semaphore_mem>>) src(%dma_wait3A_24 : memref<2048xi32, #tpu.memory_space<hbm>>) dst(%arg7 : memref<2048xi32, #tpu.memory_space<vmem>>)
    %dma_wait3A_25 = arith.constant 0 : i32
    %dma_wait3A_26 = tpu.memref_slice %arg4[%add3A_23, %dma_wait3A_25] : memref<6144x128xi32, #tpu.memory_space<hbm>> -> memref<16x128xi32, #tpu.memory_space<hbm>>
    %dma_wait3A_27 = arith.constant 0 : i32
    %dma_wait3A_28 = tpu.memref_slice %arg4[%add3A_23, %dma_wait3A_27] : memref<6144x128xi32, #tpu.memory_space<hbm>> -> memref<16x128xi32, #tpu.memory_space<hbm>>
    tpu.wait_dma2 semaphore(%arg16 : memref<!tpu.dma_semaphore, #tpu.memory_space<semaphore_mem>>) src(%dma_wait3A_28 : memref<16x128xi32, #tpu.memory_space<hbm>>) dst(%arg9 : memref<16x128xi32, #tpu.memory_space<vmem>>)
    %add3A_29 = arith.constant 2048 : i32
    %add3A_30 = arith.addi %mul3A_4, %add3A_29 : i32
    %add3A_31 = arith.constant 16 : i32
    %add3A_32 = arith.addi %mul3A_8, %add3A_31 : i32
    %dma_start3A_33 = tpu.memref_slice %arg3[%add3A_30] : memref<786432xi32, #tpu.memory_space<hbm>> -> memref<2048xi32, #tpu.memory_space<hbm>>
    %dma_start3A_34 = tpu.memref_slice %arg3[%add3A_30] : memref<786432xi32, #tpu.memory_space<hbm>> -> memref<2048xi32, #tpu.memory_space<hbm>>
    tpu.enqueue_dma source(%dma_start3A_34 : memref<2048xi32, #tpu.memory_space<hbm>>) target(%arg8 : memref<2048xi32, #tpu.memory_space<vmem>>) target_semaphore(%arg17 : memref<!tpu.dma_semaphore, #tpu.memory_space<semaphore_mem>>)
    %dma_start3A_35 = arith.constant 0 : i32
    %dma_start3A_36 = tpu.memref_slice %arg4[%add3A_32, %dma_start3A_35] : memref<6144x128xi32, #tpu.memory_space<hbm>> -> memref<16x128xi32, #tpu.memory_space<hbm>>
    %dma_start3A_37 = arith.constant 0 : i32
    %dma_start3A_38 = tpu.memref_slice %arg4[%add3A_32, %dma_start3A_37] : memref<6144x128xi32, #tpu.memory_space<hbm>> -> memref<16x128xi32, #tpu.memory_space<hbm>>
    tpu.enqueue_dma source(%dma_start3A_38 : memref<16x128xi32, #tpu.memory_space<hbm>>) target(%arg10 : memref<16x128xi32, #tpu.memory_space<vmem>>) target_semaphore(%arg17 : memref<!tpu.dma_semaphore, #tpu.memory_space<semaphore_mem>>)
    %barrier3A = arith.constant 0 : index
    tpu.barrier barrier_id(%barrier3A)
    %dma_start3A_39 = arith.constant 0 : i32
    %dma_start3A_40 = tpu.memref_slice %arg7[%dma_start3A_39] : memref<2048xi32, #tpu.memory_space<vmem>> -> memref<128xi32, #tpu.memory_space<vmem>>
    %dma_start3A_41 = arith.constant 0 : i32
    %dma_start3A_42 = arith.constant 0 : i32
    %dma_start3A_43 = tpu.memref_slice %arg2[%dma_start3A_41, %dma_start3A_42] : memref<10000x128xf32, #tpu.memory_space<hbm>> -> memref<10000x128xf32, #tpu.memory_space<hbm>>
    tpu.enqueue_indirect_dma source(%dma_start3A_43 : memref<10000x128xf32, #tpu.memory_space<hbm>>) target(%arg11 : memref<128x128xf32, #tpu.memory_space<vmem>>) offsets(%dma_start3A_40 : memref<128xi32, #tpu.memory_space<vmem>>) semaphore(%arg14 : memref<!tpu.dma_semaphore, #tpu.memory_space<semaphore_mem>>)
    %scan3A = arith.constant 0 : i32
    %scan3A_44 = arith.constant 0 : i32
    %scan3A_45 = arith.constant 5 : i32
    %scan3A_46 = arith.addi %scan3A_44, %scan3A_45 : i32
    %scan3A_47 = arith.constant 1 : i32
    scf.for %scan3A_69 = %scan3A_44 to %scan3A_46 step %scan3A_47  : i32 {
      %mul3A_70 = arith.constant 2 : i32
      %mul3A_71 = arith.muli %scan3A_69, %mul3A_70 : i32
      %add3A_72 = arith.constant 0 : i32
      %add3A_73 = arith.addi %mul3A_71, %add3A_72 : i32
      %dma_wait3A_74 = arith.constant 0 : i32
      %dma_wait3A_75 = tpu.memref_slice %arg7[%dma_wait3A_74] : memref<2048xi32, #tpu.memory_space<vmem>> -> memref<128xi32, #tpu.memory_space<vmem>>
      %dma_wait3A_76 = arith.constant 0 : i32
      %dma_wait3A_77 = arith.constant 0 : i32
      %dma_wait3A_78 = tpu.memref_slice %arg2[%dma_wait3A_76, %dma_wait3A_77] : memref<10000x128xf32, #tpu.memory_space<hbm>> -> memref<10000x128xf32, #tpu.memory_space<hbm>>
      tpu.wait_indirect_dma semaphore(%arg14 : memref<!tpu.dma_semaphore, #tpu.memory_space<semaphore_mem>>) src(%dma_wait3A_78 : memref<10000x128xf32, #tpu.memory_space<hbm>>) dst(%arg11 : memref<128x128xf32, #tpu.memory_space<vmem>>)
      %dma_start3A_79 = arith.constant 128 : i32
      %dma_start3A_80 = tpu.memref_slice %arg7[%dma_start3A_79] : memref<2048xi32, #tpu.memory_space<vmem>> -> memref<128xi32, #tpu.memory_space<vmem>>
      %dma_start3A_81 = arith.constant 0 : i32
      %dma_start3A_82 = arith.constant 0 : i32
      %dma_start3A_83 = tpu.memref_slice %arg2[%dma_start3A_81, %dma_start3A_82] : memref<10000x128xf32, #tpu.memory_space<hbm>> -> memref<10000x128xf32, #tpu.memory_space<hbm>>
      tpu.enqueue_indirect_dma source(%dma_start3A_83 : memref<10000x128xf32, #tpu.memory_space<hbm>>) target(%arg12 : memref<128x128xf32, #tpu.memory_space<vmem>>) offsets(%dma_start3A_80 : memref<128xi32, #tpu.memory_space<vmem>>) semaphore(%arg15 : memref<!tpu.dma_semaphore, #tpu.memory_space<semaphore_mem>>)
      %run_scoped3A = arith.constant 0 : i32
      "tpu.region"() ({
        %run_scoped3A_485 = tpu.sem_alloc : memref<!tpu.dma_semaphore, #tpu.memory_space<semaphore_mem>>
        %dma_start3A_486 = arith.constant 0 : i32
        %dma_start3A_487 = tpu.memref_slice %arg9[%run_scoped3A, %dma_start3A_486] : memref<16x128xi32, #tpu.memory_space<vmem>> -> memref<1x128xi32, #tpu.memory_space<vmem>>
        %dma_start3A_488 = tpu.memref_squeeze %dma_start3A_487 : memref<1x128xi32, #tpu.memory_space<vmem>> -> memref<128xi32, #tpu.memory_space<vmem>>
        %dma_start3A_489 = arith.constant 0 : i32
        %dma_start3A_490 = arith.constant 0 : i32
        %dma_start3A_491 = tpu.memref_slice %arg13[%dma_start3A_489, %dma_start3A_490] : memref<10240x128xf32, #tpu.memory_space<vmem_shared>> -> memref<10240x128xf32, #tpu.memory_space<vmem_shared>>
        tpu.enqueue_indirect_dma source(%arg11 : memref<128x128xf32, #tpu.memory_space<vmem>>) target(%dma_start3A_491 : memref<10240x128xf32, #tpu.memory_space<vmem_shared>>) offsets(%dma_start3A_488 : memref<128xi32, #tpu.memory_space<vmem>>) semaphore(%run_scoped3A_485 : memref<!tpu.dma_semaphore, #tpu.memory_space<semaphore_mem>>) {add = true}
        %dma_wait3A_492 = arith.constant 0 : i32
        %dma_wait3A_493 = tpu.memref_slice %arg9[%run_scoped3A, %dma_wait3A_492] : memref<16x128xi32, #tpu.memory_space<vmem>> -> memref<1x128xi32, #tpu.memory_space<vmem>>
        %dma_wait3A_494 = tpu.memref_squeeze %dma_wait3A_493 : memref<1x128xi32, #tpu.memory_space<vmem>> -> memref<128xi32, #tpu.memory_space<vmem>>
        %dma_wait3A_495 = arith.constant 0 : i32
        %dma_wait3A_496 = arith.constant 0 : i32
        %dma_wait3A_497 = tpu.memref_slice %arg13[%dma_wait3A_495, %dma_wait3A_496] : memref<10240x128xf32, #tpu.memory_space<vmem_shared>> -> memref<10240x128xf32, #tpu.memory_space<vmem_shared>>
        tpu.wait_indirect_dma semaphore(%run_scoped3A_485 : memref<!tpu.dma_semaphore, #tpu.memory_space<semaphore_mem>>) src(%arg11 : memref<128x128xf32, #tpu.memory_space<vmem>>) dst(%dma_wait3A_497 : memref<10240x128xf32, #tpu.memory_space<vmem_shared>>)
        tpu.yield
      }) : () -> ()
      %dma_wait3A_84 = arith.constant 128 : i32
      %dma_wait3A_85 = tpu.memref_slice %arg7[%dma_wait3A_84] : memref<2048xi32, #tpu.memory_space<vmem>> -> memref<128xi32, #tpu.memory_space<vmem>>
      %dma_wait3A_86 = arith.constant 0 : i32
      %dma_wait3A_87 = arith.constant 0 : i32
      %dma_wait3A_88 = tpu.memref_slice %arg2[%dma_wait3A_86, %dma_wait3A_87] : memref<10000x128xf32, #tpu.memory_space<hbm>> -> memref<10000x128xf32, #tpu.memory_space<hbm>>
      tpu.wait_indirect_dma semaphore(%arg15 : memref<!tpu.dma_semaphore, #tpu.memory_space<semaphore_mem>>) src(%dma_wait3A_88 : memref<10000x128xf32, #tpu.memory_space<hbm>>) dst(%arg12 : memref<128x128xf32, #tpu.memory_space<vmem>>)
      %dma_start3A_89 = arith.constant 256 : i32
      %dma_start3A_90 = tpu.memref_slice %arg7[%dma_start3A_89] : memref<2048xi32, #tpu.memory_space<vmem>> -> memref<128xi32, #tpu.memory_space<vmem>>
      %dma_start3A_91 = arith.constant 0 : i32
      %dma_start3A_92 = arith.constant 0 : i32
      %dma_start3A_93 = tpu.memref_slice %arg2[%dma_start3A_91, %dma_start3A_92] : memref<10000x128xf32, #tpu.memory_space<hbm>> -> memref<10000x128xf32, #tpu.memory_space<hbm>>
      tpu.enqueue_indirect_dma source(%dma_start3A_93 : memref<10000x128xf32, #tpu.memory_space<hbm>>) target(%arg11 : memref<128x128xf32, #tpu.memory_space<vmem>>) offsets(%dma_start3A_90 : memref<128xi32, #tpu.memory_space<vmem>>) semaphore(%arg14 : memref<!tpu.dma_semaphore, #tpu.memory_space<semaphore_mem>>)
      %run_scoped3A_94 = arith.constant 1 : i32
      "tpu.region"() ({
        %run_scoped3A_485 = tpu.sem_alloc : memref<!tpu.dma_semaphore, #tpu.memory_space<semaphore_mem>>
        %dma_start3A_486 = arith.constant 0 : i32
        %dma_start3A_487 = tpu.memref_slice %arg9[%run_scoped3A_94, %dma_start3A_486] : memref<16x128xi32, #tpu.memory_space<vmem>> -> memref<1x128xi32, #tpu.memory_space<vmem>>
        %dma_start3A_488 = tpu.memref_squeeze %dma_start3A_487 : memref<1x128xi32, #tpu.memory_space<vmem>> -> memref<128xi32, #tpu.memory_space<vmem>>
        %dma_start3A_489 = arith.constant 0 : i32
        %dma_start3A_490 = arith.constant 0 : i32
        %dma_start3A_491 = tpu.memref_slice %arg13[%dma_start3A_489, %dma_start3A_490] : memref<10240x128xf32, #tpu.memory_space<vmem_shared>> -> memref<10240x128xf32, #tpu.memory_space<vmem_shared>>
        tpu.enqueue_indirect_dma source(%arg12 : memref<128x128xf32, #tpu.memory_space<vmem>>) target(%dma_start3A_491 : memref<10240x128xf32, #tpu.memory_space<vmem_shared>>) offsets(%dma_start3A_488 : memref<128xi32, #tpu.memory_space<vmem>>) semaphore(%run_scoped3A_485 : memref<!tpu.dma_semaphore, #tpu.memory_space<semaphore_mem>>) {add = true}
        %dma_wait3A_492 = arith.constant 0 : i32
        %dma_wait3A_493 = tpu.memref_slice %arg9[%run_scoped3A_94, %dma_wait3A_492] : memref<16x128xi32, #tpu.memory_space<vmem>> -> memref<1x128xi32, #tpu.memory_space<vmem>>
        %dma_wait3A_494 = tpu.memref_squeeze %dma_wait3A_493 : memref<1x128xi32, #tpu.memory_space<vmem>> -> memref<128xi32, #tpu.memory_space<vmem>>
        %dma_wait3A_495 = arith.constant 0 : i32
        %dma_wait3A_496 = arith.constant 0 : i32
        %dma_wait3A_497 = tpu.memref_slice %arg13[%dma_wait3A_495, %dma_wait3A_496] : memref<10240x128xf32, #tpu.memory_space<vmem_shared>> -> memref<10240x128xf32, #tpu.memory_space<vmem_shared>>
        tpu.wait_indirect_dma semaphore(%run_scoped3A_485 : memref<!tpu.dma_semaphore, #tpu.memory_space<semaphore_mem>>) src(%arg12 : memref<128x128xf32, #tpu.memory_space<vmem>>) dst(%dma_wait3A_497 : memref<10240x128xf32, #tpu.memory_space<vmem_shared>>)
        tpu.yield
      }) : () -> ()
      %dma_wait3A_95 = arith.constant 256 : i32
      %dma_wait3A_96 = tpu.memref_slice %arg7[%dma_wait3A_95] : memref<2048xi32, #tpu.memory_space<vmem>> -> memref<128xi32, #tpu.memory_space<vmem>>
      %dma_wait3A_97 = arith.constant 0 : i32
      %dma_wait3A_98 = arith.constant 0 : i32
      %dma_wait3A_99 = tpu.memref_slice %arg2[%dma_wait3A_97, %dma_wait3A_98] : memref<10000x128xf32, #tpu.memory_space<hbm>> -> memref<10000x128xf32, #tpu.memory_space<hbm>>
      tpu.wait_indirect_dma semaphore(%arg14 : memref<!tpu.dma_semaphore, #tpu.memory_space<semaphore_mem>>) src(%dma_wait3A_99 : memref<10000x128xf32, #tpu.memory_space<hbm>>) dst(%arg11 : memref<128x128xf32, #tpu.memory_space<vmem>>)
      %dma_start3A_100 = arith.constant 384 : i32
      %dma_start3A_101 = tpu.memref_slice %arg7[%dma_start3A_100] : memref<2048xi32, #tpu.memory_space<vmem>> -> memref<128xi32, #tpu.memory_space<vmem>>
      %dma_start3A_102 = arith.constant 0 : i32
      %dma_start3A_103 = arith.constant 0 : i32
      %dma_start3A_104 = tpu.memref_slice %arg2[%dma_start3A_102, %dma_start3A_103] : memref<10000x128xf32, #tpu.memory_space<hbm>> -> memref<10000x128xf32, #tpu.memory_space<hbm>>
      tpu.enqueue_indirect_dma source(%dma_start3A_104 : memref<10000x128xf32, #tpu.memory_space<hbm>>) target(%arg12 : memref<128x128xf32, #tpu.memory_space<vmem>>) offsets(%dma_start3A_101 : memref<128xi32, #tpu.memory_space<vmem>>) semaphore(%arg15 : memref<!tpu.dma_semaphore, #tpu.memory_space<semaphore_mem>>)
      %run_scoped3A_105 = arith.constant 2 : i32
      "tpu.region"() ({
        %run_scoped3A_485 = tpu.sem_alloc : memref<!tpu.dma_semaphore, #tpu.memory_space<semaphore_mem>>
        %dma_start3A_486 = arith.constant 0 : i32
        %dma_start3A_487 = tpu.memref_slice %arg9[%run_scoped3A_105, %dma_start3A_486] : memref<16x128xi32, #tpu.memory_space<vmem>> -> memref<1x128xi32, #tpu.memory_space<vmem>>
        %dma_start3A_488 = tpu.memref_squeeze %dma_start3A_487 : memref<1x128xi32, #tpu.memory_space<vmem>> -> memref<128xi32, #tpu.memory_space<vmem>>
        %dma_start3A_489 = arith.constant 0 : i32
        %dma_start3A_490 = arith.constant 0 : i32
        %dma_start3A_491 = tpu.memref_slice %arg13[%dma_start3A_489, %dma_start3A_490] : memref<10240x128xf32, #tpu.memory_space<vmem_shared>> -> memref<10240x128xf32, #tpu.memory_space<vmem_shared>>
        tpu.enqueue_indirect_dma source(%arg11 : memref<128x128xf32, #tpu.memory_space<vmem>>) target(%dma_start3A_491 : memref<10240x128xf32, #tpu.memory_space<vmem_shared>>) offsets(%dma_start3A_488 : memref<128xi32, #tpu.memory_space<vmem>>) semaphore(%run_scoped3A_485 : memref<!tpu.dma_semaphore, #tpu.memory_space<semaphore_mem>>) {add = true}
        %dma_wait3A_492 = arith.constant 0 : i32
        %dma_wait3A_493 = tpu.memref_slice %arg9[%run_scoped3A_105, %dma_wait3A_492] : memref<16x128xi32, #tpu.memory_space<vmem>> -> memref<1x128xi32, #tpu.memory_space<vmem>>
        %dma_wait3A_494 = tpu.memref_squeeze %dma_wait3A_493 : memref<1x128xi32, #tpu.memory_space<vmem>> -> memref<128xi32, #tpu.memory_space<vmem>>
        %dma_wait3A_495 = arith.constant 0 : i32
        %dma_wait3A_496 = arith.constant 0 : i32
        %dma_wait3A_497 = tpu.memref_slice %arg13[%dma_wait3A_495, %dma_wait3A_496] : memref<10240x128xf32, #tpu.memory_space<vmem_shared>> -> memref<10240x128xf32, #tpu.memory_space<vmem_shared>>
        tpu.wait_indirect_dma semaphore(%run_scoped3A_485 : memref<!tpu.dma_semaphore, #tpu.memory_space<semaphore_mem>>) src(%arg11 : memref<128x128xf32, #tpu.memory_space<vmem>>) dst(%dma_wait3A_497 : memref<10240x128xf32, #tpu.memory_space<vmem_shared>>)
        tpu.yield
      }) : () -> ()
      %dma_wait3A_106 = arith.constant 384 : i32
      %dma_wait3A_107 = tpu.memref_slice %arg7[%dma_wait3A_106] : memref<2048xi32, #tpu.memory_space<vmem>> -> memref<128xi32, #tpu.memory_space<vmem>>
      %dma_wait3A_108 = arith.constant 0 : i32
      %dma_wait3A_109 = arith.constant 0 : i32
      %dma_wait3A_110 = tpu.memref_slice %arg2[%dma_wait3A_108, %dma_wait3A_109] : memref<10000x128xf32, #tpu.memory_space<hbm>> -> memref<10000x128xf32, #tpu.memory_space<hbm>>
      tpu.wait_indirect_dma semaphore(%arg15 : memref<!tpu.dma_semaphore, #tpu.memory_space<semaphore_mem>>) src(%dma_wait3A_110 : memref<10000x128xf32, #tpu.memory_space<hbm>>) dst(%arg12 : memref<128x128xf32, #tpu.memory_space<vmem>>)
      %dma_start3A_111 = arith.constant 512 : i32
      %dma_start3A_112 = tpu.memref_slice %arg7[%dma_start3A_111] : memref<2048xi32, #tpu.memory_space<vmem>> -> memref<128xi32, #tpu.memory_space<vmem>>
      %dma_start3A_113 = arith.constant 0 : i32
      %dma_start3A_114 = arith.constant 0 : i32
      %dma_start3A_115 = tpu.memref_slice %arg2[%dma_start3A_113, %dma_start3A_114] : memref<10000x128xf32, #tpu.memory_space<hbm>> -> memref<10000x128xf32, #tpu.memory_space<hbm>>
      tpu.enqueue_indirect_dma source(%dma_start3A_115 : memref<10000x128xf32, #tpu.memory_space<hbm>>) target(%arg11 : memref<128x128xf32, #tpu.memory_space<vmem>>) offsets(%dma_start3A_112 : memref<128xi32, #tpu.memory_space<vmem>>) semaphore(%arg14 : memref<!tpu.dma_semaphore, #tpu.memory_space<semaphore_mem>>)
      %run_scoped3A_116 = arith.constant 3 : i32
      "tpu.region"() ({
        %run_scoped3A_485 = tpu.sem_alloc : memref<!tpu.dma_semaphore, #tpu.memory_space<semaphore_mem>>
        %dma_start3A_486 = arith.constant 0 : i32
        %dma_start3A_487 = tpu.memref_slice %arg9[%run_scoped3A_116, %dma_start3A_486] : memref<16x128xi32, #tpu.memory_space<vmem>> -> memref<1x128xi32, #tpu.memory_space<vmem>>
        %dma_start3A_488 = tpu.memref_squeeze %dma_start3A_487 : memref<1x128xi32, #tpu.memory_space<vmem>> -> memref<128xi32, #tpu.memory_space<vmem>>
        %dma_start3A_489 = arith.constant 0 : i32
        %dma_start3A_490 = arith.constant 0 : i32
        %dma_start3A_491 = tpu.memref_slice %arg13[%dma_start3A_489, %dma_start3A_490] : memref<10240x128xf32, #tpu.memory_space<vmem_shared>> -> memref<10240x128xf32, #tpu.memory_space<vmem_shared>>
        tpu.enqueue_indirect_dma source(%arg12 : memref<128x128xf32, #tpu.memory_space<vmem>>) target(%dma_start3A_491 : memref<10240x128xf32, #tpu.memory_space<vmem_shared>>) offsets(%dma_start3A_488 : memref<128xi32, #tpu.memory_space<vmem>>) semaphore(%run_scoped3A_485 : memref<!tpu.dma_semaphore, #tpu.memory_space<semaphore_mem>>) {add = true}
        %dma_wait3A_492 = arith.constant 0 : i32
        %dma_wait3A_493 = tpu.memref_slice %arg9[%run_scoped3A_116, %dma_wait3A_492] : memref<16x128xi32, #tpu.memory_space<vmem>> -> memref<1x128xi32, #tpu.memory_space<vmem>>
        %dma_wait3A_494 = tpu.memref_squeeze %dma_wait3A_493 : memref<1x128xi32, #tpu.memory_space<vmem>> -> memref<128xi32, #tpu.memory_space<vmem>>
        %dma_wait3A_495 = arith.constant 0 : i32
        %dma_wait3A_496 = arith.constant 0 : i32
        %dma_wait3A_497 = tpu.memref_slice %arg13[%dma_wait3A_495, %dma_wait3A_496] : memref<10240x128xf32, #tpu.memory_space<vmem_shared>> -> memref<10240x128xf32, #tpu.memory_space<vmem_shared>>
        tpu.wait_indirect_dma semaphore(%run_scoped3A_485 : memref<!tpu.dma_semaphore, #tpu.memory_space<semaphore_mem>>) src(%arg12 : memref<128x128xf32, #tpu.memory_space<vmem>>) dst(%dma_wait3A_497 : memref<10240x128xf32, #tpu.memory_space<vmem_shared>>)
        tpu.yield
      }) : () -> ()
      %dma_wait3A_117 = arith.constant 512 : i32
      %dma_wait3A_118 = tpu.memref_slice %arg7[%dma_wait3A_117] : memref<2048xi32, #tpu.memory_space<vmem>> -> memref<128xi32, #tpu.memory_space<vmem>>
      %dma_wait3A_119 = arith.constant 0 : i32
      %dma_wait3A_120 = arith.constant 0 : i32
      %dma_wait3A_121 = tpu.memref_slice %arg2[%dma_wait3A_119, %dma_wait3A_120] : memref<10000x128xf32, #tpu.memory_space<hbm>> -> memref<10000x128xf32, #tpu.memory_space<hbm>>
      tpu.wait_indirect_dma semaphore(%arg14 : memref<!tpu.dma_semaphore, #tpu.memory_space<semaphore_mem>>) src(%dma_wait3A_121 : memref<10000x128xf32, #tpu.memory_space<hbm>>) dst(%arg11 : memref<128x128xf32, #tpu.memory_space<vmem>>)
      %dma_start3A_122 = arith.constant 640 : i32
      %dma_start3A_123 = tpu.memref_slice %arg7[%dma_start3A_122] : memref<2048xi32, #tpu.memory_space<vmem>> -> memref<128xi32, #tpu.memory_space<vmem>>
      %dma_start3A_124 = arith.constant 0 : i32
      %dma_start3A_125 = arith.constant 0 : i32
      %dma_start3A_126 = tpu.memref_slice %arg2[%dma_start3A_124, %dma_start3A_125] : memref<10000x128xf32, #tpu.memory_space<hbm>> -> memref<10000x128xf32, #tpu.memory_space<hbm>>
      tpu.enqueue_indirect_dma source(%dma_start3A_126 : memref<10000x128xf32, #tpu.memory_space<hbm>>) target(%arg12 : memref<128x128xf32, #tpu.memory_space<vmem>>) offsets(%dma_start3A_123 : memref<128xi32, #tpu.memory_space<vmem>>) semaphore(%arg15 : memref<!tpu.dma_semaphore, #tpu.memory_space<semaphore_mem>>)
      %run_scoped3A_127 = arith.constant 4 : i32
      "tpu.region"() ({
        %run_scoped3A_485 = tpu.sem_alloc : memref<!tpu.dma_semaphore, #tpu.memory_space<semaphore_mem>>
        %dma_start3A_486 = arith.constant 0 : i32
        %dma_start3A_487 = tpu.memref_slice %arg9[%run_scoped3A_127, %dma_start3A_486] : memref<16x128xi32, #tpu.memory_space<vmem>> -> memref<1x128xi32, #tpu.memory_space<vmem>>
        %dma_start3A_488 = tpu.memref_squeeze %dma_start3A_487 : memref<1x128xi32, #tpu.memory_space<vmem>> -> memref<128xi32, #tpu.memory_space<vmem>>
        %dma_start3A_489 = arith.constant 0 : i32
        %dma_start3A_490 = arith.constant 0 : i32
        %dma_start3A_491 = tpu.memref_slice %arg13[%dma_start3A_489, %dma_start3A_490] : memref<10240x128xf32, #tpu.memory_space<vmem_shared>> -> memref<10240x128xf32, #tpu.memory_space<vmem_shared>>
        tpu.enqueue_indirect_dma source(%arg11 : memref<128x128xf32, #tpu.memory_space<vmem>>) target(%dma_start3A_491 : memref<10240x128xf32, #tpu.memory_space<vmem_shared>>) offsets(%dma_start3A_488 : memref<128xi32, #tpu.memory_space<vmem>>) semaphore(%run_scoped3A_485 : memref<!tpu.dma_semaphore, #tpu.memory_space<semaphore_mem>>) {add = true}
        %dma_wait3A_492 = arith.constant 0 : i32
        %dma_wait3A_493 = tpu.memref_slice %arg9[%run_scoped3A_127, %dma_wait3A_492] : memref<16x128xi32, #tpu.memory_space<vmem>> -> memref<1x128xi32, #tpu.memory_space<vmem>>
        %dma_wait3A_494 = tpu.memref_squeeze %dma_wait3A_493 : memref<1x128xi32, #tpu.memory_space<vmem>> -> memref<128xi32, #tpu.memory_space<vmem>>
        %dma_wait3A_495 = arith.constant 0 : i32
        %dma_wait3A_496 = arith.constant 0 : i32
        %dma_wait3A_497 = tpu.memref_slice %arg13[%dma_wait3A_495, %dma_wait3A_496] : memref<10240x128xf32, #tpu.memory_space<vmem_shared>> -> memref<10240x128xf32, #tpu.memory_space<vmem_shared>>
        tpu.wait_indirect_dma semaphore(%run_scoped3A_485 : memref<!tpu.dma_semaphore, #tpu.memory_space<semaphore_mem>>) src(%arg11 : memref<128x128xf32, #tpu.memory_space<vmem>>) dst(%dma_wait3A_497 : memref<10240x128xf32, #tpu.memory_space<vmem_shared>>)
        tpu.yield
      }) : () -> ()
      %dma_wait3A_128 = arith.constant 640 : i32
      %dma_wait3A_129 = tpu.memref_slice %arg7[%dma_wait3A_128] : memref<2048xi32, #tpu.memory_space<vmem>> -> memref<128xi32, #tpu.memory_space<vmem>>
      %dma_wait3A_130 = arith.constant 0 : i32
      %dma_wait3A_131 = arith.constant 0 : i32
      %dma_wait3A_132 = tpu.memref_slice %arg2[%dma_wait3A_130, %dma_wait3A_131] : memref<10000x128xf32, #tpu.memory_space<hbm>> -> memref<10000x128xf32, #tpu.memory_space<hbm>>
      tpu.wait_indirect_dma semaphore(%arg15 : memref<!tpu.dma_semaphore, #tpu.memory_space<semaphore_mem>>) src(%dma_wait3A_132 : memref<10000x128xf32, #tpu.memory_space<hbm>>) dst(%arg12 : memref<128x128xf32, #tpu.memory_space<vmem>>)
      %dma_start3A_133 = arith.constant 768 : i32
      %dma_start3A_134 = tpu.memref_slice %arg7[%dma_start3A_133] : memref<2048xi32, #tpu.memory_space<vmem>> -> memref<128xi32, #tpu.memory_space<vmem>>
      %dma_start3A_135 = arith.constant 0 : i32
      %dma_start3A_136 = arith.constant 0 : i32
      %dma_start3A_137 = tpu.memref_slice %arg2[%dma_start3A_135, %dma_start3A_136] : memref<10000x128xf32, #tpu.memory_space<hbm>> -> memref<10000x128xf32, #tpu.memory_space<hbm>>
      tpu.enqueue_indirect_dma source(%dma_start3A_137 : memref<10000x128xf32, #tpu.memory_space<hbm>>) target(%arg11 : memref<128x128xf32, #tpu.memory_space<vmem>>) offsets(%dma_start3A_134 : memref<128xi32, #tpu.memory_space<vmem>>) semaphore(%arg14 : memref<!tpu.dma_semaphore, #tpu.memory_space<semaphore_mem>>)
      %run_scoped3A_138 = arith.constant 5 : i32
      "tpu.region"() ({
        %run_scoped3A_485 = tpu.sem_alloc : memref<!tpu.dma_semaphore, #tpu.memory_space<semaphore_mem>>
        %dma_start3A_486 = arith.constant 0 : i32
        %dma_start3A_487 = tpu.memref_slice %arg9[%run_scoped3A_138, %dma_start3A_486] : memref<16x128xi32, #tpu.memory_space<vmem>> -> memref<1x128xi32, #tpu.memory_space<vmem>>
        %dma_start3A_488 = tpu.memref_squeeze %dma_start3A_487 : memref<1x128xi32, #tpu.memory_space<vmem>> -> memref<128xi32, #tpu.memory_space<vmem>>
        %dma_start3A_489 = arith.constant 0 : i32
        %dma_start3A_490 = arith.constant 0 : i32
        %dma_start3A_491 = tpu.memref_slice %arg13[%dma_start3A_489, %dma_start3A_490] : memref<10240x128xf32, #tpu.memory_space<vmem_shared>> -> memref<10240x128xf32, #tpu.memory_space<vmem_shared>>
        tpu.enqueue_indirect_dma source(%arg12 : memref<128x128xf32, #tpu.memory_space<vmem>>) target(%dma_start3A_491 : memref<10240x128xf32, #tpu.memory_space<vmem_shared>>) offsets(%dma_start3A_488 : memref<128xi32, #tpu.memory_space<vmem>>) semaphore(%run_scoped3A_485 : memref<!tpu.dma_semaphore, #tpu.memory_space<semaphore_mem>>) {add = true}
        %dma_wait3A_492 = arith.constant 0 : i32
        %dma_wait3A_493 = tpu.memref_slice %arg9[%run_scoped3A_138, %dma_wait3A_492] : memref<16x128xi32, #tpu.memory_space<vmem>> -> memref<1x128xi32, #tpu.memory_space<vmem>>
        %dma_wait3A_494 = tpu.memref_squeeze %dma_wait3A_493 : memref<1x128xi32, #tpu.memory_space<vmem>> -> memref<128xi32, #tpu.memory_space<vmem>>
        %dma_wait3A_495 = arith.constant 0 : i32
        %dma_wait3A_496 = arith.constant 0 : i32
        %dma_wait3A_497 = tpu.memref_slice %arg13[%dma_wait3A_495, %dma_wait3A_496] : memref<10240x128xf32, #tpu.memory_space<vmem_shared>> -> memref<10240x128xf32, #tpu.memory_space<vmem_shared>>
        tpu.wait_indirect_dma semaphore(%run_scoped3A_485 : memref<!tpu.dma_semaphore, #tpu.memory_space<semaphore_mem>>) src(%arg12 : memref<128x128xf32, #tpu.memory_space<vmem>>) dst(%dma_wait3A_497 : memref<10240x128xf32, #tpu.memory_space<vmem_shared>>)
        tpu.yield
      }) : () -> ()
      %dma_wait3A_139 = arith.constant 768 : i32
      %dma_wait3A_140 = tpu.memref_slice %arg7[%dma_wait3A_139] : memref<2048xi32, #tpu.memory_space<vmem>> -> memref<128xi32, #tpu.memory_space<vmem>>
      %dma_wait3A_141 = arith.constant 0 : i32
      %dma_wait3A_142 = arith.constant 0 : i32
      %dma_wait3A_143 = tpu.memref_slice %arg2[%dma_wait3A_141, %dma_wait3A_142] : memref<10000x128xf32, #tpu.memory_space<hbm>> -> memref<10000x128xf32, #tpu.memory_space<hbm>>
      tpu.wait_indirect_dma semaphore(%arg14 : memref<!tpu.dma_semaphore, #tpu.memory_space<semaphore_mem>>) src(%dma_wait3A_143 : memref<10000x128xf32, #tpu.memory_space<hbm>>) dst(%arg11 : memref<128x128xf32, #tpu.memory_space<vmem>>)
      %dma_start3A_144 = arith.constant 896 : i32
      %dma_start3A_145 = tpu.memref_slice %arg7[%dma_start3A_144] : memref<2048xi32, #tpu.memory_space<vmem>> -> memref<128xi32, #tpu.memory_space<vmem>>
      %dma_start3A_146 = arith.constant 0 : i32
      %dma_start3A_147 = arith.constant 0 : i32
      %dma_start3A_148 = tpu.memref_slice %arg2[%dma_start3A_146, %dma_start3A_147] : memref<10000x128xf32, #tpu.memory_space<hbm>> -> memref<10000x128xf32, #tpu.memory_space<hbm>>
      tpu.enqueue_indirect_dma source(%dma_start3A_148 : memref<10000x128xf32, #tpu.memory_space<hbm>>) target(%arg12 : memref<128x128xf32, #tpu.memory_space<vmem>>) offsets(%dma_start3A_145 : memref<128xi32, #tpu.memory_space<vmem>>) semaphore(%arg15 : memref<!tpu.dma_semaphore, #tpu.memory_space<semaphore_mem>>)
      %run_scoped3A_149 = arith.constant 6 : i32
      "tpu.region"() ({
        %run_scoped3A_485 = tpu.sem_alloc : memref<!tpu.dma_semaphore, #tpu.memory_space<semaphore_mem>>
        %dma_start3A_486 = arith.constant 0 : i32
        %dma_start3A_487 = tpu.memref_slice %arg9[%run_scoped3A_149, %dma_start3A_486] : memref<16x128xi32, #tpu.memory_space<vmem>> -> memref<1x128xi32, #tpu.memory_space<vmem>>
        %dma_start3A_488 = tpu.memref_squeeze %dma_start3A_487 : memref<1x128xi32, #tpu.memory_space<vmem>> -> memref<128xi32, #tpu.memory_space<vmem>>
        %dma_start3A_489 = arith.constant 0 : i32
        %dma_start3A_490 = arith.constant 0 : i32
        %dma_start3A_491 = tpu.memref_slice %arg13[%dma_start3A_489, %dma_start3A_490] : memref<10240x128xf32, #tpu.memory_space<vmem_shared>> -> memref<10240x128xf32, #tpu.memory_space<vmem_shared>>
        tpu.enqueue_indirect_dma source(%arg11 : memref<128x128xf32, #tpu.memory_space<vmem>>) target(%dma_start3A_491 : memref<10240x128xf32, #tpu.memory_space<vmem_shared>>) offsets(%dma_start3A_488 : memref<128xi32, #tpu.memory_space<vmem>>) semaphore(%run_scoped3A_485 : memref<!tpu.dma_semaphore, #tpu.memory_space<semaphore_mem>>) {add = true}
        %dma_wait3A_492 = arith.constant 0 : i32
        %dma_wait3A_493 = tpu.memref_slice %arg9[%run_scoped3A_149, %dma_wait3A_492] : memref<16x128xi32, #tpu.memory_space<vmem>> -> memref<1x128xi32, #tpu.memory_space<vmem>>
        %dma_wait3A_494 = tpu.memref_squeeze %dma_wait3A_493 : memref<1x128xi32, #tpu.memory_space<vmem>> -> memref<128xi32, #tpu.memory_space<vmem>>
        %dma_wait3A_495 = arith.constant 0 : i32
        %dma_wait3A_496 = arith.constant 0 : i32
        %dma_wait3A_497 = tpu.memref_slice %arg13[%dma_wait3A_495, %dma_wait3A_496] : memref<10240x128xf32, #tpu.memory_space<vmem_shared>> -> memref<10240x128xf32, #tpu.memory_space<vmem_shared>>
        tpu.wait_indirect_dma semaphore(%run_scoped3A_485 : memref<!tpu.dma_semaphore, #tpu.memory_space<semaphore_mem>>) src(%arg11 : memref<128x128xf32, #tpu.memory_space<vmem>>) dst(%dma_wait3A_497 : memref<10240x128xf32, #tpu.memory_space<vmem_shared>>)
        tpu.yield
      }) : () -> ()
      %dma_wait3A_150 = arith.constant 896 : i32
      %dma_wait3A_151 = tpu.memref_slice %arg7[%dma_wait3A_150] : memref<2048xi32, #tpu.memory_space<vmem>> -> memref<128xi32, #tpu.memory_space<vmem>>
      %dma_wait3A_152 = arith.constant 0 : i32
      %dma_wait3A_153 = arith.constant 0 : i32
      %dma_wait3A_154 = tpu.memref_slice %arg2[%dma_wait3A_152, %dma_wait3A_153] : memref<10000x128xf32, #tpu.memory_space<hbm>> -> memref<10000x128xf32, #tpu.memory_space<hbm>>
      tpu.wait_indirect_dma semaphore(%arg15 : memref<!tpu.dma_semaphore, #tpu.memory_space<semaphore_mem>>) src(%dma_wait3A_154 : memref<10000x128xf32, #tpu.memory_space<hbm>>) dst(%arg12 : memref<128x128xf32, #tpu.memory_space<vmem>>)
      %dma_start3A_155 = arith.constant 1024 : i32
      %dma_start3A_156 = tpu.memref_slice %arg7[%dma_start3A_155] : memref<2048xi32, #tpu.memory_space<vmem>> -> memref<128xi32, #tpu.memory_space<vmem>>
      %dma_start3A_157 = arith.constant 0 : i32
      %dma_start3A_158 = arith.constant 0 : i32
      %dma_start3A_159 = tpu.memref_slice %arg2[%dma_start3A_157, %dma_start3A_158] : memref<10000x128xf32, #tpu.memory_space<hbm>> -> memref<10000x128xf32, #tpu.memory_space<hbm>>
      tpu.enqueue_indirect_dma source(%dma_start3A_159 : memref<10000x128xf32, #tpu.memory_space<hbm>>) target(%arg11 : memref<128x128xf32, #tpu.memory_space<vmem>>) offsets(%dma_start3A_156 : memref<128xi32, #tpu.memory_space<vmem>>) semaphore(%arg14 : memref<!tpu.dma_semaphore, #tpu.memory_space<semaphore_mem>>)
      %run_scoped3A_160 = arith.constant 7 : i32
      "tpu.region"() ({
        %run_scoped3A_485 = tpu.sem_alloc : memref<!tpu.dma_semaphore, #tpu.memory_space<semaphore_mem>>
        %dma_start3A_486 = arith.constant 0 : i32
        %dma_start3A_487 = tpu.memref_slice %arg9[%run_scoped3A_160, %dma_start3A_486] : memref<16x128xi32, #tpu.memory_space<vmem>> -> memref<1x128xi32, #tpu.memory_space<vmem>>
        %dma_start3A_488 = tpu.memref_squeeze %dma_start3A_487 : memref<1x128xi32, #tpu.memory_space<vmem>> -> memref<128xi32, #tpu.memory_space<vmem>>
        %dma_start3A_489 = arith.constant 0 : i32
        %dma_start3A_490 = arith.constant 0 : i32
        %dma_start3A_491 = tpu.memref_slice %arg13[%dma_start3A_489, %dma_start3A_490] : memref<10240x128xf32, #tpu.memory_space<vmem_shared>> -> memref<10240x128xf32, #tpu.memory_space<vmem_shared>>
        tpu.enqueue_indirect_dma source(%arg12 : memref<128x128xf32, #tpu.memory_space<vmem>>) target(%dma_start3A_491 : memref<10240x128xf32, #tpu.memory_space<vmem_shared>>) offsets(%dma_start3A_488 : memref<128xi32, #tpu.memory_space<vmem>>) semaphore(%run_scoped3A_485 : memref<!tpu.dma_semaphore, #tpu.memory_space<semaphore_mem>>) {add = true}
        %dma_wait3A_492 = arith.constant 0 : i32
        %dma_wait3A_493 = tpu.memref_slice %arg9[%run_scoped3A_160, %dma_wait3A_492] : memref<16x128xi32, #tpu.memory_space<vmem>> -> memref<1x128xi32, #tpu.memory_space<vmem>>
        %dma_wait3A_494 = tpu.memref_squeeze %dma_wait3A_493 : memref<1x128xi32, #tpu.memory_space<vmem>> -> memref<128xi32, #tpu.memory_space<vmem>>
        %dma_wait3A_495 = arith.constant 0 : i32
        %dma_wait3A_496 = arith.constant 0 : i32
        %dma_wait3A_497 = tpu.memref_slice %arg13[%dma_wait3A_495, %dma_wait3A_496] : memref<10240x128xf32, #tpu.memory_space<vmem_shared>> -> memref<10240x128xf32, #tpu.memory_space<vmem_shared>>
        tpu.wait_indirect_dma semaphore(%run_scoped3A_485 : memref<!tpu.dma_semaphore, #tpu.memory_space<semaphore_mem>>) src(%arg12 : memref<128x128xf32, #tpu.memory_space<vmem>>) dst(%dma_wait3A_497 : memref<10240x128xf32, #tpu.memory_space<vmem_shared>>)
        tpu.yield
      }) : () -> ()
      %dma_wait3A_161 = arith.constant 1024 : i32
      %dma_wait3A_162 = tpu.memref_slice %arg7[%dma_wait3A_161] : memref<2048xi32, #tpu.memory_space<vmem>> -> memref<128xi32, #tpu.memory_space<vmem>>
      %dma_wait3A_163 = arith.constant 0 : i32
      %dma_wait3A_164 = arith.constant 0 : i32
      %dma_wait3A_165 = tpu.memref_slice %arg2[%dma_wait3A_163, %dma_wait3A_164] : memref<10000x128xf32, #tpu.memory_space<hbm>> -> memref<10000x128xf32, #tpu.memory_space<hbm>>
      tpu.wait_indirect_dma semaphore(%arg14 : memref<!tpu.dma_semaphore, #tpu.memory_space<semaphore_mem>>) src(%dma_wait3A_165 : memref<10000x128xf32, #tpu.memory_space<hbm>>) dst(%arg11 : memref<128x128xf32, #tpu.memory_space<vmem>>)
      %dma_start3A_166 = arith.constant 1152 : i32
      %dma_start3A_167 = tpu.memref_slice %arg7[%dma_start3A_166] : memref<2048xi32, #tpu.memory_space<vmem>> -> memref<128xi32, #tpu.memory_space<vmem>>
      %dma_start3A_168 = arith.constant 0 : i32
      %dma_start3A_169 = arith.constant 0 : i32
      %dma_start3A_170 = tpu.memref_slice %arg2[%dma_start3A_168, %dma_start3A_169] : memref<10000x128xf32, #tpu.memory_space<hbm>> -> memref<10000x128xf32, #tpu.memory_space<hbm>>
      tpu.enqueue_indirect_dma source(%dma_start3A_170 : memref<10000x128xf32, #tpu.memory_space<hbm>>) target(%arg12 : memref<128x128xf32, #tpu.memory_space<vmem>>) offsets(%dma_start3A_167 : memref<128xi32, #tpu.memory_space<vmem>>) semaphore(%arg15 : memref<!tpu.dma_semaphore, #tpu.memory_space<semaphore_mem>>)
      %run_scoped3A_171 = arith.constant 8 : i32
      "tpu.region"() ({
        %run_scoped3A_485 = tpu.sem_alloc : memref<!tpu.dma_semaphore, #tpu.memory_space<semaphore_mem>>
        %dma_start3A_486 = arith.constant 0 : i32
        %dma_start3A_487 = tpu.memref_slice %arg9[%run_scoped3A_171, %dma_start3A_486] : memref<16x128xi32, #tpu.memory_space<vmem>> -> memref<1x128xi32, #tpu.memory_space<vmem>>
        %dma_start3A_488 = tpu.memref_squeeze %dma_start3A_487 : memref<1x128xi32, #tpu.memory_space<vmem>> -> memref<128xi32, #tpu.memory_space<vmem>>
        %dma_start3A_489 = arith.constant 0 : i32
        %dma_start3A_490 = arith.constant 0 : i32
        %dma_start3A_491 = tpu.memref_slice %arg13[%dma_start3A_489, %dma_start3A_490] : memref<10240x128xf32, #tpu.memory_space<vmem_shared>> -> memref<10240x128xf32, #tpu.memory_space<vmem_shared>>
        tpu.enqueue_indirect_dma source(%arg11 : memref<128x128xf32, #tpu.memory_space<vmem>>) target(%dma_start3A_491 : memref<10240x128xf32, #tpu.memory_space<vmem_shared>>) offsets(%dma_start3A_488 : memref<128xi32, #tpu.memory_space<vmem>>) semaphore(%run_scoped3A_485 : memref<!tpu.dma_semaphore, #tpu.memory_space<semaphore_mem>>) {add = true}
        %dma_wait3A_492 = arith.constant 0 : i32
        %dma_wait3A_493 = tpu.memref_slice %arg9[%run_scoped3A_171, %dma_wait3A_492] : memref<16x128xi32, #tpu.memory_space<vmem>> -> memref<1x128xi32, #tpu.memory_space<vmem>>
        %dma_wait3A_494 = tpu.memref_squeeze %dma_wait3A_493 : memref<1x128xi32, #tpu.memory_space<vmem>> -> memref<128xi32, #tpu.memory_space<vmem>>
        %dma_wait3A_495 = arith.constant 0 : i32
        %dma_wait3A_496 = arith.constant 0 : i32
        %dma_wait3A_497 = tpu.memref_slice %arg13[%dma_wait3A_495, %dma_wait3A_496] : memref<10240x128xf32, #tpu.memory_space<vmem_shared>> -> memref<10240x128xf32, #tpu.memory_space<vmem_shared>>
        tpu.wait_indirect_dma semaphore(%run_scoped3A_485 : memref<!tpu.dma_semaphore, #tpu.memory_space<semaphore_mem>>) src(%arg11 : memref<128x128xf32, #tpu.memory_space<vmem>>) dst(%dma_wait3A_497 : memref<10240x128xf32, #tpu.memory_space<vmem_shared>>)
        tpu.yield
      }) : () -> ()
      %dma_wait3A_172 = arith.constant 1152 : i32
      %dma_wait3A_173 = tpu.memref_slice %arg7[%dma_wait3A_172] : memref<2048xi32, #tpu.memory_space<vmem>> -> memref<128xi32, #tpu.memory_space<vmem>>
      %dma_wait3A_174 = arith.constant 0 : i32
      %dma_wait3A_175 = arith.constant 0 : i32
      %dma_wait3A_176 = tpu.memref_slice %arg2[%dma_wait3A_174, %dma_wait3A_175] : memref<10000x128xf32, #tpu.memory_space<hbm>> -> memref<10000x128xf32, #tpu.memory_space<hbm>>
      tpu.wait_indirect_dma semaphore(%arg15 : memref<!tpu.dma_semaphore, #tpu.memory_space<semaphore_mem>>) src(%dma_wait3A_176 : memref<10000x128xf32, #tpu.memory_space<hbm>>) dst(%arg12 : memref<128x128xf32, #tpu.memory_space<vmem>>)
      %dma_start3A_177 = arith.constant 1280 : i32
      %dma_start3A_178 = tpu.memref_slice %arg7[%dma_start3A_177] : memref<2048xi32, #tpu.memory_space<vmem>> -> memref<128xi32, #tpu.memory_space<vmem>>
      %dma_start3A_179 = arith.constant 0 : i32
      %dma_start3A_180 = arith.constant 0 : i32
      %dma_start3A_181 = tpu.memref_slice %arg2[%dma_start3A_179, %dma_start3A_180] : memref<10000x128xf32, #tpu.memory_space<hbm>> -> memref<10000x128xf32, #tpu.memory_space<hbm>>
      tpu.enqueue_indirect_dma source(%dma_start3A_181 : memref<10000x128xf32, #tpu.memory_space<hbm>>) target(%arg11 : memref<128x128xf32, #tpu.memory_space<vmem>>) offsets(%dma_start3A_178 : memref<128xi32, #tpu.memory_space<vmem>>) semaphore(%arg14 : memref<!tpu.dma_semaphore, #tpu.memory_space<semaphore_mem>>)
      %run_scoped3A_182 = arith.constant 9 : i32
      "tpu.region"() ({
        %run_scoped3A_485 = tpu.sem_alloc : memref<!tpu.dma_semaphore, #tpu.memory_space<semaphore_mem>>
        %dma_start3A_486 = arith.constant 0 : i32
        %dma_start3A_487 = tpu.memref_slice %arg9[%run_scoped3A_182, %dma_start3A_486] : memref<16x128xi32, #tpu.memory_space<vmem>> -> memref<1x128xi32, #tpu.memory_space<vmem>>
        %dma_start3A_488 = tpu.memref_squeeze %dma_start3A_487 : memref<1x128xi32, #tpu.memory_space<vmem>> -> memref<128xi32, #tpu.memory_space<vmem>>
        %dma_start3A_489 = arith.constant 0 : i32
        %dma_start3A_490 = arith.constant 0 : i32
        %dma_start3A_491 = tpu.memref_slice %arg13[%dma_start3A_489, %dma_start3A_490] : memref<10240x128xf32, #tpu.memory_space<vmem_shared>> -> memref<10240x128xf32, #tpu.memory_space<vmem_shared>>
        tpu.enqueue_indirect_dma source(%arg12 : memref<128x128xf32, #tpu.memory_space<vmem>>) target(%dma_start3A_491 : memref<10240x128xf32, #tpu.memory_space<vmem_shared>>) offsets(%dma_start3A_488 : memref<128xi32, #tpu.memory_space<vmem>>) semaphore(%run_scoped3A_485 : memref<!tpu.dma_semaphore, #tpu.memory_space<semaphore_mem>>) {add = true}
        %dma_wait3A_492 = arith.constant 0 : i32
        %dma_wait3A_493 = tpu.memref_slice %arg9[%run_scoped3A_182, %dma_wait3A_492] : memref<16x128xi32, #tpu.memory_space<vmem>> -> memref<1x128xi32, #tpu.memory_space<vmem>>
        %dma_wait3A_494 = tpu.memref_squeeze %dma_wait3A_493 : memref<1x128xi32, #tpu.memory_space<vmem>> -> memref<128xi32, #tpu.memory_space<vmem>>
        %dma_wait3A_495 = arith.constant 0 : i32
        %dma_wait3A_496 = arith.constant 0 : i32
        %dma_wait3A_497 = tpu.memref_slice %arg13[%dma_wait3A_495, %dma_wait3A_496] : memref<10240x128xf32, #tpu.memory_space<vmem_shared>> -> memref<10240x128xf32, #tpu.memory_space<vmem_shared>>
        tpu.wait_indirect_dma semaphore(%run_scoped3A_485 : memref<!tpu.dma_semaphore, #tpu.memory_space<semaphore_mem>>) src(%arg12 : memref<128x128xf32, #tpu.memory_space<vmem>>) dst(%dma_wait3A_497 : memref<10240x128xf32, #tpu.memory_space<vmem_shared>>)
        tpu.yield
      }) : () -> ()
      %dma_wait3A_183 = arith.constant 1280 : i32
      %dma_wait3A_184 = tpu.memref_slice %arg7[%dma_wait3A_183] : memref<2048xi32, #tpu.memory_space<vmem>> -> memref<128xi32, #tpu.memory_space<vmem>>
      %dma_wait3A_185 = arith.constant 0 : i32
      %dma_wait3A_186 = arith.constant 0 : i32
      %dma_wait3A_187 = tpu.memref_slice %arg2[%dma_wait3A_185, %dma_wait3A_186] : memref<10000x128xf32, #tpu.memory_space<hbm>> -> memref<10000x128xf32, #tpu.memory_space<hbm>>
      tpu.wait_indirect_dma semaphore(%arg14 : memref<!tpu.dma_semaphore, #tpu.memory_space<semaphore_mem>>) src(%dma_wait3A_187 : memref<10000x128xf32, #tpu.memory_space<hbm>>) dst(%arg11 : memref<128x128xf32, #tpu.memory_space<vmem>>)
      %dma_start3A_188 = arith.constant 1408 : i32
      %dma_start3A_189 = tpu.memref_slice %arg7[%dma_start3A_188] : memref<2048xi32, #tpu.memory_space<vmem>> -> memref<128xi32, #tpu.memory_space<vmem>>
      %dma_start3A_190 = arith.constant 0 : i32
      %dma_start3A_191 = arith.constant 0 : i32
      %dma_start3A_192 = tpu.memref_slice %arg2[%dma_start3A_190, %dma_start3A_191] : memref<10000x128xf32, #tpu.memory_space<hbm>> -> memref<10000x128xf32, #tpu.memory_space<hbm>>
      tpu.enqueue_indirect_dma source(%dma_start3A_192 : memref<10000x128xf32, #tpu.memory_space<hbm>>) target(%arg12 : memref<128x128xf32, #tpu.memory_space<vmem>>) offsets(%dma_start3A_189 : memref<128xi32, #tpu.memory_space<vmem>>) semaphore(%arg15 : memref<!tpu.dma_semaphore, #tpu.memory_space<semaphore_mem>>)
      %run_scoped3A_193 = arith.constant 10 : i32
      "tpu.region"() ({
        %run_scoped3A_485 = tpu.sem_alloc : memref<!tpu.dma_semaphore, #tpu.memory_space<semaphore_mem>>
        %dma_start3A_486 = arith.constant 0 : i32
        %dma_start3A_487 = tpu.memref_slice %arg9[%run_scoped3A_193, %dma_start3A_486] : memref<16x128xi32, #tpu.memory_space<vmem>> -> memref<1x128xi32, #tpu.memory_space<vmem>>
        %dma_start3A_488 = tpu.memref_squeeze %dma_start3A_487 : memref<1x128xi32, #tpu.memory_space<vmem>> -> memref<128xi32, #tpu.memory_space<vmem>>
        %dma_start3A_489 = arith.constant 0 : i32
        %dma_start3A_490 = arith.constant 0 : i32
        %dma_start3A_491 = tpu.memref_slice %arg13[%dma_start3A_489, %dma_start3A_490] : memref<10240x128xf32, #tpu.memory_space<vmem_shared>> -> memref<10240x128xf32, #tpu.memory_space<vmem_shared>>
        tpu.enqueue_indirect_dma source(%arg11 : memref<128x128xf32, #tpu.memory_space<vmem>>) target(%dma_start3A_491 : memref<10240x128xf32, #tpu.memory_space<vmem_shared>>) offsets(%dma_start3A_488 : memref<128xi32, #tpu.memory_space<vmem>>) semaphore(%run_scoped3A_485 : memref<!tpu.dma_semaphore, #tpu.memory_space<semaphore_mem>>) {add = true}
        %dma_wait3A_492 = arith.constant 0 : i32
        %dma_wait3A_493 = tpu.memref_slice %arg9[%run_scoped3A_193, %dma_wait3A_492] : memref<16x128xi32, #tpu.memory_space<vmem>> -> memref<1x128xi32, #tpu.memory_space<vmem>>
        %dma_wait3A_494 = tpu.memref_squeeze %dma_wait3A_493 : memref<1x128xi32, #tpu.memory_space<vmem>> -> memref<128xi32, #tpu.memory_space<vmem>>
        %dma_wait3A_495 = arith.constant 0 : i32
        %dma_wait3A_496 = arith.constant 0 : i32
        %dma_wait3A_497 = tpu.memref_slice %arg13[%dma_wait3A_495, %dma_wait3A_496] : memref<10240x128xf32, #tpu.memory_space<vmem_shared>> -> memref<10240x128xf32, #tpu.memory_space<vmem_shared>>
        tpu.wait_indirect_dma semaphore(%run_scoped3A_485 : memref<!tpu.dma_semaphore, #tpu.memory_space<semaphore_mem>>) src(%arg11 : memref<128x128xf32, #tpu.memory_space<vmem>>) dst(%dma_wait3A_497 : memref<10240x128xf32, #tpu.memory_space<vmem_shared>>)
        tpu.yield
      }) : () -> ()
      %dma_wait3A_194 = arith.constant 1408 : i32
      %dma_wait3A_195 = tpu.memref_slice %arg7[%dma_wait3A_194] : memref<2048xi32, #tpu.memory_space<vmem>> -> memref<128xi32, #tpu.memory_space<vmem>>
      %dma_wait3A_196 = arith.constant 0 : i32
      %dma_wait3A_197 = arith.constant 0 : i32
      %dma_wait3A_198 = tpu.memref_slice %arg2[%dma_wait3A_196, %dma_wait3A_197] : memref<10000x128xf32, #tpu.memory_space<hbm>> -> memref<10000x128xf32, #tpu.memory_space<hbm>>
      tpu.wait_indirect_dma semaphore(%arg15 : memref<!tpu.dma_semaphore, #tpu.memory_space<semaphore_mem>>) src(%dma_wait3A_198 : memref<10000x128xf32, #tpu.memory_space<hbm>>) dst(%arg12 : memref<128x128xf32, #tpu.memory_space<vmem>>)
      %dma_start3A_199 = arith.constant 1536 : i32
      %dma_start3A_200 = tpu.memref_slice %arg7[%dma_start3A_199] : memref<2048xi32, #tpu.memory_space<vmem>> -> memref<128xi32, #tpu.memory_space<vmem>>
      %dma_start3A_201 = arith.constant 0 : i32
      %dma_start3A_202 = arith.constant 0 : i32
      %dma_start3A_203 = tpu.memref_slice %arg2[%dma_start3A_201, %dma_start3A_202] : memref<10000x128xf32, #tpu.memory_space<hbm>> -> memref<10000x128xf32, #tpu.memory_space<hbm>>
      tpu.enqueue_indirect_dma source(%dma_start3A_203 : memref<10000x128xf32, #tpu.memory_space<hbm>>) target(%arg11 : memref<128x128xf32, #tpu.memory_space<vmem>>) offsets(%dma_start3A_200 : memref<128xi32, #tpu.memory_space<vmem>>) semaphore(%arg14 : memref<!tpu.dma_semaphore, #tpu.memory_space<semaphore_mem>>)
      %run_scoped3A_204 = arith.constant 11 : i32
      "tpu.region"() ({
        %run_scoped3A_485 = tpu.sem_alloc : memref<!tpu.dma_semaphore, #tpu.memory_space<semaphore_mem>>
        %dma_start3A_486 = arith.constant 0 : i32
        %dma_start3A_487 = tpu.memref_slice %arg9[%run_scoped3A_204, %dma_start3A_486] : memref<16x128xi32, #tpu.memory_space<vmem>> -> memref<1x128xi32, #tpu.memory_space<vmem>>
        %dma_start3A_488 = tpu.memref_squeeze %dma_start3A_487 : memref<1x128xi32, #tpu.memory_space<vmem>> -> memref<128xi32, #tpu.memory_space<vmem>>
        %dma_start3A_489 = arith.constant 0 : i32
        %dma_start3A_490 = arith.constant 0 : i32
        %dma_start3A_491 = tpu.memref_slice %arg13[%dma_start3A_489, %dma_start3A_490] : memref<10240x128xf32, #tpu.memory_space<vmem_shared>> -> memref<10240x128xf32, #tpu.memory_space<vmem_shared>>
        tpu.enqueue_indirect_dma source(%arg12 : memref<128x128xf32, #tpu.memory_space<vmem>>) target(%dma_start3A_491 : memref<10240x128xf32, #tpu.memory_space<vmem_shared>>) offsets(%dma_start3A_488 : memref<128xi32, #tpu.memory_space<vmem>>) semaphore(%run_scoped3A_485 : memref<!tpu.dma_semaphore, #tpu.memory_space<semaphore_mem>>) {add = true}
        %dma_wait3A_492 = arith.constant 0 : i32
        %dma_wait3A_493 = tpu.memref_slice %arg9[%run_scoped3A_204, %dma_wait3A_492] : memref<16x128xi32, #tpu.memory_space<vmem>> -> memref<1x128xi32, #tpu.memory_space<vmem>>
        %dma_wait3A_494 = tpu.memref_squeeze %dma_wait3A_493 : memref<1x128xi32, #tpu.memory_space<vmem>> -> memref<128xi32, #tpu.memory_space<vmem>>
        %dma_wait3A_495 = arith.constant 0 : i32
        %dma_wait3A_496 = arith.constant 0 : i32
        %dma_wait3A_497 = tpu.memref_slice %arg13[%dma_wait3A_495, %dma_wait3A_496] : memref<10240x128xf32, #tpu.memory_space<vmem_shared>> -> memref<10240x128xf32, #tpu.memory_space<vmem_shared>>
        tpu.wait_indirect_dma semaphore(%run_scoped3A_485 : memref<!tpu.dma_semaphore, #tpu.memory_space<semaphore_mem>>) src(%arg12 : memref<128x128xf32, #tpu.memory_space<vmem>>) dst(%dma_wait3A_497 : memref<10240x128xf32, #tpu.memory_space<vmem_shared>>)
        tpu.yield
      }) : () -> ()
      %dma_wait3A_205 = arith.constant 1536 : i32
      %dma_wait3A_206 = tpu.memref_slice %arg7[%dma_wait3A_205] : memref<2048xi32, #tpu.memory_space<vmem>> -> memref<128xi32, #tpu.memory_space<vmem>>
      %dma_wait3A_207 = arith.constant 0 : i32
      %dma_wait3A_208 = arith.constant 0 : i32
      %dma_wait3A_209 = tpu.memref_slice %arg2[%dma_wait3A_207, %dma_wait3A_208] : memref<10000x128xf32, #tpu.memory_space<hbm>> -> memref<10000x128xf32, #tpu.memory_space<hbm>>
      tpu.wait_indirect_dma semaphore(%arg14 : memref<!tpu.dma_semaphore, #tpu.memory_space<semaphore_mem>>) src(%dma_wait3A_209 : memref<10000x128xf32, #tpu.memory_space<hbm>>) dst(%arg11 : memref<128x128xf32, #tpu.memory_space<vmem>>)
      %dma_start3A_210 = arith.constant 1664 : i32
      %dma_start3A_211 = tpu.memref_slice %arg7[%dma_start3A_210] : memref<2048xi32, #tpu.memory_space<vmem>> -> memref<128xi32, #tpu.memory_space<vmem>>
      %dma_start3A_212 = arith.constant 0 : i32
      %dma_start3A_213 = arith.constant 0 : i32
      %dma_start3A_214 = tpu.memref_slice %arg2[%dma_start3A_212, %dma_start3A_213] : memref<10000x128xf32, #tpu.memory_space<hbm>> -> memref<10000x128xf32, #tpu.memory_space<hbm>>
      tpu.enqueue_indirect_dma source(%dma_start3A_214 : memref<10000x128xf32, #tpu.memory_space<hbm>>) target(%arg12 : memref<128x128xf32, #tpu.memory_space<vmem>>) offsets(%dma_start3A_211 : memref<128xi32, #tpu.memory_space<vmem>>) semaphore(%arg15 : memref<!tpu.dma_semaphore, #tpu.memory_space<semaphore_mem>>)
      %run_scoped3A_215 = arith.constant 12 : i32
      "tpu.region"() ({
        %run_scoped3A_485 = tpu.sem_alloc : memref<!tpu.dma_semaphore, #tpu.memory_space<semaphore_mem>>
        %dma_start3A_486 = arith.constant 0 : i32
        %dma_start3A_487 = tpu.memref_slice %arg9[%run_scoped3A_215, %dma_start3A_486] : memref<16x128xi32, #tpu.memory_space<vmem>> -> memref<1x128xi32, #tpu.memory_space<vmem>>
        %dma_start3A_488 = tpu.memref_squeeze %dma_start3A_487 : memref<1x128xi32, #tpu.memory_space<vmem>> -> memref<128xi32, #tpu.memory_space<vmem>>
        %dma_start3A_489 = arith.constant 0 : i32
        %dma_start3A_490 = arith.constant 0 : i32
        %dma_start3A_491 = tpu.memref_slice %arg13[%dma_start3A_489, %dma_start3A_490] : memref<10240x128xf32, #tpu.memory_space<vmem_shared>> -> memref<10240x128xf32, #tpu.memory_space<vmem_shared>>
        tpu.enqueue_indirect_dma source(%arg11 : memref<128x128xf32, #tpu.memory_space<vmem>>) target(%dma_start3A_491 : memref<10240x128xf32, #tpu.memory_space<vmem_shared>>) offsets(%dma_start3A_488 : memref<128xi32, #tpu.memory_space<vmem>>) semaphore(%run_scoped3A_485 : memref<!tpu.dma_semaphore, #tpu.memory_space<semaphore_mem>>) {add = true}
        %dma_wait3A_492 = arith.constant 0 : i32
        %dma_wait3A_493 = tpu.memref_slice %arg9[%run_scoped3A_215, %dma_wait3A_492] : memref<16x128xi32, #tpu.memory_space<vmem>> -> memref<1x128xi32, #tpu.memory_space<vmem>>
        %dma_wait3A_494 = tpu.memref_squeeze %dma_wait3A_493 : memref<1x128xi32, #tpu.memory_space<vmem>> -> memref<128xi32, #tpu.memory_space<vmem>>
        %dma_wait3A_495 = arith.constant 0 : i32
        %dma_wait3A_496 = arith.constant 0 : i32
        %dma_wait3A_497 = tpu.memref_slice %arg13[%dma_wait3A_495, %dma_wait3A_496] : memref<10240x128xf32, #tpu.memory_space<vmem_shared>> -> memref<10240x128xf32, #tpu.memory_space<vmem_shared>>
        tpu.wait_indirect_dma semaphore(%run_scoped3A_485 : memref<!tpu.dma_semaphore, #tpu.memory_space<semaphore_mem>>) src(%arg11 : memref<128x128xf32, #tpu.memory_space<vmem>>) dst(%dma_wait3A_497 : memref<10240x128xf32, #tpu.memory_space<vmem_shared>>)
        tpu.yield
      }) : () -> ()
      %dma_wait3A_216 = arith.constant 1664 : i32
      %dma_wait3A_217 = tpu.memref_slice %arg7[%dma_wait3A_216] : memref<2048xi32, #tpu.memory_space<vmem>> -> memref<128xi32, #tpu.memory_space<vmem>>
      %dma_wait3A_218 = arith.constant 0 : i32
      %dma_wait3A_219 = arith.constant 0 : i32
      %dma_wait3A_220 = tpu.memref_slice %arg2[%dma_wait3A_218, %dma_wait3A_219] : memref<10000x128xf32, #tpu.memory_space<hbm>> -> memref<10000x128xf32, #tpu.memory_space<hbm>>
      tpu.wait_indirect_dma semaphore(%arg15 : memref<!tpu.dma_semaphore, #tpu.memory_space<semaphore_mem>>) src(%dma_wait3A_220 : memref<10000x128xf32, #tpu.memory_space<hbm>>) dst(%arg12 : memref<128x128xf32, #tpu.memory_space<vmem>>)
      %dma_start3A_221 = arith.constant 1792 : i32
      %dma_start3A_222 = tpu.memref_slice %arg7[%dma_start3A_221] : memref<2048xi32, #tpu.memory_space<vmem>> -> memref<128xi32, #tpu.memory_space<vmem>>
      %dma_start3A_223 = arith.constant 0 : i32
      %dma_start3A_224 = arith.constant 0 : i32
      %dma_start3A_225 = tpu.memref_slice %arg2[%dma_start3A_223, %dma_start3A_224] : memref<10000x128xf32, #tpu.memory_space<hbm>> -> memref<10000x128xf32, #tpu.memory_space<hbm>>
      tpu.enqueue_indirect_dma source(%dma_start3A_225 : memref<10000x128xf32, #tpu.memory_space<hbm>>) target(%arg11 : memref<128x128xf32, #tpu.memory_space<vmem>>) offsets(%dma_start3A_222 : memref<128xi32, #tpu.memory_space<vmem>>) semaphore(%arg14 : memref<!tpu.dma_semaphore, #tpu.memory_space<semaphore_mem>>)
      %run_scoped3A_226 = arith.constant 13 : i32
      "tpu.region"() ({
        %run_scoped3A_485 = tpu.sem_alloc : memref<!tpu.dma_semaphore, #tpu.memory_space<semaphore_mem>>
        %dma_start3A_486 = arith.constant 0 : i32
        %dma_start3A_487 = tpu.memref_slice %arg9[%run_scoped3A_226, %dma_start3A_486] : memref<16x128xi32, #tpu.memory_space<vmem>> -> memref<1x128xi32, #tpu.memory_space<vmem>>
        %dma_start3A_488 = tpu.memref_squeeze %dma_start3A_487 : memref<1x128xi32, #tpu.memory_space<vmem>> -> memref<128xi32, #tpu.memory_space<vmem>>
        %dma_start3A_489 = arith.constant 0 : i32
        %dma_start3A_490 = arith.constant 0 : i32
        %dma_start3A_491 = tpu.memref_slice %arg13[%dma_start3A_489, %dma_start3A_490] : memref<10240x128xf32, #tpu.memory_space<vmem_shared>> -> memref<10240x128xf32, #tpu.memory_space<vmem_shared>>
        tpu.enqueue_indirect_dma source(%arg12 : memref<128x128xf32, #tpu.memory_space<vmem>>) target(%dma_start3A_491 : memref<10240x128xf32, #tpu.memory_space<vmem_shared>>) offsets(%dma_start3A_488 : memref<128xi32, #tpu.memory_space<vmem>>) semaphore(%run_scoped3A_485 : memref<!tpu.dma_semaphore, #tpu.memory_space<semaphore_mem>>) {add = true}
        %dma_wait3A_492 = arith.constant 0 : i32
        %dma_wait3A_493 = tpu.memref_slice %arg9[%run_scoped3A_226, %dma_wait3A_492] : memref<16x128xi32, #tpu.memory_space<vmem>> -> memref<1x128xi32, #tpu.memory_space<vmem>>
        %dma_wait3A_494 = tpu.memref_squeeze %dma_wait3A_493 : memref<1x128xi32, #tpu.memory_space<vmem>> -> memref<128xi32, #tpu.memory_space<vmem>>
        %dma_wait3A_495 = arith.constant 0 : i32
        %dma_wait3A_496 = arith.constant 0 : i32
        %dma_wait3A_497 = tpu.memref_slice %arg13[%dma_wait3A_495, %dma_wait3A_496] : memref<10240x128xf32, #tpu.memory_space<vmem_shared>> -> memref<10240x128xf32, #tpu.memory_space<vmem_shared>>
        tpu.wait_indirect_dma semaphore(%run_scoped3A_485 : memref<!tpu.dma_semaphore, #tpu.memory_space<semaphore_mem>>) src(%arg12 : memref<128x128xf32, #tpu.memory_space<vmem>>) dst(%dma_wait3A_497 : memref<10240x128xf32, #tpu.memory_space<vmem_shared>>)
        tpu.yield
      }) : () -> ()
      %dma_wait3A_227 = arith.constant 1792 : i32
      %dma_wait3A_228 = tpu.memref_slice %arg7[%dma_wait3A_227] : memref<2048xi32, #tpu.memory_space<vmem>> -> memref<128xi32, #tpu.memory_space<vmem>>
      %dma_wait3A_229 = arith.constant 0 : i32
      %dma_wait3A_230 = arith.constant 0 : i32
      %dma_wait3A_231 = tpu.memref_slice %arg2[%dma_wait3A_229, %dma_wait3A_230] : memref<10000x128xf32, #tpu.memory_space<hbm>> -> memref<10000x128xf32, #tpu.memory_space<hbm>>
      tpu.wait_indirect_dma semaphore(%arg14 : memref<!tpu.dma_semaphore, #tpu.memory_space<semaphore_mem>>) src(%dma_wait3A_231 : memref<10000x128xf32, #tpu.memory_space<hbm>>) dst(%arg11 : memref<128x128xf32, #tpu.memory_space<vmem>>)
      %dma_start3A_232 = arith.constant 1920 : i32
      %dma_start3A_233 = tpu.memref_slice %arg7[%dma_start3A_232] : memref<2048xi32, #tpu.memory_space<vmem>> -> memref<128xi32, #tpu.memory_space<vmem>>
      %dma_start3A_234 = arith.constant 0 : i32
      %dma_start3A_235 = arith.constant 0 : i32
      %dma_start3A_236 = tpu.memref_slice %arg2[%dma_start3A_234, %dma_start3A_235] : memref<10000x128xf32, #tpu.memory_space<hbm>> -> memref<10000x128xf32, #tpu.memory_space<hbm>>
      tpu.enqueue_indirect_dma source(%dma_start3A_236 : memref<10000x128xf32, #tpu.memory_space<hbm>>) target(%arg12 : memref<128x128xf32, #tpu.memory_space<vmem>>) offsets(%dma_start3A_233 : memref<128xi32, #tpu.memory_space<vmem>>) semaphore(%arg15 : memref<!tpu.dma_semaphore, #tpu.memory_space<semaphore_mem>>)
      %run_scoped3A_237 = arith.constant 14 : i32
      "tpu.region"() ({
        %run_scoped3A_485 = tpu.sem_alloc : memref<!tpu.dma_semaphore, #tpu.memory_space<semaphore_mem>>
        %dma_start3A_486 = arith.constant 0 : i32
        %dma_start3A_487 = tpu.memref_slice %arg9[%run_scoped3A_237, %dma_start3A_486] : memref<16x128xi32, #tpu.memory_space<vmem>> -> memref<1x128xi32, #tpu.memory_space<vmem>>
        %dma_start3A_488 = tpu.memref_squeeze %dma_start3A_487 : memref<1x128xi32, #tpu.memory_space<vmem>> -> memref<128xi32, #tpu.memory_space<vmem>>
        %dma_start3A_489 = arith.constant 0 : i32
        %dma_start3A_490 = arith.constant 0 : i32
        %dma_start3A_491 = tpu.memref_slice %arg13[%dma_start3A_489, %dma_start3A_490] : memref<10240x128xf32, #tpu.memory_space<vmem_shared>> -> memref<10240x128xf32, #tpu.memory_space<vmem_shared>>
        tpu.enqueue_indirect_dma source(%arg11 : memref<128x128xf32, #tpu.memory_space<vmem>>) target(%dma_start3A_491 : memref<10240x128xf32, #tpu.memory_space<vmem_shared>>) offsets(%dma_start3A_488 : memref<128xi32, #tpu.memory_space<vmem>>) semaphore(%run_scoped3A_485 : memref<!tpu.dma_semaphore, #tpu.memory_space<semaphore_mem>>) {add = true}
        %dma_wait3A_492 = arith.constant 0 : i32
        %dma_wait3A_493 = tpu.memref_slice %arg9[%run_scoped3A_237, %dma_wait3A_492] : memref<16x128xi32, #tpu.memory_space<vmem>> -> memref<1x128xi32, #tpu.memory_space<vmem>>
        %dma_wait3A_494 = tpu.memref_squeeze %dma_wait3A_493 : memref<1x128xi32, #tpu.memory_space<vmem>> -> memref<128xi32, #tpu.memory_space<vmem>>
        %dma_wait3A_495 = arith.constant 0 : i32
        %dma_wait3A_496 = arith.constant 0 : i32
        %dma_wait3A_497 = tpu.memref_slice %arg13[%dma_wait3A_495, %dma_wait3A_496] : memref<10240x128xf32, #tpu.memory_space<vmem_shared>> -> memref<10240x128xf32, #tpu.memory_space<vmem_shared>>
        tpu.wait_indirect_dma semaphore(%run_scoped3A_485 : memref<!tpu.dma_semaphore, #tpu.memory_space<semaphore_mem>>) src(%arg11 : memref<128x128xf32, #tpu.memory_space<vmem>>) dst(%dma_wait3A_497 : memref<10240x128xf32, #tpu.memory_space<vmem_shared>>)
        tpu.yield
      }) : () -> ()
      %dma_wait3A_238 = arith.constant 1920 : i32
      %dma_wait3A_239 = tpu.memref_slice %arg7[%dma_wait3A_238] : memref<2048xi32, #tpu.memory_space<vmem>> -> memref<128xi32, #tpu.memory_space<vmem>>
      %dma_wait3A_240 = arith.constant 0 : i32
      %dma_wait3A_241 = arith.constant 0 : i32
      %dma_wait3A_242 = tpu.memref_slice %arg2[%dma_wait3A_240, %dma_wait3A_241] : memref<10000x128xf32, #tpu.memory_space<hbm>> -> memref<10000x128xf32, #tpu.memory_space<hbm>>
      tpu.wait_indirect_dma semaphore(%arg15 : memref<!tpu.dma_semaphore, #tpu.memory_space<semaphore_mem>>) src(%dma_wait3A_242 : memref<10000x128xf32, #tpu.memory_space<hbm>>) dst(%arg12 : memref<128x128xf32, #tpu.memory_space<vmem>>)
      %add3A_243 = arith.constant 1 : i32
      %add3A_244 = arith.addi %add3A_73, %add3A_243 : i32
      %mul3A_245 = arith.constant 2048 : i32
      %mul3A_246 = arith.muli %add3A_244, %mul3A_245 : i32
      %add3A_247 = arith.addi %mul3A_4, %mul3A_246 : i32
      %mul3A_248 = arith.constant 16 : i32
      %mul3A_249 = arith.muli %add3A_244, %mul3A_248 : i32
      %add3A_250 = arith.addi %mul3A_8, %mul3A_249 : i32
      %dma_wait3A_251 = tpu.memref_slice %arg3[%add3A_247] : memref<786432xi32, #tpu.memory_space<hbm>> -> memref<2048xi32, #tpu.memory_space<hbm>>
      %dma_wait3A_252 = tpu.memref_slice %arg3[%add3A_247] : memref<786432xi32, #tpu.memory_space<hbm>> -> memref<2048xi32, #tpu.memory_space<hbm>>
      tpu.wait_dma2 semaphore(%arg17 : memref<!tpu.dma_semaphore, #tpu.memory_space<semaphore_mem>>) src(%dma_wait3A_252 : memref<2048xi32, #tpu.memory_space<hbm>>) dst(%arg8 : memref<2048xi32, #tpu.memory_space<vmem>>)
      %dma_wait3A_253 = arith.constant 0 : i32
      %dma_wait3A_254 = tpu.memref_slice %arg4[%add3A_250, %dma_wait3A_253] : memref<6144x128xi32, #tpu.memory_space<hbm>> -> memref<16x128xi32, #tpu.memory_space<hbm>>
      %dma_wait3A_255 = arith.constant 0 : i32
      %dma_wait3A_256 = tpu.memref_slice %arg4[%add3A_250, %dma_wait3A_255] : memref<6144x128xi32, #tpu.memory_space<hbm>> -> memref<16x128xi32, #tpu.memory_space<hbm>>
      tpu.wait_dma2 semaphore(%arg17 : memref<!tpu.dma_semaphore, #tpu.memory_space<semaphore_mem>>) src(%dma_wait3A_256 : memref<16x128xi32, #tpu.memory_space<hbm>>) dst(%arg10 : memref<16x128xi32, #tpu.memory_space<vmem>>)
      %dma_start3A_257 = arith.constant 0 : i32
      %dma_start3A_258 = tpu.memref_slice %arg8[%dma_start3A_257] : memref<2048xi32, #tpu.memory_space<vmem>> -> memref<128xi32, #tpu.memory_space<vmem>>
      %dma_start3A_259 = arith.constant 0 : i32
      %dma_start3A_260 = arith.constant 0 : i32
      %dma_start3A_261 = tpu.memref_slice %arg2[%dma_start3A_259, %dma_start3A_260] : memref<10000x128xf32, #tpu.memory_space<hbm>> -> memref<10000x128xf32, #tpu.memory_space<hbm>>
      tpu.enqueue_indirect_dma source(%dma_start3A_261 : memref<10000x128xf32, #tpu.memory_space<hbm>>) target(%arg11 : memref<128x128xf32, #tpu.memory_space<vmem>>) offsets(%dma_start3A_258 : memref<128xi32, #tpu.memory_space<vmem>>) semaphore(%arg14 : memref<!tpu.dma_semaphore, #tpu.memory_space<semaphore_mem>>)
      %run_scoped3A_262 = arith.constant 15 : i32
      "tpu.region"() ({
        %run_scoped3A_485 = tpu.sem_alloc : memref<!tpu.dma_semaphore, #tpu.memory_space<semaphore_mem>>
        %dma_start3A_486 = arith.constant 0 : i32
        %dma_start3A_487 = tpu.memref_slice %arg9[%run_scoped3A_262, %dma_start3A_486] : memref<16x128xi32, #tpu.memory_space<vmem>> -> memref<1x128xi32, #tpu.memory_space<vmem>>
        %dma_start3A_488 = tpu.memref_squeeze %dma_start3A_487 : memref<1x128xi32, #tpu.memory_space<vmem>> -> memref<128xi32, #tpu.memory_space<vmem>>
        %dma_start3A_489 = arith.constant 0 : i32
        %dma_start3A_490 = arith.constant 0 : i32
        %dma_start3A_491 = tpu.memref_slice %arg13[%dma_start3A_489, %dma_start3A_490] : memref<10240x128xf32, #tpu.memory_space<vmem_shared>> -> memref<10240x128xf32, #tpu.memory_space<vmem_shared>>
        tpu.enqueue_indirect_dma source(%arg12 : memref<128x128xf32, #tpu.memory_space<vmem>>) target(%dma_start3A_491 : memref<10240x128xf32, #tpu.memory_space<vmem_shared>>) offsets(%dma_start3A_488 : memref<128xi32, #tpu.memory_space<vmem>>) semaphore(%run_scoped3A_485 : memref<!tpu.dma_semaphore, #tpu.memory_space<semaphore_mem>>) {add = true}
        %dma_wait3A_492 = arith.constant 0 : i32
        %dma_wait3A_493 = tpu.memref_slice %arg9[%run_scoped3A_262, %dma_wait3A_492] : memref<16x128xi32, #tpu.memory_space<vmem>> -> memref<1x128xi32, #tpu.memory_space<vmem>>
        %dma_wait3A_494 = tpu.memref_squeeze %dma_wait3A_493 : memref<1x128xi32, #tpu.memory_space<vmem>> -> memref<128xi32, #tpu.memory_space<vmem>>
        %dma_wait3A_495 = arith.constant 0 : i32
        %dma_wait3A_496 = arith.constant 0 : i32
        %dma_wait3A_497 = tpu.memref_slice %arg13[%dma_wait3A_495, %dma_wait3A_496] : memref<10240x128xf32, #tpu.memory_space<vmem_shared>> -> memref<10240x128xf32, #tpu.memory_space<vmem_shared>>
        tpu.wait_indirect_dma semaphore(%run_scoped3A_485 : memref<!tpu.dma_semaphore, #tpu.memory_space<semaphore_mem>>) src(%arg12 : memref<128x128xf32, #tpu.memory_space<vmem>>) dst(%dma_wait3A_497 : memref<10240x128xf32, #tpu.memory_space<vmem_shared>>)
        tpu.yield
      }) : () -> ()
      %add3A_263 = arith.constant 2 : i32
      %add3A_264 = arith.addi %add3A_73, %add3A_263 : i32
      %mul3A_265 = arith.constant 2048 : i32
      %mul3A_266 = arith.muli %add3A_264, %mul3A_265 : i32
      %add3A_267 = arith.addi %mul3A_4, %mul3A_266 : i32
      %mul3A_268 = arith.constant 16 : i32
      %mul3A_269 = arith.muli %add3A_264, %mul3A_268 : i32
      %add3A_270 = arith.addi %mul3A_8, %mul3A_269 : i32
      %dma_start3A_271 = tpu.memref_slice %arg3[%add3A_267] : memref<786432xi32, #tpu.memory_space<hbm>> -> memref<2048xi32, #tpu.memory_space<hbm>>
      %dma_start3A_272 = tpu.memref_slice %arg3[%add3A_267] : memref<786432xi32, #tpu.memory_space<hbm>> -> memref<2048xi32, #tpu.memory_space<hbm>>
      tpu.enqueue_dma source(%dma_start3A_272 : memref<2048xi32, #tpu.memory_space<hbm>>) target(%arg7 : memref<2048xi32, #tpu.memory_space<vmem>>) target_semaphore(%arg16 : memref<!tpu.dma_semaphore, #tpu.memory_space<semaphore_mem>>)
      %dma_start3A_273 = arith.constant 0 : i32
      %dma_start3A_274 = tpu.memref_slice %arg4[%add3A_270, %dma_start3A_273] : memref<6144x128xi32, #tpu.memory_space<hbm>> -> memref<16x128xi32, #tpu.memory_space<hbm>>
      %dma_start3A_275 = arith.constant 0 : i32
      %dma_start3A_276 = tpu.memref_slice %arg4[%add3A_270, %dma_start3A_275] : memref<6144x128xi32, #tpu.memory_space<hbm>> -> memref<16x128xi32, #tpu.memory_space<hbm>>
      tpu.enqueue_dma source(%dma_start3A_276 : memref<16x128xi32, #tpu.memory_space<hbm>>) target(%arg9 : memref<16x128xi32, #tpu.memory_space<vmem>>) target_semaphore(%arg16 : memref<!tpu.dma_semaphore, #tpu.memory_space<semaphore_mem>>)
      %mul3A_277 = arith.constant 2 : i32
      %mul3A_278 = arith.muli %scan3A_69, %mul3A_277 : i32
      %add3A_279 = arith.constant 1 : i32
      %add3A_280 = arith.addi %mul3A_278, %add3A_279 : i32
      %dma_wait3A_281 = arith.constant 0 : i32
      %dma_wait3A_282 = tpu.memref_slice %arg8[%dma_wait3A_281] : memref<2048xi32, #tpu.memory_space<vmem>> -> memref<128xi32, #tpu.memory_space<vmem>>
      %dma_wait3A_283 = arith.constant 0 : i32
      %dma_wait3A_284 = arith.constant 0 : i32
      %dma_wait3A_285 = tpu.memref_slice %arg2[%dma_wait3A_283, %dma_wait3A_284] : memref<10000x128xf32, #tpu.memory_space<hbm>> -> memref<10000x128xf32, #tpu.memory_space<hbm>>
      tpu.wait_indirect_dma semaphore(%arg14 : memref<!tpu.dma_semaphore, #tpu.memory_space<semaphore_mem>>) src(%dma_wait3A_285 : memref<10000x128xf32, #tpu.memory_space<hbm>>) dst(%arg11 : memref<128x128xf32, #tpu.memory_space<vmem>>)
      %dma_start3A_286 = arith.constant 128 : i32
      %dma_start3A_287 = tpu.memref_slice %arg8[%dma_start3A_286] : memref<2048xi32, #tpu.memory_space<vmem>> -> memref<128xi32, #tpu.memory_space<vmem>>
      %dma_start3A_288 = arith.constant 0 : i32
      %dma_start3A_289 = arith.constant 0 : i32
      %dma_start3A_290 = tpu.memref_slice %arg2[%dma_start3A_288, %dma_start3A_289] : memref<10000x128xf32, #tpu.memory_space<hbm>> -> memref<10000x128xf32, #tpu.memory_space<hbm>>
      tpu.enqueue_indirect_dma source(%dma_start3A_290 : memref<10000x128xf32, #tpu.memory_space<hbm>>) target(%arg12 : memref<128x128xf32, #tpu.memory_space<vmem>>) offsets(%dma_start3A_287 : memref<128xi32, #tpu.memory_space<vmem>>) semaphore(%arg15 : memref<!tpu.dma_semaphore, #tpu.memory_space<semaphore_mem>>)
      %run_scoped3A_291 = arith.constant 0 : i32
      "tpu.region"() ({
        %run_scoped3A_485 = tpu.sem_alloc : memref<!tpu.dma_semaphore, #tpu.memory_space<semaphore_mem>>
        %dma_start3A_486 = arith.constant 0 : i32
        %dma_start3A_487 = tpu.memref_slice %arg10[%run_scoped3A_291, %dma_start3A_486] : memref<16x128xi32, #tpu.memory_space<vmem>> -> memref<1x128xi32, #tpu.memory_space<vmem>>
        %dma_start3A_488 = tpu.memref_squeeze %dma_start3A_487 : memref<1x128xi32, #tpu.memory_space<vmem>> -> memref<128xi32, #tpu.memory_space<vmem>>
        %dma_start3A_489 = arith.constant 0 : i32
        %dma_start3A_490 = arith.constant 0 : i32
        %dma_start3A_491 = tpu.memref_slice %arg13[%dma_start3A_489, %dma_start3A_490] : memref<10240x128xf32, #tpu.memory_space<vmem_shared>> -> memref<10240x128xf32, #tpu.memory_space<vmem_shared>>
        tpu.enqueue_indirect_dma source(%arg11 : memref<128x128xf32, #tpu.memory_space<vmem>>) target(%dma_start3A_491 : memref<10240x128xf32, #tpu.memory_space<vmem_shared>>) offsets(%dma_start3A_488 : memref<128xi32, #tpu.memory_space<vmem>>) semaphore(%run_scoped3A_485 : memref<!tpu.dma_semaphore, #tpu.memory_space<semaphore_mem>>) {add = true}
        %dma_wait3A_492 = arith.constant 0 : i32
        %dma_wait3A_493 = tpu.memref_slice %arg10[%run_scoped3A_291, %dma_wait3A_492] : memref<16x128xi32, #tpu.memory_space<vmem>> -> memref<1x128xi32, #tpu.memory_space<vmem>>
        %dma_wait3A_494 = tpu.memref_squeeze %dma_wait3A_493 : memref<1x128xi32, #tpu.memory_space<vmem>> -> memref<128xi32, #tpu.memory_space<vmem>>
        %dma_wait3A_495 = arith.constant 0 : i32
        %dma_wait3A_496 = arith.constant 0 : i32
        %dma_wait3A_497 = tpu.memref_slice %arg13[%dma_wait3A_495, %dma_wait3A_496] : memref<10240x128xf32, #tpu.memory_space<vmem_shared>> -> memref<10240x128xf32, #tpu.memory_space<vmem_shared>>
        tpu.wait_indirect_dma semaphore(%run_scoped3A_485 : memref<!tpu.dma_semaphore, #tpu.memory_space<semaphore_mem>>) src(%arg11 : memref<128x128xf32, #tpu.memory_space<vmem>>) dst(%dma_wait3A_497 : memref<10240x128xf32, #tpu.memory_space<vmem_shared>>)
        tpu.yield
      }) : () -> ()
      %dma_wait3A_292 = arith.constant 128 : i32
      %dma_wait3A_293 = tpu.memref_slice %arg8[%dma_wait3A_292] : memref<2048xi32, #tpu.memory_space<vmem>> -> memref<128xi32, #tpu.memory_space<vmem>>
      %dma_wait3A_294 = arith.constant 0 : i32
      %dma_wait3A_295 = arith.constant 0 : i32
      %dma_wait3A_296 = tpu.memref_slice %arg2[%dma_wait3A_294, %dma_wait3A_295] : memref<10000x128xf32, #tpu.memory_space<hbm>> -> memref<10000x128xf32, #tpu.memory_space<hbm>>
      tpu.wait_indirect_dma semaphore(%arg15 : memref<!tpu.dma_semaphore, #tpu.memory_space<semaphore_mem>>) src(%dma_wait3A_296 : memref<10000x128xf32, #tpu.memory_space<hbm>>) dst(%arg12 : memref<128x128xf32, #tpu.memory_space<vmem>>)
      %dma_start3A_297 = arith.constant 256 : i32
      %dma_start3A_298 = tpu.memref_slice %arg8[%dma_start3A_297] : memref<2048xi32, #tpu.memory_space<vmem>> -> memref<128xi32, #tpu.memory_space<vmem>>
      %dma_start3A_299 = arith.constant 0 : i32
      %dma_start3A_300 = arith.constant 0 : i32
      %dma_start3A_301 = tpu.memref_slice %arg2[%dma_start3A_299, %dma_start3A_300] : memref<10000x128xf32, #tpu.memory_space<hbm>> -> memref<10000x128xf32, #tpu.memory_space<hbm>>
      tpu.enqueue_indirect_dma source(%dma_start3A_301 : memref<10000x128xf32, #tpu.memory_space<hbm>>) target(%arg11 : memref<128x128xf32, #tpu.memory_space<vmem>>) offsets(%dma_start3A_298 : memref<128xi32, #tpu.memory_space<vmem>>) semaphore(%arg14 : memref<!tpu.dma_semaphore, #tpu.memory_space<semaphore_mem>>)
      %run_scoped3A_302 = arith.constant 1 : i32
      "tpu.region"() ({
        %run_scoped3A_485 = tpu.sem_alloc : memref<!tpu.dma_semaphore, #tpu.memory_space<semaphore_mem>>
        %dma_start3A_486 = arith.constant 0 : i32
        %dma_start3A_487 = tpu.memref_slice %arg10[%run_scoped3A_302, %dma_start3A_486] : memref<16x128xi32, #tpu.memory_space<vmem>> -> memref<1x128xi32, #tpu.memory_space<vmem>>
        %dma_start3A_488 = tpu.memref_squeeze %dma_start3A_487 : memref<1x128xi32, #tpu.memory_space<vmem>> -> memref<128xi32, #tpu.memory_space<vmem>>
        %dma_start3A_489 = arith.constant 0 : i32
        %dma_start3A_490 = arith.constant 0 : i32
        %dma_start3A_491 = tpu.memref_slice %arg13[%dma_start3A_489, %dma_start3A_490] : memref<10240x128xf32, #tpu.memory_space<vmem_shared>> -> memref<10240x128xf32, #tpu.memory_space<vmem_shared>>
        tpu.enqueue_indirect_dma source(%arg12 : memref<128x128xf32, #tpu.memory_space<vmem>>) target(%dma_start3A_491 : memref<10240x128xf32, #tpu.memory_space<vmem_shared>>) offsets(%dma_start3A_488 : memref<128xi32, #tpu.memory_space<vmem>>) semaphore(%run_scoped3A_485 : memref<!tpu.dma_semaphore, #tpu.memory_space<semaphore_mem>>) {add = true}
        %dma_wait3A_492 = arith.constant 0 : i32
        %dma_wait3A_493 = tpu.memref_slice %arg10[%run_scoped3A_302, %dma_wait3A_492] : memref<16x128xi32, #tpu.memory_space<vmem>> -> memref<1x128xi32, #tpu.memory_space<vmem>>
        %dma_wait3A_494 = tpu.memref_squeeze %dma_wait3A_493 : memref<1x128xi32, #tpu.memory_space<vmem>> -> memref<128xi32, #tpu.memory_space<vmem>>
        %dma_wait3A_495 = arith.constant 0 : i32
        %dma_wait3A_496 = arith.constant 0 : i32
        %dma_wait3A_497 = tpu.memref_slice %arg13[%dma_wait3A_495, %dma_wait3A_496] : memref<10240x128xf32, #tpu.memory_space<vmem_shared>> -> memref<10240x128xf32, #tpu.memory_space<vmem_shared>>
        tpu.wait_indirect_dma semaphore(%run_scoped3A_485 : memref<!tpu.dma_semaphore, #tpu.memory_space<semaphore_mem>>) src(%arg12 : memref<128x128xf32, #tpu.memory_space<vmem>>) dst(%dma_wait3A_497 : memref<10240x128xf32, #tpu.memory_space<vmem_shared>>)
        tpu.yield
      }) : () -> ()
      %dma_wait3A_303 = arith.constant 256 : i32
      %dma_wait3A_304 = tpu.memref_slice %arg8[%dma_wait3A_303] : memref<2048xi32, #tpu.memory_space<vmem>> -> memref<128xi32, #tpu.memory_space<vmem>>
      %dma_wait3A_305 = arith.constant 0 : i32
      %dma_wait3A_306 = arith.constant 0 : i32
      %dma_wait3A_307 = tpu.memref_slice %arg2[%dma_wait3A_305, %dma_wait3A_306] : memref<10000x128xf32, #tpu.memory_space<hbm>> -> memref<10000x128xf32, #tpu.memory_space<hbm>>
      tpu.wait_indirect_dma semaphore(%arg14 : memref<!tpu.dma_semaphore, #tpu.memory_space<semaphore_mem>>) src(%dma_wait3A_307 : memref<10000x128xf32, #tpu.memory_space<hbm>>) dst(%arg11 : memref<128x128xf32, #tpu.memory_space<vmem>>)
      %dma_start3A_308 = arith.constant 384 : i32
      %dma_start3A_309 = tpu.memref_slice %arg8[%dma_start3A_308] : memref<2048xi32, #tpu.memory_space<vmem>> -> memref<128xi32, #tpu.memory_space<vmem>>
      %dma_start3A_310 = arith.constant 0 : i32
      %dma_start3A_311 = arith.constant 0 : i32
      %dma_start3A_312 = tpu.memref_slice %arg2[%dma_start3A_310, %dma_start3A_311] : memref<10000x128xf32, #tpu.memory_space<hbm>> -> memref<10000x128xf32, #tpu.memory_space<hbm>>
      tpu.enqueue_indirect_dma source(%dma_start3A_312 : memref<10000x128xf32, #tpu.memory_space<hbm>>) target(%arg12 : memref<128x128xf32, #tpu.memory_space<vmem>>) offsets(%dma_start3A_309 : memref<128xi32, #tpu.memory_space<vmem>>) semaphore(%arg15 : memref<!tpu.dma_semaphore, #tpu.memory_space<semaphore_mem>>)
      %run_scoped3A_313 = arith.constant 2 : i32
      "tpu.region"() ({
        %run_scoped3A_485 = tpu.sem_alloc : memref<!tpu.dma_semaphore, #tpu.memory_space<semaphore_mem>>
        %dma_start3A_486 = arith.constant 0 : i32
        %dma_start3A_487 = tpu.memref_slice %arg10[%run_scoped3A_313, %dma_start3A_486] : memref<16x128xi32, #tpu.memory_space<vmem>> -> memref<1x128xi32, #tpu.memory_space<vmem>>
        %dma_start3A_488 = tpu.memref_squeeze %dma_start3A_487 : memref<1x128xi32, #tpu.memory_space<vmem>> -> memref<128xi32, #tpu.memory_space<vmem>>
        %dma_start3A_489 = arith.constant 0 : i32
        %dma_start3A_490 = arith.constant 0 : i32
        %dma_start3A_491 = tpu.memref_slice %arg13[%dma_start3A_489, %dma_start3A_490] : memref<10240x128xf32, #tpu.memory_space<vmem_shared>> -> memref<10240x128xf32, #tpu.memory_space<vmem_shared>>
        tpu.enqueue_indirect_dma source(%arg11 : memref<128x128xf32, #tpu.memory_space<vmem>>) target(%dma_start3A_491 : memref<10240x128xf32, #tpu.memory_space<vmem_shared>>) offsets(%dma_start3A_488 : memref<128xi32, #tpu.memory_space<vmem>>) semaphore(%run_scoped3A_485 : memref<!tpu.dma_semaphore, #tpu.memory_space<semaphore_mem>>) {add = true}
        %dma_wait3A_492 = arith.constant 0 : i32
        %dma_wait3A_493 = tpu.memref_slice %arg10[%run_scoped3A_313, %dma_wait3A_492] : memref<16x128xi32, #tpu.memory_space<vmem>> -> memref<1x128xi32, #tpu.memory_space<vmem>>
        %dma_wait3A_494 = tpu.memref_squeeze %dma_wait3A_493 : memref<1x128xi32, #tpu.memory_space<vmem>> -> memref<128xi32, #tpu.memory_space<vmem>>
        %dma_wait3A_495 = arith.constant 0 : i32
        %dma_wait3A_496 = arith.constant 0 : i32
        %dma_wait3A_497 = tpu.memref_slice %arg13[%dma_wait3A_495, %dma_wait3A_496] : memref<10240x128xf32, #tpu.memory_space<vmem_shared>> -> memref<10240x128xf32, #tpu.memory_space<vmem_shared>>
        tpu.wait_indirect_dma semaphore(%run_scoped3A_485 : memref<!tpu.dma_semaphore, #tpu.memory_space<semaphore_mem>>) src(%arg11 : memref<128x128xf32, #tpu.memory_space<vmem>>) dst(%dma_wait3A_497 : memref<10240x128xf32, #tpu.memory_space<vmem_shared>>)
        tpu.yield
      }) : () -> ()
      %dma_wait3A_314 = arith.constant 384 : i32
      %dma_wait3A_315 = tpu.memref_slice %arg8[%dma_wait3A_314] : memref<2048xi32, #tpu.memory_space<vmem>> -> memref<128xi32, #tpu.memory_space<vmem>>
      %dma_wait3A_316 = arith.constant 0 : i32
      %dma_wait3A_317 = arith.constant 0 : i32
      %dma_wait3A_318 = tpu.memref_slice %arg2[%dma_wait3A_316, %dma_wait3A_317] : memref<10000x128xf32, #tpu.memory_space<hbm>> -> memref<10000x128xf32, #tpu.memory_space<hbm>>
      tpu.wait_indirect_dma semaphore(%arg15 : memref<!tpu.dma_semaphore, #tpu.memory_space<semaphore_mem>>) src(%dma_wait3A_318 : memref<10000x128xf32, #tpu.memory_space<hbm>>) dst(%arg12 : memref<128x128xf32, #tpu.memory_space<vmem>>)
      %dma_start3A_319 = arith.constant 512 : i32
      %dma_start3A_320 = tpu.memref_slice %arg8[%dma_start3A_319] : memref<2048xi32, #tpu.memory_space<vmem>> -> memref<128xi32, #tpu.memory_space<vmem>>
      %dma_start3A_321 = arith.constant 0 : i32
      %dma_start3A_322 = arith.constant 0 : i32
      %dma_start3A_323 = tpu.memref_slice %arg2[%dma_start3A_321, %dma_start3A_322] : memref<10000x128xf32, #tpu.memory_space<hbm>> -> memref<10000x128xf32, #tpu.memory_space<hbm>>
      tpu.enqueue_indirect_dma source(%dma_start3A_323 : memref<10000x128xf32, #tpu.memory_space<hbm>>) target(%arg11 : memref<128x128xf32, #tpu.memory_space<vmem>>) offsets(%dma_start3A_320 : memref<128xi32, #tpu.memory_space<vmem>>) semaphore(%arg14 : memref<!tpu.dma_semaphore, #tpu.memory_space<semaphore_mem>>)
      %run_scoped3A_324 = arith.constant 3 : i32
      "tpu.region"() ({
        %run_scoped3A_485 = tpu.sem_alloc : memref<!tpu.dma_semaphore, #tpu.memory_space<semaphore_mem>>
        %dma_start3A_486 = arith.constant 0 : i32
        %dma_start3A_487 = tpu.memref_slice %arg10[%run_scoped3A_324, %dma_start3A_486] : memref<16x128xi32, #tpu.memory_space<vmem>> -> memref<1x128xi32, #tpu.memory_space<vmem>>
        %dma_start3A_488 = tpu.memref_squeeze %dma_start3A_487 : memref<1x128xi32, #tpu.memory_space<vmem>> -> memref<128xi32, #tpu.memory_space<vmem>>
        %dma_start3A_489 = arith.constant 0 : i32
        %dma_start3A_490 = arith.constant 0 : i32
        %dma_start3A_491 = tpu.memref_slice %arg13[%dma_start3A_489, %dma_start3A_490] : memref<10240x128xf32, #tpu.memory_space<vmem_shared>> -> memref<10240x128xf32, #tpu.memory_space<vmem_shared>>
        tpu.enqueue_indirect_dma source(%arg12 : memref<128x128xf32, #tpu.memory_space<vmem>>) target(%dma_start3A_491 : memref<10240x128xf32, #tpu.memory_space<vmem_shared>>) offsets(%dma_start3A_488 : memref<128xi32, #tpu.memory_space<vmem>>) semaphore(%run_scoped3A_485 : memref<!tpu.dma_semaphore, #tpu.memory_space<semaphore_mem>>) {add = true}
        %dma_wait3A_492 = arith.constant 0 : i32
        %dma_wait3A_493 = tpu.memref_slice %arg10[%run_scoped3A_324, %dma_wait3A_492] : memref<16x128xi32, #tpu.memory_space<vmem>> -> memref<1x128xi32, #tpu.memory_space<vmem>>
        %dma_wait3A_494 = tpu.memref_squeeze %dma_wait3A_493 : memref<1x128xi32, #tpu.memory_space<vmem>> -> memref<128xi32, #tpu.memory_space<vmem>>
        %dma_wait3A_495 = arith.constant 0 : i32
        %dma_wait3A_496 = arith.constant 0 : i32
        %dma_wait3A_497 = tpu.memref_slice %arg13[%dma_wait3A_495, %dma_wait3A_496] : memref<10240x128xf32, #tpu.memory_space<vmem_shared>> -> memref<10240x128xf32, #tpu.memory_space<vmem_shared>>
        tpu.wait_indirect_dma semaphore(%run_scoped3A_485 : memref<!tpu.dma_semaphore, #tpu.memory_space<semaphore_mem>>) src(%arg12 : memref<128x128xf32, #tpu.memory_space<vmem>>) dst(%dma_wait3A_497 : memref<10240x128xf32, #tpu.memory_space<vmem_shared>>)
        tpu.yield
      }) : () -> ()
      %dma_wait3A_325 = arith.constant 512 : i32
      %dma_wait3A_326 = tpu.memref_slice %arg8[%dma_wait3A_325] : memref<2048xi32, #tpu.memory_space<vmem>> -> memref<128xi32, #tpu.memory_space<vmem>>
      %dma_wait3A_327 = arith.constant 0 : i32
      %dma_wait3A_328 = arith.constant 0 : i32
      %dma_wait3A_329 = tpu.memref_slice %arg2[%dma_wait3A_327, %dma_wait3A_328] : memref<10000x128xf32, #tpu.memory_space<hbm>> -> memref<10000x128xf32, #tpu.memory_space<hbm>>
      tpu.wait_indirect_dma semaphore(%arg14 : memref<!tpu.dma_semaphore, #tpu.memory_space<semaphore_mem>>) src(%dma_wait3A_329 : memref<10000x128xf32, #tpu.memory_space<hbm>>) dst(%arg11 : memref<128x128xf32, #tpu.memory_space<vmem>>)
      %dma_start3A_330 = arith.constant 640 : i32
      %dma_start3A_331 = tpu.memref_slice %arg8[%dma_start3A_330] : memref<2048xi32, #tpu.memory_space<vmem>> -> memref<128xi32, #tpu.memory_space<vmem>>
      %dma_start3A_332 = arith.constant 0 : i32
      %dma_start3A_333 = arith.constant 0 : i32
      %dma_start3A_334 = tpu.memref_slice %arg2[%dma_start3A_332, %dma_start3A_333] : memref<10000x128xf32, #tpu.memory_space<hbm>> -> memref<10000x128xf32, #tpu.memory_space<hbm>>
      tpu.enqueue_indirect_dma source(%dma_start3A_334 : memref<10000x128xf32, #tpu.memory_space<hbm>>) target(%arg12 : memref<128x128xf32, #tpu.memory_space<vmem>>) offsets(%dma_start3A_331 : memref<128xi32, #tpu.memory_space<vmem>>) semaphore(%arg15 : memref<!tpu.dma_semaphore, #tpu.memory_space<semaphore_mem>>)
      %run_scoped3A_335 = arith.constant 4 : i32
      "tpu.region"() ({
        %run_scoped3A_485 = tpu.sem_alloc : memref<!tpu.dma_semaphore, #tpu.memory_space<semaphore_mem>>
        %dma_start3A_486 = arith.constant 0 : i32
        %dma_start3A_487 = tpu.memref_slice %arg10[%run_scoped3A_335, %dma_start3A_486] : memref<16x128xi32, #tpu.memory_space<vmem>> -> memref<1x128xi32, #tpu.memory_space<vmem>>
        %dma_start3A_488 = tpu.memref_squeeze %dma_start3A_487 : memref<1x128xi32, #tpu.memory_space<vmem>> -> memref<128xi32, #tpu.memory_space<vmem>>
        %dma_start3A_489 = arith.constant 0 : i32
        %dma_start3A_490 = arith.constant 0 : i32
        %dma_start3A_491 = tpu.memref_slice %arg13[%dma_start3A_489, %dma_start3A_490] : memref<10240x128xf32, #tpu.memory_space<vmem_shared>> -> memref<10240x128xf32, #tpu.memory_space<vmem_shared>>
        tpu.enqueue_indirect_dma source(%arg11 : memref<128x128xf32, #tpu.memory_space<vmem>>) target(%dma_start3A_491 : memref<10240x128xf32, #tpu.memory_space<vmem_shared>>) offsets(%dma_start3A_488 : memref<128xi32, #tpu.memory_space<vmem>>) semaphore(%run_scoped3A_485 : memref<!tpu.dma_semaphore, #tpu.memory_space<semaphore_mem>>) {add = true}
        %dma_wait3A_492 = arith.constant 0 : i32
        %dma_wait3A_493 = tpu.memref_slice %arg10[%run_scoped3A_335, %dma_wait3A_492] : memref<16x128xi32, #tpu.memory_space<vmem>> -> memref<1x128xi32, #tpu.memory_space<vmem>>
        %dma_wait3A_494 = tpu.memref_squeeze %dma_wait3A_493 : memref<1x128xi32, #tpu.memory_space<vmem>> -> memref<128xi32, #tpu.memory_space<vmem>>
        %dma_wait3A_495 = arith.constant 0 : i32
        %dma_wait3A_496 = arith.constant 0 : i32
        %dma_wait3A_497 = tpu.memref_slice %arg13[%dma_wait3A_495, %dma_wait3A_496] : memref<10240x128xf32, #tpu.memory_space<vmem_shared>> -> memref<10240x128xf32, #tpu.memory_space<vmem_shared>>
        tpu.wait_indirect_dma semaphore(%run_scoped3A_485 : memref<!tpu.dma_semaphore, #tpu.memory_space<semaphore_mem>>) src(%arg11 : memref<128x128xf32, #tpu.memory_space<vmem>>) dst(%dma_wait3A_497 : memref<10240x128xf32, #tpu.memory_space<vmem_shared>>)
        tpu.yield
      }) : () -> ()
      %dma_wait3A_336 = arith.constant 640 : i32
      %dma_wait3A_337 = tpu.memref_slice %arg8[%dma_wait3A_336] : memref<2048xi32, #tpu.memory_space<vmem>> -> memref<128xi32, #tpu.memory_space<vmem>>
      %dma_wait3A_338 = arith.constant 0 : i32
      %dma_wait3A_339 = arith.constant 0 : i32
      %dma_wait3A_340 = tpu.memref_slice %arg2[%dma_wait3A_338, %dma_wait3A_339] : memref<10000x128xf32, #tpu.memory_space<hbm>> -> memref<10000x128xf32, #tpu.memory_space<hbm>>
      tpu.wait_indirect_dma semaphore(%arg15 : memref<!tpu.dma_semaphore, #tpu.memory_space<semaphore_mem>>) src(%dma_wait3A_340 : memref<10000x128xf32, #tpu.memory_space<hbm>>) dst(%arg12 : memref<128x128xf32, #tpu.memory_space<vmem>>)
      %dma_start3A_341 = arith.constant 768 : i32
      %dma_start3A_342 = tpu.memref_slice %arg8[%dma_start3A_341] : memref<2048xi32, #tpu.memory_space<vmem>> -> memref<128xi32, #tpu.memory_space<vmem>>
      %dma_start3A_343 = arith.constant 0 : i32
      %dma_start3A_344 = arith.constant 0 : i32
      %dma_start3A_345 = tpu.memref_slice %arg2[%dma_start3A_343, %dma_start3A_344] : memref<10000x128xf32, #tpu.memory_space<hbm>> -> memref<10000x128xf32, #tpu.memory_space<hbm>>
      tpu.enqueue_indirect_dma source(%dma_start3A_345 : memref<10000x128xf32, #tpu.memory_space<hbm>>) target(%arg11 : memref<128x128xf32, #tpu.memory_space<vmem>>) offsets(%dma_start3A_342 : memref<128xi32, #tpu.memory_space<vmem>>) semaphore(%arg14 : memref<!tpu.dma_semaphore, #tpu.memory_space<semaphore_mem>>)
      %run_scoped3A_346 = arith.constant 5 : i32
      "tpu.region"() ({
        %run_scoped3A_485 = tpu.sem_alloc : memref<!tpu.dma_semaphore, #tpu.memory_space<semaphore_mem>>
        %dma_start3A_486 = arith.constant 0 : i32
        %dma_start3A_487 = tpu.memref_slice %arg10[%run_scoped3A_346, %dma_start3A_486] : memref<16x128xi32, #tpu.memory_space<vmem>> -> memref<1x128xi32, #tpu.memory_space<vmem>>
        %dma_start3A_488 = tpu.memref_squeeze %dma_start3A_487 : memref<1x128xi32, #tpu.memory_space<vmem>> -> memref<128xi32, #tpu.memory_space<vmem>>
        %dma_start3A_489 = arith.constant 0 : i32
        %dma_start3A_490 = arith.constant 0 : i32
        %dma_start3A_491 = tpu.memref_slice %arg13[%dma_start3A_489, %dma_start3A_490] : memref<10240x128xf32, #tpu.memory_space<vmem_shared>> -> memref<10240x128xf32, #tpu.memory_space<vmem_shared>>
        tpu.enqueue_indirect_dma source(%arg12 : memref<128x128xf32, #tpu.memory_space<vmem>>) target(%dma_start3A_491 : memref<10240x128xf32, #tpu.memory_space<vmem_shared>>) offsets(%dma_start3A_488 : memref<128xi32, #tpu.memory_space<vmem>>) semaphore(%run_scoped3A_485 : memref<!tpu.dma_semaphore, #tpu.memory_space<semaphore_mem>>) {add = true}
        %dma_wait3A_492 = arith.constant 0 : i32
        %dma_wait3A_493 = tpu.memref_slice %arg10[%run_scoped3A_346, %dma_wait3A_492] : memref<16x128xi32, #tpu.memory_space<vmem>> -> memref<1x128xi32, #tpu.memory_space<vmem>>
        %dma_wait3A_494 = tpu.memref_squeeze %dma_wait3A_493 : memref<1x128xi32, #tpu.memory_space<vmem>> -> memref<128xi32, #tpu.memory_space<vmem>>
        %dma_wait3A_495 = arith.constant 0 : i32
        %dma_wait3A_496 = arith.constant 0 : i32
        %dma_wait3A_497 = tpu.memref_slice %arg13[%dma_wait3A_495, %dma_wait3A_496] : memref<10240x128xf32, #tpu.memory_space<vmem_shared>> -> memref<10240x128xf32, #tpu.memory_space<vmem_shared>>
        tpu.wait_indirect_dma semaphore(%run_scoped3A_485 : memref<!tpu.dma_semaphore, #tpu.memory_space<semaphore_mem>>) src(%arg12 : memref<128x128xf32, #tpu.memory_space<vmem>>) dst(%dma_wait3A_497 : memref<10240x128xf32, #tpu.memory_space<vmem_shared>>)
        tpu.yield
      }) : () -> ()
      %dma_wait3A_347 = arith.constant 768 : i32
      %dma_wait3A_348 = tpu.memref_slice %arg8[%dma_wait3A_347] : memref<2048xi32, #tpu.memory_space<vmem>> -> memref<128xi32, #tpu.memory_space<vmem>>
      %dma_wait3A_349 = arith.constant 0 : i32
      %dma_wait3A_350 = arith.constant 0 : i32
      %dma_wait3A_351 = tpu.memref_slice %arg2[%dma_wait3A_349, %dma_wait3A_350] : memref<10000x128xf32, #tpu.memory_space<hbm>> -> memref<10000x128xf32, #tpu.memory_space<hbm>>
      tpu.wait_indirect_dma semaphore(%arg14 : memref<!tpu.dma_semaphore, #tpu.memory_space<semaphore_mem>>) src(%dma_wait3A_351 : memref<10000x128xf32, #tpu.memory_space<hbm>>) dst(%arg11 : memref<128x128xf32, #tpu.memory_space<vmem>>)
      %dma_start3A_352 = arith.constant 896 : i32
      %dma_start3A_353 = tpu.memref_slice %arg8[%dma_start3A_352] : memref<2048xi32, #tpu.memory_space<vmem>> -> memref<128xi32, #tpu.memory_space<vmem>>
      %dma_start3A_354 = arith.constant 0 : i32
      %dma_start3A_355 = arith.constant 0 : i32
      %dma_start3A_356 = tpu.memref_slice %arg2[%dma_start3A_354, %dma_start3A_355] : memref<10000x128xf32, #tpu.memory_space<hbm>> -> memref<10000x128xf32, #tpu.memory_space<hbm>>
      tpu.enqueue_indirect_dma source(%dma_start3A_356 : memref<10000x128xf32, #tpu.memory_space<hbm>>) target(%arg12 : memref<128x128xf32, #tpu.memory_space<vmem>>) offsets(%dma_start3A_353 : memref<128xi32, #tpu.memory_space<vmem>>) semaphore(%arg15 : memref<!tpu.dma_semaphore, #tpu.memory_space<semaphore_mem>>)
      %run_scoped3A_357 = arith.constant 6 : i32
      "tpu.region"() ({
        %run_scoped3A_485 = tpu.sem_alloc : memref<!tpu.dma_semaphore, #tpu.memory_space<semaphore_mem>>
        %dma_start3A_486 = arith.constant 0 : i32
        %dma_start3A_487 = tpu.memref_slice %arg10[%run_scoped3A_357, %dma_start3A_486] : memref<16x128xi32, #tpu.memory_space<vmem>> -> memref<1x128xi32, #tpu.memory_space<vmem>>
        %dma_start3A_488 = tpu.memref_squeeze %dma_start3A_487 : memref<1x128xi32, #tpu.memory_space<vmem>> -> memref<128xi32, #tpu.memory_space<vmem>>
        %dma_start3A_489 = arith.constant 0 : i32
        %dma_start3A_490 = arith.constant 0 : i32
        %dma_start3A_491 = tpu.memref_slice %arg13[%dma_start3A_489, %dma_start3A_490] : memref<10240x128xf32, #tpu.memory_space<vmem_shared>> -> memref<10240x128xf32, #tpu.memory_space<vmem_shared>>
        tpu.enqueue_indirect_dma source(%arg11 : memref<128x128xf32, #tpu.memory_space<vmem>>) target(%dma_start3A_491 : memref<10240x128xf32, #tpu.memory_space<vmem_shared>>) offsets(%dma_start3A_488 : memref<128xi32, #tpu.memory_space<vmem>>) semaphore(%run_scoped3A_485 : memref<!tpu.dma_semaphore, #tpu.memory_space<semaphore_mem>>) {add = true}
        %dma_wait3A_492 = arith.constant 0 : i32
        %dma_wait3A_493 = tpu.memref_slice %arg10[%run_scoped3A_357, %dma_wait3A_492] : memref<16x128xi32, #tpu.memory_space<vmem>> -> memref<1x128xi32, #tpu.memory_space<vmem>>
        %dma_wait3A_494 = tpu.memref_squeeze %dma_wait3A_493 : memref<1x128xi32, #tpu.memory_space<vmem>> -> memref<128xi32, #tpu.memory_space<vmem>>
        %dma_wait3A_495 = arith.constant 0 : i32
        %dma_wait3A_496 = arith.constant 0 : i32
        %dma_wait3A_497 = tpu.memref_slice %arg13[%dma_wait3A_495, %dma_wait3A_496] : memref<10240x128xf32, #tpu.memory_space<vmem_shared>> -> memref<10240x128xf32, #tpu.memory_space<vmem_shared>>
        tpu.wait_indirect_dma semaphore(%run_scoped3A_485 : memref<!tpu.dma_semaphore, #tpu.memory_space<semaphore_mem>>) src(%arg11 : memref<128x128xf32, #tpu.memory_space<vmem>>) dst(%dma_wait3A_497 : memref<10240x128xf32, #tpu.memory_space<vmem_shared>>)
        tpu.yield
      }) : () -> ()
      %dma_wait3A_358 = arith.constant 896 : i32
      %dma_wait3A_359 = tpu.memref_slice %arg8[%dma_wait3A_358] : memref<2048xi32, #tpu.memory_space<vmem>> -> memref<128xi32, #tpu.memory_space<vmem>>
      %dma_wait3A_360 = arith.constant 0 : i32
      %dma_wait3A_361 = arith.constant 0 : i32
      %dma_wait3A_362 = tpu.memref_slice %arg2[%dma_wait3A_360, %dma_wait3A_361] : memref<10000x128xf32, #tpu.memory_space<hbm>> -> memref<10000x128xf32, #tpu.memory_space<hbm>>
      tpu.wait_indirect_dma semaphore(%arg15 : memref<!tpu.dma_semaphore, #tpu.memory_space<semaphore_mem>>) src(%dma_wait3A_362 : memref<10000x128xf32, #tpu.memory_space<hbm>>) dst(%arg12 : memref<128x128xf32, #tpu.memory_space<vmem>>)
      %dma_start3A_363 = arith.constant 1024 : i32
      %dma_start3A_364 = tpu.memref_slice %arg8[%dma_start3A_363] : memref<2048xi32, #tpu.memory_space<vmem>> -> memref<128xi32, #tpu.memory_space<vmem>>
      %dma_start3A_365 = arith.constant 0 : i32
      %dma_start3A_366 = arith.constant 0 : i32
      %dma_start3A_367 = tpu.memref_slice %arg2[%dma_start3A_365, %dma_start3A_366] : memref<10000x128xf32, #tpu.memory_space<hbm>> -> memref<10000x128xf32, #tpu.memory_space<hbm>>
      tpu.enqueue_indirect_dma source(%dma_start3A_367 : memref<10000x128xf32, #tpu.memory_space<hbm>>) target(%arg11 : memref<128x128xf32, #tpu.memory_space<vmem>>) offsets(%dma_start3A_364 : memref<128xi32, #tpu.memory_space<vmem>>) semaphore(%arg14 : memref<!tpu.dma_semaphore, #tpu.memory_space<semaphore_mem>>)
      %run_scoped3A_368 = arith.constant 7 : i32
      "tpu.region"() ({
        %run_scoped3A_485 = tpu.sem_alloc : memref<!tpu.dma_semaphore, #tpu.memory_space<semaphore_mem>>
        %dma_start3A_486 = arith.constant 0 : i32
        %dma_start3A_487 = tpu.memref_slice %arg10[%run_scoped3A_368, %dma_start3A_486] : memref<16x128xi32, #tpu.memory_space<vmem>> -> memref<1x128xi32, #tpu.memory_space<vmem>>
        %dma_start3A_488 = tpu.memref_squeeze %dma_start3A_487 : memref<1x128xi32, #tpu.memory_space<vmem>> -> memref<128xi32, #tpu.memory_space<vmem>>
        %dma_start3A_489 = arith.constant 0 : i32
        %dma_start3A_490 = arith.constant 0 : i32
        %dma_start3A_491 = tpu.memref_slice %arg13[%dma_start3A_489, %dma_start3A_490] : memref<10240x128xf32, #tpu.memory_space<vmem_shared>> -> memref<10240x128xf32, #tpu.memory_space<vmem_shared>>
        tpu.enqueue_indirect_dma source(%arg12 : memref<128x128xf32, #tpu.memory_space<vmem>>) target(%dma_start3A_491 : memref<10240x128xf32, #tpu.memory_space<vmem_shared>>) offsets(%dma_start3A_488 : memref<128xi32, #tpu.memory_space<vmem>>) semaphore(%run_scoped3A_485 : memref<!tpu.dma_semaphore, #tpu.memory_space<semaphore_mem>>) {add = true}
        %dma_wait3A_492 = arith.constant 0 : i32
        %dma_wait3A_493 = tpu.memref_slice %arg10[%run_scoped3A_368, %dma_wait3A_492] : memref<16x128xi32, #tpu.memory_space<vmem>> -> memref<1x128xi32, #tpu.memory_space<vmem>>
        %dma_wait3A_494 = tpu.memref_squeeze %dma_wait3A_493 : memref<1x128xi32, #tpu.memory_space<vmem>> -> memref<128xi32, #tpu.memory_space<vmem>>
        %dma_wait3A_495 = arith.constant 0 : i32
        %dma_wait3A_496 = arith.constant 0 : i32
        %dma_wait3A_497 = tpu.memref_slice %arg13[%dma_wait3A_495, %dma_wait3A_496] : memref<10240x128xf32, #tpu.memory_space<vmem_shared>> -> memref<10240x128xf32, #tpu.memory_space<vmem_shared>>
        tpu.wait_indirect_dma semaphore(%run_scoped3A_485 : memref<!tpu.dma_semaphore, #tpu.memory_space<semaphore_mem>>) src(%arg12 : memref<128x128xf32, #tpu.memory_space<vmem>>) dst(%dma_wait3A_497 : memref<10240x128xf32, #tpu.memory_space<vmem_shared>>)
        tpu.yield
      }) : () -> ()
      %dma_wait3A_369 = arith.constant 1024 : i32
      %dma_wait3A_370 = tpu.memref_slice %arg8[%dma_wait3A_369] : memref<2048xi32, #tpu.memory_space<vmem>> -> memref<128xi32, #tpu.memory_space<vmem>>
      %dma_wait3A_371 = arith.constant 0 : i32
      %dma_wait3A_372 = arith.constant 0 : i32
      %dma_wait3A_373 = tpu.memref_slice %arg2[%dma_wait3A_371, %dma_wait3A_372] : memref<10000x128xf32, #tpu.memory_space<hbm>> -> memref<10000x128xf32, #tpu.memory_space<hbm>>
      tpu.wait_indirect_dma semaphore(%arg14 : memref<!tpu.dma_semaphore, #tpu.memory_space<semaphore_mem>>) src(%dma_wait3A_373 : memref<10000x128xf32, #tpu.memory_space<hbm>>) dst(%arg11 : memref<128x128xf32, #tpu.memory_space<vmem>>)
      %dma_start3A_374 = arith.constant 1152 : i32
      %dma_start3A_375 = tpu.memref_slice %arg8[%dma_start3A_374] : memref<2048xi32, #tpu.memory_space<vmem>> -> memref<128xi32, #tpu.memory_space<vmem>>
      %dma_start3A_376 = arith.constant 0 : i32
      %dma_start3A_377 = arith.constant 0 : i32
      %dma_start3A_378 = tpu.memref_slice %arg2[%dma_start3A_376, %dma_start3A_377] : memref<10000x128xf32, #tpu.memory_space<hbm>> -> memref<10000x128xf32, #tpu.memory_space<hbm>>
      tpu.enqueue_indirect_dma source(%dma_start3A_378 : memref<10000x128xf32, #tpu.memory_space<hbm>>) target(%arg12 : memref<128x128xf32, #tpu.memory_space<vmem>>) offsets(%dma_start3A_375 : memref<128xi32, #tpu.memory_space<vmem>>) semaphore(%arg15 : memref<!tpu.dma_semaphore, #tpu.memory_space<semaphore_mem>>)
      %run_scoped3A_379 = arith.constant 8 : i32
      "tpu.region"() ({
        %run_scoped3A_485 = tpu.sem_alloc : memref<!tpu.dma_semaphore, #tpu.memory_space<semaphore_mem>>
        %dma_start3A_486 = arith.constant 0 : i32
        %dma_start3A_487 = tpu.memref_slice %arg10[%run_scoped3A_379, %dma_start3A_486] : memref<16x128xi32, #tpu.memory_space<vmem>> -> memref<1x128xi32, #tpu.memory_space<vmem>>
        %dma_start3A_488 = tpu.memref_squeeze %dma_start3A_487 : memref<1x128xi32, #tpu.memory_space<vmem>> -> memref<128xi32, #tpu.memory_space<vmem>>
        %dma_start3A_489 = arith.constant 0 : i32
        %dma_start3A_490 = arith.constant 0 : i32
        %dma_start3A_491 = tpu.memref_slice %arg13[%dma_start3A_489, %dma_start3A_490] : memref<10240x128xf32, #tpu.memory_space<vmem_shared>> -> memref<10240x128xf32, #tpu.memory_space<vmem_shared>>
        tpu.enqueue_indirect_dma source(%arg11 : memref<128x128xf32, #tpu.memory_space<vmem>>) target(%dma_start3A_491 : memref<10240x128xf32, #tpu.memory_space<vmem_shared>>) offsets(%dma_start3A_488 : memref<128xi32, #tpu.memory_space<vmem>>) semaphore(%run_scoped3A_485 : memref<!tpu.dma_semaphore, #tpu.memory_space<semaphore_mem>>) {add = true}
        %dma_wait3A_492 = arith.constant 0 : i32
        %dma_wait3A_493 = tpu.memref_slice %arg10[%run_scoped3A_379, %dma_wait3A_492] : memref<16x128xi32, #tpu.memory_space<vmem>> -> memref<1x128xi32, #tpu.memory_space<vmem>>
        %dma_wait3A_494 = tpu.memref_squeeze %dma_wait3A_493 : memref<1x128xi32, #tpu.memory_space<vmem>> -> memref<128xi32, #tpu.memory_space<vmem>>
        %dma_wait3A_495 = arith.constant 0 : i32
        %dma_wait3A_496 = arith.constant 0 : i32
        %dma_wait3A_497 = tpu.memref_slice %arg13[%dma_wait3A_495, %dma_wait3A_496] : memref<10240x128xf32, #tpu.memory_space<vmem_shared>> -> memref<10240x128xf32, #tpu.memory_space<vmem_shared>>
        tpu.wait_indirect_dma semaphore(%run_scoped3A_485 : memref<!tpu.dma_semaphore, #tpu.memory_space<semaphore_mem>>) src(%arg11 : memref<128x128xf32, #tpu.memory_space<vmem>>) dst(%dma_wait3A_497 : memref<10240x128xf32, #tpu.memory_space<vmem_shared>>)
        tpu.yield
      }) : () -> ()
      %dma_wait3A_380 = arith.constant 1152 : i32
      %dma_wait3A_381 = tpu.memref_slice %arg8[%dma_wait3A_380] : memref<2048xi32, #tpu.memory_space<vmem>> -> memref<128xi32, #tpu.memory_space<vmem>>
      %dma_wait3A_382 = arith.constant 0 : i32
      %dma_wait3A_383 = arith.constant 0 : i32
      %dma_wait3A_384 = tpu.memref_slice %arg2[%dma_wait3A_382, %dma_wait3A_383] : memref<10000x128xf32, #tpu.memory_space<hbm>> -> memref<10000x128xf32, #tpu.memory_space<hbm>>
      tpu.wait_indirect_dma semaphore(%arg15 : memref<!tpu.dma_semaphore, #tpu.memory_space<semaphore_mem>>) src(%dma_wait3A_384 : memref<10000x128xf32, #tpu.memory_space<hbm>>) dst(%arg12 : memref<128x128xf32, #tpu.memory_space<vmem>>)
      %dma_start3A_385 = arith.constant 1280 : i32
      %dma_start3A_386 = tpu.memref_slice %arg8[%dma_start3A_385] : memref<2048xi32, #tpu.memory_space<vmem>> -> memref<128xi32, #tpu.memory_space<vmem>>
      %dma_start3A_387 = arith.constant 0 : i32
      %dma_start3A_388 = arith.constant 0 : i32
      %dma_start3A_389 = tpu.memref_slice %arg2[%dma_start3A_387, %dma_start3A_388] : memref<10000x128xf32, #tpu.memory_space<hbm>> -> memref<10000x128xf32, #tpu.memory_space<hbm>>
      tpu.enqueue_indirect_dma source(%dma_start3A_389 : memref<10000x128xf32, #tpu.memory_space<hbm>>) target(%arg11 : memref<128x128xf32, #tpu.memory_space<vmem>>) offsets(%dma_start3A_386 : memref<128xi32, #tpu.memory_space<vmem>>) semaphore(%arg14 : memref<!tpu.dma_semaphore, #tpu.memory_space<semaphore_mem>>)
      %run_scoped3A_390 = arith.constant 9 : i32
      "tpu.region"() ({
        %run_scoped3A_485 = tpu.sem_alloc : memref<!tpu.dma_semaphore, #tpu.memory_space<semaphore_mem>>
        %dma_start3A_486 = arith.constant 0 : i32
        %dma_start3A_487 = tpu.memref_slice %arg10[%run_scoped3A_390, %dma_start3A_486] : memref<16x128xi32, #tpu.memory_space<vmem>> -> memref<1x128xi32, #tpu.memory_space<vmem>>
        %dma_start3A_488 = tpu.memref_squeeze %dma_start3A_487 : memref<1x128xi32, #tpu.memory_space<vmem>> -> memref<128xi32, #tpu.memory_space<vmem>>
        %dma_start3A_489 = arith.constant 0 : i32
        %dma_start3A_490 = arith.constant 0 : i32
        %dma_start3A_491 = tpu.memref_slice %arg13[%dma_start3A_489, %dma_start3A_490] : memref<10240x128xf32, #tpu.memory_space<vmem_shared>> -> memref<10240x128xf32, #tpu.memory_space<vmem_shared>>
        tpu.enqueue_indirect_dma source(%arg12 : memref<128x128xf32, #tpu.memory_space<vmem>>) target(%dma_start3A_491 : memref<10240x128xf32, #tpu.memory_space<vmem_shared>>) offsets(%dma_start3A_488 : memref<128xi32, #tpu.memory_space<vmem>>) semaphore(%run_scoped3A_485 : memref<!tpu.dma_semaphore, #tpu.memory_space<semaphore_mem>>) {add = true}
        %dma_wait3A_492 = arith.constant 0 : i32
        %dma_wait3A_493 = tpu.memref_slice %arg10[%run_scoped3A_390, %dma_wait3A_492] : memref<16x128xi32, #tpu.memory_space<vmem>> -> memref<1x128xi32, #tpu.memory_space<vmem>>
        %dma_wait3A_494 = tpu.memref_squeeze %dma_wait3A_493 : memref<1x128xi32, #tpu.memory_space<vmem>> -> memref<128xi32, #tpu.memory_space<vmem>>
        %dma_wait3A_495 = arith.constant 0 : i32
        %dma_wait3A_496 = arith.constant 0 : i32
        %dma_wait3A_497 = tpu.memref_slice %arg13[%dma_wait3A_495, %dma_wait3A_496] : memref<10240x128xf32, #tpu.memory_space<vmem_shared>> -> memref<10240x128xf32, #tpu.memory_space<vmem_shared>>
        tpu.wait_indirect_dma semaphore(%run_scoped3A_485 : memref<!tpu.dma_semaphore, #tpu.memory_space<semaphore_mem>>) src(%arg12 : memref<128x128xf32, #tpu.memory_space<vmem>>) dst(%dma_wait3A_497 : memref<10240x128xf32, #tpu.memory_space<vmem_shared>>)
        tpu.yield
      }) : () -> ()
      %dma_wait3A_391 = arith.constant 1280 : i32
      %dma_wait3A_392 = tpu.memref_slice %arg8[%dma_wait3A_391] : memref<2048xi32, #tpu.memory_space<vmem>> -> memref<128xi32, #tpu.memory_space<vmem>>
      %dma_wait3A_393 = arith.constant 0 : i32
      %dma_wait3A_394 = arith.constant 0 : i32
      %dma_wait3A_395 = tpu.memref_slice %arg2[%dma_wait3A_393, %dma_wait3A_394] : memref<10000x128xf32, #tpu.memory_space<hbm>> -> memref<10000x128xf32, #tpu.memory_space<hbm>>
      tpu.wait_indirect_dma semaphore(%arg14 : memref<!tpu.dma_semaphore, #tpu.memory_space<semaphore_mem>>) src(%dma_wait3A_395 : memref<10000x128xf32, #tpu.memory_space<hbm>>) dst(%arg11 : memref<128x128xf32, #tpu.memory_space<vmem>>)
      %dma_start3A_396 = arith.constant 1408 : i32
      %dma_start3A_397 = tpu.memref_slice %arg8[%dma_start3A_396] : memref<2048xi32, #tpu.memory_space<vmem>> -> memref<128xi32, #tpu.memory_space<vmem>>
      %dma_start3A_398 = arith.constant 0 : i32
      %dma_start3A_399 = arith.constant 0 : i32
      %dma_start3A_400 = tpu.memref_slice %arg2[%dma_start3A_398, %dma_start3A_399] : memref<10000x128xf32, #tpu.memory_space<hbm>> -> memref<10000x128xf32, #tpu.memory_space<hbm>>
      tpu.enqueue_indirect_dma source(%dma_start3A_400 : memref<10000x128xf32, #tpu.memory_space<hbm>>) target(%arg12 : memref<128x128xf32, #tpu.memory_space<vmem>>) offsets(%dma_start3A_397 : memref<128xi32, #tpu.memory_space<vmem>>) semaphore(%arg15 : memref<!tpu.dma_semaphore, #tpu.memory_space<semaphore_mem>>)
      %run_scoped3A_401 = arith.constant 10 : i32
      "tpu.region"() ({
        %run_scoped3A_485 = tpu.sem_alloc : memref<!tpu.dma_semaphore, #tpu.memory_space<semaphore_mem>>
        %dma_start3A_486 = arith.constant 0 : i32
        %dma_start3A_487 = tpu.memref_slice %arg10[%run_scoped3A_401, %dma_start3A_486] : memref<16x128xi32, #tpu.memory_space<vmem>> -> memref<1x128xi32, #tpu.memory_space<vmem>>
        %dma_start3A_488 = tpu.memref_squeeze %dma_start3A_487 : memref<1x128xi32, #tpu.memory_space<vmem>> -> memref<128xi32, #tpu.memory_space<vmem>>
        %dma_start3A_489 = arith.constant 0 : i32
        %dma_start3A_490 = arith.constant 0 : i32
        %dma_start3A_491 = tpu.memref_slice %arg13[%dma_start3A_489, %dma_start3A_490] : memref<10240x128xf32, #tpu.memory_space<vmem_shared>> -> memref<10240x128xf32, #tpu.memory_space<vmem_shared>>
        tpu.enqueue_indirect_dma source(%arg11 : memref<128x128xf32, #tpu.memory_space<vmem>>) target(%dma_start3A_491 : memref<10240x128xf32, #tpu.memory_space<vmem_shared>>) offsets(%dma_start3A_488 : memref<128xi32, #tpu.memory_space<vmem>>) semaphore(%run_scoped3A_485 : memref<!tpu.dma_semaphore, #tpu.memory_space<semaphore_mem>>) {add = true}
        %dma_wait3A_492 = arith.constant 0 : i32
        %dma_wait3A_493 = tpu.memref_slice %arg10[%run_scoped3A_401, %dma_wait3A_492] : memref<16x128xi32, #tpu.memory_space<vmem>> -> memref<1x128xi32, #tpu.memory_space<vmem>>
        %dma_wait3A_494 = tpu.memref_squeeze %dma_wait3A_493 : memref<1x128xi32, #tpu.memory_space<vmem>> -> memref<128xi32, #tpu.memory_space<vmem>>
        %dma_wait3A_495 = arith.constant 0 : i32
        %dma_wait3A_496 = arith.constant 0 : i32
        %dma_wait3A_497 = tpu.memref_slice %arg13[%dma_wait3A_495, %dma_wait3A_496] : memref<10240x128xf32, #tpu.memory_space<vmem_shared>> -> memref<10240x128xf32, #tpu.memory_space<vmem_shared>>
        tpu.wait_indirect_dma semaphore(%run_scoped3A_485 : memref<!tpu.dma_semaphore, #tpu.memory_space<semaphore_mem>>) src(%arg11 : memref<128x128xf32, #tpu.memory_space<vmem>>) dst(%dma_wait3A_497 : memref<10240x128xf32, #tpu.memory_space<vmem_shared>>)
        tpu.yield
      }) : () -> ()
      %dma_wait3A_402 = arith.constant 1408 : i32
      %dma_wait3A_403 = tpu.memref_slice %arg8[%dma_wait3A_402] : memref<2048xi32, #tpu.memory_space<vmem>> -> memref<128xi32, #tpu.memory_space<vmem>>
      %dma_wait3A_404 = arith.constant 0 : i32
      %dma_wait3A_405 = arith.constant 0 : i32
      %dma_wait3A_406 = tpu.memref_slice %arg2[%dma_wait3A_404, %dma_wait3A_405] : memref<10000x128xf32, #tpu.memory_space<hbm>> -> memref<10000x128xf32, #tpu.memory_space<hbm>>
      tpu.wait_indirect_dma semaphore(%arg15 : memref<!tpu.dma_semaphore, #tpu.memory_space<semaphore_mem>>) src(%dma_wait3A_406 : memref<10000x128xf32, #tpu.memory_space<hbm>>) dst(%arg12 : memref<128x128xf32, #tpu.memory_space<vmem>>)
      %dma_start3A_407 = arith.constant 1536 : i32
      %dma_start3A_408 = tpu.memref_slice %arg8[%dma_start3A_407] : memref<2048xi32, #tpu.memory_space<vmem>> -> memref<128xi32, #tpu.memory_space<vmem>>
      %dma_start3A_409 = arith.constant 0 : i32
      %dma_start3A_410 = arith.constant 0 : i32
      %dma_start3A_411 = tpu.memref_slice %arg2[%dma_start3A_409, %dma_start3A_410] : memref<10000x128xf32, #tpu.memory_space<hbm>> -> memref<10000x128xf32, #tpu.memory_space<hbm>>
      tpu.enqueue_indirect_dma source(%dma_start3A_411 : memref<10000x128xf32, #tpu.memory_space<hbm>>) target(%arg11 : memref<128x128xf32, #tpu.memory_space<vmem>>) offsets(%dma_start3A_408 : memref<128xi32, #tpu.memory_space<vmem>>) semaphore(%arg14 : memref<!tpu.dma_semaphore, #tpu.memory_space<semaphore_mem>>)
      %run_scoped3A_412 = arith.constant 11 : i32
      "tpu.region"() ({
        %run_scoped3A_485 = tpu.sem_alloc : memref<!tpu.dma_semaphore, #tpu.memory_space<semaphore_mem>>
        %dma_start3A_486 = arith.constant 0 : i32
        %dma_start3A_487 = tpu.memref_slice %arg10[%run_scoped3A_412, %dma_start3A_486] : memref<16x128xi32, #tpu.memory_space<vmem>> -> memref<1x128xi32, #tpu.memory_space<vmem>>
        %dma_start3A_488 = tpu.memref_squeeze %dma_start3A_487 : memref<1x128xi32, #tpu.memory_space<vmem>> -> memref<128xi32, #tpu.memory_space<vmem>>
        %dma_start3A_489 = arith.constant 0 : i32
        %dma_start3A_490 = arith.constant 0 : i32
        %dma_start3A_491 = tpu.memref_slice %arg13[%dma_start3A_489, %dma_start3A_490] : memref<10240x128xf32, #tpu.memory_space<vmem_shared>> -> memref<10240x128xf32, #tpu.memory_space<vmem_shared>>
        tpu.enqueue_indirect_dma source(%arg12 : memref<128x128xf32, #tpu.memory_space<vmem>>) target(%dma_start3A_491 : memref<10240x128xf32, #tpu.memory_space<vmem_shared>>) offsets(%dma_start3A_488 : memref<128xi32, #tpu.memory_space<vmem>>) semaphore(%run_scoped3A_485 : memref<!tpu.dma_semaphore, #tpu.memory_space<semaphore_mem>>) {add = true}
        %dma_wait3A_492 = arith.constant 0 : i32
        %dma_wait3A_493 = tpu.memref_slice %arg10[%run_scoped3A_412, %dma_wait3A_492] : memref<16x128xi32, #tpu.memory_space<vmem>> -> memref<1x128xi32, #tpu.memory_space<vmem>>
        %dma_wait3A_494 = tpu.memref_squeeze %dma_wait3A_493 : memref<1x128xi32, #tpu.memory_space<vmem>> -> memref<128xi32, #tpu.memory_space<vmem>>
        %dma_wait3A_495 = arith.constant 0 : i32
        %dma_wait3A_496 = arith.constant 0 : i32
        %dma_wait3A_497 = tpu.memref_slice %arg13[%dma_wait3A_495, %dma_wait3A_496] : memref<10240x128xf32, #tpu.memory_space<vmem_shared>> -> memref<10240x128xf32, #tpu.memory_space<vmem_shared>>
        tpu.wait_indirect_dma semaphore(%run_scoped3A_485 : memref<!tpu.dma_semaphore, #tpu.memory_space<semaphore_mem>>) src(%arg12 : memref<128x128xf32, #tpu.memory_space<vmem>>) dst(%dma_wait3A_497 : memref<10240x128xf32, #tpu.memory_space<vmem_shared>>)
        tpu.yield
      }) : () -> ()
      %dma_wait3A_413 = arith.constant 1536 : i32
      %dma_wait3A_414 = tpu.memref_slice %arg8[%dma_wait3A_413] : memref<2048xi32, #tpu.memory_space<vmem>> -> memref<128xi32, #tpu.memory_space<vmem>>
      %dma_wait3A_415 = arith.constant 0 : i32
      %dma_wait3A_416 = arith.constant 0 : i32
      %dma_wait3A_417 = tpu.memref_slice %arg2[%dma_wait3A_415, %dma_wait3A_416] : memref<10000x128xf32, #tpu.memory_space<hbm>> -> memref<10000x128xf32, #tpu.memory_space<hbm>>
      tpu.wait_indirect_dma semaphore(%arg14 : memref<!tpu.dma_semaphore, #tpu.memory_space<semaphore_mem>>) src(%dma_wait3A_417 : memref<10000x128xf32, #tpu.memory_space<hbm>>) dst(%arg11 : memref<128x128xf32, #tpu.memory_space<vmem>>)
      %dma_start3A_418 = arith.constant 1664 : i32
      %dma_start3A_419 = tpu.memref_slice %arg8[%dma_start3A_418] : memref<2048xi32, #tpu.memory_space<vmem>> -> memref<128xi32, #tpu.memory_space<vmem>>
      %dma_start3A_420 = arith.constant 0 : i32
      %dma_start3A_421 = arith.constant 0 : i32
      %dma_start3A_422 = tpu.memref_slice %arg2[%dma_start3A_420, %dma_start3A_421] : memref<10000x128xf32, #tpu.memory_space<hbm>> -> memref<10000x128xf32, #tpu.memory_space<hbm>>
      tpu.enqueue_indirect_dma source(%dma_start3A_422 : memref<10000x128xf32, #tpu.memory_space<hbm>>) target(%arg12 : memref<128x128xf32, #tpu.memory_space<vmem>>) offsets(%dma_start3A_419 : memref<128xi32, #tpu.memory_space<vmem>>) semaphore(%arg15 : memref<!tpu.dma_semaphore, #tpu.memory_space<semaphore_mem>>)
      %run_scoped3A_423 = arith.constant 12 : i32
      "tpu.region"() ({
        %run_scoped3A_485 = tpu.sem_alloc : memref<!tpu.dma_semaphore, #tpu.memory_space<semaphore_mem>>
        %dma_start3A_486 = arith.constant 0 : i32
        %dma_start3A_487 = tpu.memref_slice %arg10[%run_scoped3A_423, %dma_start3A_486] : memref<16x128xi32, #tpu.memory_space<vmem>> -> memref<1x128xi32, #tpu.memory_space<vmem>>
        %dma_start3A_488 = tpu.memref_squeeze %dma_start3A_487 : memref<1x128xi32, #tpu.memory_space<vmem>> -> memref<128xi32, #tpu.memory_space<vmem>>
        %dma_start3A_489 = arith.constant 0 : i32
        %dma_start3A_490 = arith.constant 0 : i32
        %dma_start3A_491 = tpu.memref_slice %arg13[%dma_start3A_489, %dma_start3A_490] : memref<10240x128xf32, #tpu.memory_space<vmem_shared>> -> memref<10240x128xf32, #tpu.memory_space<vmem_shared>>
        tpu.enqueue_indirect_dma source(%arg11 : memref<128x128xf32, #tpu.memory_space<vmem>>) target(%dma_start3A_491 : memref<10240x128xf32, #tpu.memory_space<vmem_shared>>) offsets(%dma_start3A_488 : memref<128xi32, #tpu.memory_space<vmem>>) semaphore(%run_scoped3A_485 : memref<!tpu.dma_semaphore, #tpu.memory_space<semaphore_mem>>) {add = true}
        %dma_wait3A_492 = arith.constant 0 : i32
        %dma_wait3A_493 = tpu.memref_slice %arg10[%run_scoped3A_423, %dma_wait3A_492] : memref<16x128xi32, #tpu.memory_space<vmem>> -> memref<1x128xi32, #tpu.memory_space<vmem>>
        %dma_wait3A_494 = tpu.memref_squeeze %dma_wait3A_493 : memref<1x128xi32, #tpu.memory_space<vmem>> -> memref<128xi32, #tpu.memory_space<vmem>>
        %dma_wait3A_495 = arith.constant 0 : i32
        %dma_wait3A_496 = arith.constant 0 : i32
        %dma_wait3A_497 = tpu.memref_slice %arg13[%dma_wait3A_495, %dma_wait3A_496] : memref<10240x128xf32, #tpu.memory_space<vmem_shared>> -> memref<10240x128xf32, #tpu.memory_space<vmem_shared>>
        tpu.wait_indirect_dma semaphore(%run_scoped3A_485 : memref<!tpu.dma_semaphore, #tpu.memory_space<semaphore_mem>>) src(%arg11 : memref<128x128xf32, #tpu.memory_space<vmem>>) dst(%dma_wait3A_497 : memref<10240x128xf32, #tpu.memory_space<vmem_shared>>)
        tpu.yield
      }) : () -> ()
      %dma_wait3A_424 = arith.constant 1664 : i32
      %dma_wait3A_425 = tpu.memref_slice %arg8[%dma_wait3A_424] : memref<2048xi32, #tpu.memory_space<vmem>> -> memref<128xi32, #tpu.memory_space<vmem>>
      %dma_wait3A_426 = arith.constant 0 : i32
      %dma_wait3A_427 = arith.constant 0 : i32
      %dma_wait3A_428 = tpu.memref_slice %arg2[%dma_wait3A_426, %dma_wait3A_427] : memref<10000x128xf32, #tpu.memory_space<hbm>> -> memref<10000x128xf32, #tpu.memory_space<hbm>>
      tpu.wait_indirect_dma semaphore(%arg15 : memref<!tpu.dma_semaphore, #tpu.memory_space<semaphore_mem>>) src(%dma_wait3A_428 : memref<10000x128xf32, #tpu.memory_space<hbm>>) dst(%arg12 : memref<128x128xf32, #tpu.memory_space<vmem>>)
      %dma_start3A_429 = arith.constant 1792 : i32
      %dma_start3A_430 = tpu.memref_slice %arg8[%dma_start3A_429] : memref<2048xi32, #tpu.memory_space<vmem>> -> memref<128xi32, #tpu.memory_space<vmem>>
      %dma_start3A_431 = arith.constant 0 : i32
      %dma_start3A_432 = arith.constant 0 : i32
      %dma_start3A_433 = tpu.memref_slice %arg2[%dma_start3A_431, %dma_start3A_432] : memref<10000x128xf32, #tpu.memory_space<hbm>> -> memref<10000x128xf32, #tpu.memory_space<hbm>>
      tpu.enqueue_indirect_dma source(%dma_start3A_433 : memref<10000x128xf32, #tpu.memory_space<hbm>>) target(%arg11 : memref<128x128xf32, #tpu.memory_space<vmem>>) offsets(%dma_start3A_430 : memref<128xi32, #tpu.memory_space<vmem>>) semaphore(%arg14 : memref<!tpu.dma_semaphore, #tpu.memory_space<semaphore_mem>>)
      %run_scoped3A_434 = arith.constant 13 : i32
      "tpu.region"() ({
        %run_scoped3A_485 = tpu.sem_alloc : memref<!tpu.dma_semaphore, #tpu.memory_space<semaphore_mem>>
        %dma_start3A_486 = arith.constant 0 : i32
        %dma_start3A_487 = tpu.memref_slice %arg10[%run_scoped3A_434, %dma_start3A_486] : memref<16x128xi32, #tpu.memory_space<vmem>> -> memref<1x128xi32, #tpu.memory_space<vmem>>
        %dma_start3A_488 = tpu.memref_squeeze %dma_start3A_487 : memref<1x128xi32, #tpu.memory_space<vmem>> -> memref<128xi32, #tpu.memory_space<vmem>>
        %dma_start3A_489 = arith.constant 0 : i32
        %dma_start3A_490 = arith.constant 0 : i32
        %dma_start3A_491 = tpu.memref_slice %arg13[%dma_start3A_489, %dma_start3A_490] : memref<10240x128xf32, #tpu.memory_space<vmem_shared>> -> memref<10240x128xf32, #tpu.memory_space<vmem_shared>>
        tpu.enqueue_indirect_dma source(%arg12 : memref<128x128xf32, #tpu.memory_space<vmem>>) target(%dma_start3A_491 : memref<10240x128xf32, #tpu.memory_space<vmem_shared>>) offsets(%dma_start3A_488 : memref<128xi32, #tpu.memory_space<vmem>>) semaphore(%run_scoped3A_485 : memref<!tpu.dma_semaphore, #tpu.memory_space<semaphore_mem>>) {add = true}
        %dma_wait3A_492 = arith.constant 0 : i32
        %dma_wait3A_493 = tpu.memref_slice %arg10[%run_scoped3A_434, %dma_wait3A_492] : memref<16x128xi32, #tpu.memory_space<vmem>> -> memref<1x128xi32, #tpu.memory_space<vmem>>
        %dma_wait3A_494 = tpu.memref_squeeze %dma_wait3A_493 : memref<1x128xi32, #tpu.memory_space<vmem>> -> memref<128xi32, #tpu.memory_space<vmem>>
        %dma_wait3A_495 = arith.constant 0 : i32
        %dma_wait3A_496 = arith.constant 0 : i32
        %dma_wait3A_497 = tpu.memref_slice %arg13[%dma_wait3A_495, %dma_wait3A_496] : memref<10240x128xf32, #tpu.memory_space<vmem_shared>> -> memref<10240x128xf32, #tpu.memory_space<vmem_shared>>
        tpu.wait_indirect_dma semaphore(%run_scoped3A_485 : memref<!tpu.dma_semaphore, #tpu.memory_space<semaphore_mem>>) src(%arg12 : memref<128x128xf32, #tpu.memory_space<vmem>>) dst(%dma_wait3A_497 : memref<10240x128xf32, #tpu.memory_space<vmem_shared>>)
        tpu.yield
      }) : () -> ()
      %dma_wait3A_435 = arith.constant 1792 : i32
      %dma_wait3A_436 = tpu.memref_slice %arg8[%dma_wait3A_435] : memref<2048xi32, #tpu.memory_space<vmem>> -> memref<128xi32, #tpu.memory_space<vmem>>
      %dma_wait3A_437 = arith.constant 0 : i32
      %dma_wait3A_438 = arith.constant 0 : i32
      %dma_wait3A_439 = tpu.memref_slice %arg2[%dma_wait3A_437, %dma_wait3A_438] : memref<10000x128xf32, #tpu.memory_space<hbm>> -> memref<10000x128xf32, #tpu.memory_space<hbm>>
      tpu.wait_indirect_dma semaphore(%arg14 : memref<!tpu.dma_semaphore, #tpu.memory_space<semaphore_mem>>) src(%dma_wait3A_439 : memref<10000x128xf32, #tpu.memory_space<hbm>>) dst(%arg11 : memref<128x128xf32, #tpu.memory_space<vmem>>)
      %dma_start3A_440 = arith.constant 1920 : i32
      %dma_start3A_441 = tpu.memref_slice %arg8[%dma_start3A_440] : memref<2048xi32, #tpu.memory_space<vmem>> -> memref<128xi32, #tpu.memory_space<vmem>>
      %dma_start3A_442 = arith.constant 0 : i32
      %dma_start3A_443 = arith.constant 0 : i32
      %dma_start3A_444 = tpu.memref_slice %arg2[%dma_start3A_442, %dma_start3A_443] : memref<10000x128xf32, #tpu.memory_space<hbm>> -> memref<10000x128xf32, #tpu.memory_space<hbm>>
      tpu.enqueue_indirect_dma source(%dma_start3A_444 : memref<10000x128xf32, #tpu.memory_space<hbm>>) target(%arg12 : memref<128x128xf32, #tpu.memory_space<vmem>>) offsets(%dma_start3A_441 : memref<128xi32, #tpu.memory_space<vmem>>) semaphore(%arg15 : memref<!tpu.dma_semaphore, #tpu.memory_space<semaphore_mem>>)
      %run_scoped3A_445 = arith.constant 14 : i32
      "tpu.region"() ({
        %run_scoped3A_485 = tpu.sem_alloc : memref<!tpu.dma_semaphore, #tpu.memory_space<semaphore_mem>>
        %dma_start3A_486 = arith.constant 0 : i32
        %dma_start3A_487 = tpu.memref_slice %arg10[%run_scoped3A_445, %dma_start3A_486] : memref<16x128xi32, #tpu.memory_space<vmem>> -> memref<1x128xi32, #tpu.memory_space<vmem>>
        %dma_start3A_488 = tpu.memref_squeeze %dma_start3A_487 : memref<1x128xi32, #tpu.memory_space<vmem>> -> memref<128xi32, #tpu.memory_space<vmem>>
        %dma_start3A_489 = arith.constant 0 : i32
        %dma_start3A_490 = arith.constant 0 : i32
        %dma_start3A_491 = tpu.memref_slice %arg13[%dma_start3A_489, %dma_start3A_490] : memref<10240x128xf32, #tpu.memory_space<vmem_shared>> -> memref<10240x128xf32, #tpu.memory_space<vmem_shared>>
        tpu.enqueue_indirect_dma source(%arg11 : memref<128x128xf32, #tpu.memory_space<vmem>>) target(%dma_start3A_491 : memref<10240x128xf32, #tpu.memory_space<vmem_shared>>) offsets(%dma_start3A_488 : memref<128xi32, #tpu.memory_space<vmem>>) semaphore(%run_scoped3A_485 : memref<!tpu.dma_semaphore, #tpu.memory_space<semaphore_mem>>) {add = true}
        %dma_wait3A_492 = arith.constant 0 : i32
        %dma_wait3A_493 = tpu.memref_slice %arg10[%run_scoped3A_445, %dma_wait3A_492] : memref<16x128xi32, #tpu.memory_space<vmem>> -> memref<1x128xi32, #tpu.memory_space<vmem>>
        %dma_wait3A_494 = tpu.memref_squeeze %dma_wait3A_493 : memref<1x128xi32, #tpu.memory_space<vmem>> -> memref<128xi32, #tpu.memory_space<vmem>>
        %dma_wait3A_495 = arith.constant 0 : i32
        %dma_wait3A_496 = arith.constant 0 : i32
        %dma_wait3A_497 = tpu.memref_slice %arg13[%dma_wait3A_495, %dma_wait3A_496] : memref<10240x128xf32, #tpu.memory_space<vmem_shared>> -> memref<10240x128xf32, #tpu.memory_space<vmem_shared>>
        tpu.wait_indirect_dma semaphore(%run_scoped3A_485 : memref<!tpu.dma_semaphore, #tpu.memory_space<semaphore_mem>>) src(%arg11 : memref<128x128xf32, #tpu.memory_space<vmem>>) dst(%dma_wait3A_497 : memref<10240x128xf32, #tpu.memory_space<vmem_shared>>)
        tpu.yield
      }) : () -> ()
      %dma_wait3A_446 = arith.constant 1920 : i32
      %dma_wait3A_447 = tpu.memref_slice %arg8[%dma_wait3A_446] : memref<2048xi32, #tpu.memory_space<vmem>> -> memref<128xi32, #tpu.memory_space<vmem>>
      %dma_wait3A_448 = arith.constant 0 : i32
      %dma_wait3A_449 = arith.constant 0 : i32
      %dma_wait3A_450 = tpu.memref_slice %arg2[%dma_wait3A_448, %dma_wait3A_449] : memref<10000x128xf32, #tpu.memory_space<hbm>> -> memref<10000x128xf32, #tpu.memory_space<hbm>>
      tpu.wait_indirect_dma semaphore(%arg15 : memref<!tpu.dma_semaphore, #tpu.memory_space<semaphore_mem>>) src(%dma_wait3A_450 : memref<10000x128xf32, #tpu.memory_space<hbm>>) dst(%arg12 : memref<128x128xf32, #tpu.memory_space<vmem>>)
      %add3A_451 = arith.constant 1 : i32
      %add3A_452 = arith.addi %add3A_280, %add3A_451 : i32
      %mul3A_453 = arith.constant 2048 : i32
      %mul3A_454 = arith.muli %add3A_452, %mul3A_453 : i32
      %add3A_455 = arith.addi %mul3A_4, %mul3A_454 : i32
      %mul3A_456 = arith.constant 16 : i32
      %mul3A_457 = arith.muli %add3A_452, %mul3A_456 : i32
      %add3A_458 = arith.addi %mul3A_8, %mul3A_457 : i32
      %dma_wait3A_459 = tpu.memref_slice %arg3[%add3A_455] : memref<786432xi32, #tpu.memory_space<hbm>> -> memref<2048xi32, #tpu.memory_space<hbm>>
      %dma_wait3A_460 = tpu.memref_slice %arg3[%add3A_455] : memref<786432xi32, #tpu.memory_space<hbm>> -> memref<2048xi32, #tpu.memory_space<hbm>>
      tpu.wait_dma2 semaphore(%arg16 : memref<!tpu.dma_semaphore, #tpu.memory_space<semaphore_mem>>) src(%dma_wait3A_460 : memref<2048xi32, #tpu.memory_space<hbm>>) dst(%arg7 : memref<2048xi32, #tpu.memory_space<vmem>>)
      %dma_wait3A_461 = arith.constant 0 : i32
      %dma_wait3A_462 = tpu.memref_slice %arg4[%add3A_458, %dma_wait3A_461] : memref<6144x128xi32, #tpu.memory_space<hbm>> -> memref<16x128xi32, #tpu.memory_space<hbm>>
      %dma_wait3A_463 = arith.constant 0 : i32
      %dma_wait3A_464 = tpu.memref_slice %arg4[%add3A_458, %dma_wait3A_463] : memref<6144x128xi32, #tpu.memory_space<hbm>> -> memref<16x128xi32, #tpu.memory_space<hbm>>
      tpu.wait_dma2 semaphore(%arg16 : memref<!tpu.dma_semaphore, #tpu.memory_space<semaphore_mem>>) src(%dma_wait3A_464 : memref<16x128xi32, #tpu.memory_space<hbm>>) dst(%arg9 : memref<16x128xi32, #tpu.memory_space<vmem>>)
      %dma_start3A_465 = arith.constant 0 : i32
      %dma_start3A_466 = tpu.memref_slice %arg7[%dma_start3A_465] : memref<2048xi32, #tpu.memory_space<vmem>> -> memref<128xi32, #tpu.memory_space<vmem>>
      %dma_start3A_467 = arith.constant 0 : i32
      %dma_start3A_468 = arith.constant 0 : i32
      %dma_start3A_469 = tpu.memref_slice %arg2[%dma_start3A_467, %dma_start3A_468] : memref<10000x128xf32, #tpu.memory_space<hbm>> -> memref<10000x128xf32, #tpu.memory_space<hbm>>
      tpu.enqueue_indirect_dma source(%dma_start3A_469 : memref<10000x128xf32, #tpu.memory_space<hbm>>) target(%arg11 : memref<128x128xf32, #tpu.memory_space<vmem>>) offsets(%dma_start3A_466 : memref<128xi32, #tpu.memory_space<vmem>>) semaphore(%arg14 : memref<!tpu.dma_semaphore, #tpu.memory_space<semaphore_mem>>)
      %run_scoped3A_470 = arith.constant 15 : i32
      "tpu.region"() ({
        %run_scoped3A_485 = tpu.sem_alloc : memref<!tpu.dma_semaphore, #tpu.memory_space<semaphore_mem>>
        %dma_start3A_486 = arith.constant 0 : i32
        %dma_start3A_487 = tpu.memref_slice %arg10[%run_scoped3A_470, %dma_start3A_486] : memref<16x128xi32, #tpu.memory_space<vmem>> -> memref<1x128xi32, #tpu.memory_space<vmem>>
        %dma_start3A_488 = tpu.memref_squeeze %dma_start3A_487 : memref<1x128xi32, #tpu.memory_space<vmem>> -> memref<128xi32, #tpu.memory_space<vmem>>
        %dma_start3A_489 = arith.constant 0 : i32
        %dma_start3A_490 = arith.constant 0 : i32
        %dma_start3A_491 = tpu.memref_slice %arg13[%dma_start3A_489, %dma_start3A_490] : memref<10240x128xf32, #tpu.memory_space<vmem_shared>> -> memref<10240x128xf32, #tpu.memory_space<vmem_shared>>
        tpu.enqueue_indirect_dma source(%arg12 : memref<128x128xf32, #tpu.memory_space<vmem>>) target(%dma_start3A_491 : memref<10240x128xf32, #tpu.memory_space<vmem_shared>>) offsets(%dma_start3A_488 : memref<128xi32, #tpu.memory_space<vmem>>) semaphore(%run_scoped3A_485 : memref<!tpu.dma_semaphore, #tpu.memory_space<semaphore_mem>>) {add = true}
        %dma_wait3A_492 = arith.constant 0 : i32
        %dma_wait3A_493 = tpu.memref_slice %arg10[%run_scoped3A_470, %dma_wait3A_492] : memref<16x128xi32, #tpu.memory_space<vmem>> -> memref<1x128xi32, #tpu.memory_space<vmem>>
        %dma_wait3A_494 = tpu.memref_squeeze %dma_wait3A_493 : memref<1x128xi32, #tpu.memory_space<vmem>> -> memref<128xi32, #tpu.memory_space<vmem>>
        %dma_wait3A_495 = arith.constant 0 : i32
        %dma_wait3A_496 = arith.constant 0 : i32
        %dma_wait3A_497 = tpu.memref_slice %arg13[%dma_wait3A_495, %dma_wait3A_496] : memref<10240x128xf32, #tpu.memory_space<vmem_shared>> -> memref<10240x128xf32, #tpu.memory_space<vmem_shared>>
        tpu.wait_indirect_dma semaphore(%run_scoped3A_485 : memref<!tpu.dma_semaphore, #tpu.memory_space<semaphore_mem>>) src(%arg12 : memref<128x128xf32, #tpu.memory_space<vmem>>) dst(%dma_wait3A_497 : memref<10240x128xf32, #tpu.memory_space<vmem_shared>>)
        tpu.yield
      }) : () -> ()
      %add3A_471 = arith.constant 2 : i32
      %add3A_472 = arith.addi %add3A_280, %add3A_471 : i32
      %mul3A_473 = arith.constant 2048 : i32
      %mul3A_474 = arith.muli %add3A_472, %mul3A_473 : i32
      %add3A_475 = arith.addi %mul3A_4, %mul3A_474 : i32
      %mul3A_476 = arith.constant 16 : i32
      %mul3A_477 = arith.muli %add3A_472, %mul3A_476 : i32
      %add3A_478 = arith.addi %mul3A_8, %mul3A_477 : i32
      %dma_start3A_479 = tpu.memref_slice %arg3[%add3A_475] : memref<786432xi32, #tpu.memory_space<hbm>> -> memref<2048xi32, #tpu.memory_space<hbm>>
      %dma_start3A_480 = tpu.memref_slice %arg3[%add3A_475] : memref<786432xi32, #tpu.memory_space<hbm>> -> memref<2048xi32, #tpu.memory_space<hbm>>
      tpu.enqueue_dma source(%dma_start3A_480 : memref<2048xi32, #tpu.memory_space<hbm>>) target(%arg8 : memref<2048xi32, #tpu.memory_space<vmem>>) target_semaphore(%arg17 : memref<!tpu.dma_semaphore, #tpu.memory_space<semaphore_mem>>)
      %dma_start3A_481 = arith.constant 0 : i32
      %dma_start3A_482 = tpu.memref_slice %arg4[%add3A_478, %dma_start3A_481] : memref<6144x128xi32, #tpu.memory_space<hbm>> -> memref<16x128xi32, #tpu.memory_space<hbm>>
      %dma_start3A_483 = arith.constant 0 : i32
      %dma_start3A_484 = tpu.memref_slice %arg4[%add3A_478, %dma_start3A_483] : memref<6144x128xi32, #tpu.memory_space<hbm>> -> memref<16x128xi32, #tpu.memory_space<hbm>>
      tpu.enqueue_dma source(%dma_start3A_484 : memref<16x128xi32, #tpu.memory_space<hbm>>) target(%arg10 : memref<16x128xi32, #tpu.memory_space<vmem>>) target_semaphore(%arg17 : memref<!tpu.dma_semaphore, #tpu.memory_space<semaphore_mem>>)
    }
    %scan3A_48 = arith.constant 5 : i32
    %add3A_49 = arith.constant 22528 : i32
    %add3A_50 = arith.addi %mul3A_4, %add3A_49 : i32
    %add3A_51 = arith.constant 176 : i32
    %add3A_52 = arith.addi %mul3A_8, %add3A_51 : i32
    %dma_wait3A_53 = tpu.memref_slice %arg3[%add3A_50] : memref<786432xi32, #tpu.memory_space<hbm>> -> memref<2048xi32, #tpu.memory_space<hbm>>
    %dma_wait3A_54 = tpu.memref_slice %arg3[%add3A_50] : memref<786432xi32, #tpu.memory_space<hbm>> -> memref<2048xi32, #tpu.memory_space<hbm>>
    tpu.wait_dma2 semaphore(%arg17 : memref<!tpu.dma_semaphore, #tpu.memory_space<semaphore_mem>>) src(%dma_wait3A_54 : memref<2048xi32, #tpu.memory_space<hbm>>) dst(%arg8 : memref<2048xi32, #tpu.memory_space<vmem>>)
    %dma_wait3A_55 = arith.constant 0 : i32
    %dma_wait3A_56 = tpu.memref_slice %arg4[%add3A_52, %dma_wait3A_55] : memref<6144x128xi32, #tpu.memory_space<hbm>> -> memref<16x128xi32, #tpu.memory_space<hbm>>
    %dma_wait3A_57 = arith.constant 0 : i32
    %dma_wait3A_58 = tpu.memref_slice %arg4[%add3A_52, %dma_wait3A_57] : memref<6144x128xi32, #tpu.memory_space<hbm>> -> memref<16x128xi32, #tpu.memory_space<hbm>>
    tpu.wait_dma2 semaphore(%arg17 : memref<!tpu.dma_semaphore, #tpu.memory_space<semaphore_mem>>) src(%dma_wait3A_58 : memref<16x128xi32, #tpu.memory_space<hbm>>) dst(%arg10 : memref<16x128xi32, #tpu.memory_space<vmem>>)
    %dma_wait3A_59 = arith.constant 0 : i32
    %dma_wait3A_60 = tpu.memref_slice %arg7[%dma_wait3A_59] : memref<2048xi32, #tpu.memory_space<vmem>> -> memref<128xi32, #tpu.memory_space<vmem>>
    %dma_wait3A_61 = arith.constant 0 : i32
    %dma_wait3A_62 = arith.constant 0 : i32
    %dma_wait3A_63 = tpu.memref_slice %arg2[%dma_wait3A_61, %dma_wait3A_62] : memref<10000x128xf32, #tpu.memory_space<hbm>> -> memref<10000x128xf32, #tpu.memory_space<hbm>>
    tpu.wait_indirect_dma semaphore(%arg14 : memref<!tpu.dma_semaphore, #tpu.memory_space<semaphore_mem>>) src(%dma_wait3A_63 : memref<10000x128xf32, #tpu.memory_space<hbm>>) dst(%arg11 : memref<128x128xf32, #tpu.memory_space<vmem>>)
    %barrier3A_64 = arith.constant 0 : index
    tpu.barrier barrier_id(%barrier3A_64)
    %mul3A_65 = arith.constant 640 : i32
    %mul3A_66 = arith.muli %arg1, %mul3A_65 : i32
    %mul3A_67 = arith.constant 640 : i32
    %mul3A_68 = arith.muli %arg1, %mul3A_67 : i32
    "tpu.region"() ({
      %run_scoped3A = tpu.sem_alloc : memref<!tpu.dma_semaphore, #tpu.memory_space<semaphore_mem>>
      %dma_start3A_69 = arith.constant 0 : i32
      %dma_start3A_70 = tpu.memref_slice %arg6[%arg0, %mul3A_68, %dma_start3A_69] : memref<2x10240x128xf32, #tpu.memory_space<hbm>> -> memref<1x640x128xf32, #tpu.memory_space<hbm>>
      %dma_start3A_71 = tpu.memref_squeeze %dma_start3A_70 : memref<1x640x128xf32, #tpu.memory_space<hbm>> -> memref<640x128xf32, #tpu.memory_space<hbm>>
      %dma_start3A_72 = arith.constant 0 : i32
      %dma_start3A_73 = tpu.memref_slice %arg13[%mul3A_66, %dma_start3A_72] : memref<10240x128xf32, #tpu.memory_space<vmem_shared>> -> memref<640x128xf32, #tpu.memory_space<vmem_shared>>
      tpu.enqueue_dma source(%dma_start3A_73 : memref<640x128xf32, #tpu.memory_space<vmem_shared>>) target(%dma_start3A_71 : memref<640x128xf32, #tpu.memory_space<hbm>>) target_semaphore(%run_scoped3A : memref<!tpu.dma_semaphore, #tpu.memory_space<semaphore_mem>>)
      %dma_wait3A_74 = arith.constant 0 : i32
      %dma_wait3A_75 = tpu.memref_slice %arg6[%arg0, %mul3A_68, %dma_wait3A_74] : memref<2x10240x128xf32, #tpu.memory_space<hbm>> -> memref<1x640x128xf32, #tpu.memory_space<hbm>>
      %dma_wait3A_76 = tpu.memref_squeeze %dma_wait3A_75 : memref<1x640x128xf32, #tpu.memory_space<hbm>> -> memref<640x128xf32, #tpu.memory_space<hbm>>
      %dma_wait3A_77 = arith.constant 0 : i32
      %dma_wait3A_78 = tpu.memref_slice %arg13[%mul3A_66, %dma_wait3A_77] : memref<10240x128xf32, #tpu.memory_space<vmem_shared>> -> memref<640x128xf32, #tpu.memory_space<vmem_shared>>
      tpu.wait_dma2 semaphore(%run_scoped3A : memref<!tpu.dma_semaphore, #tpu.memory_space<semaphore_mem>>) src(%dma_wait3A_78 : memref<640x128xf32, #tpu.memory_space<vmem_shared>>) dst(%dma_wait3A_76 : memref<640x128xf32, #tpu.memory_space<hbm>>)
      tpu.yield
    }) : () -> ()
    return
  }
}

module attributes {stable_mosaic.version = 14 : i64} {
  func.func @_combine_body(%arg0: i32, %arg1: memref<2x512x128xf32, #tpu.memory_space<vmem>>, %arg2: memref<512x128xf32, #tpu.memory_space<vmem>>, %arg3: memref<2x128x128xf32, #tpu.memory_space<vmem>>, %arg4: memref<128x128xf32, #tpu.memory_space<vmem>>, %arg5: memref<1x128xf32, #tpu.memory_space<vmem>>, %arg6: memref<512x128xf32, #tpu.memory_space<vmem>>) attributes {dimension_semantics = [#tpu.dimension_semantics<arbitrary>], iteration_bounds = array<i64: 20>, scalar_prefetch = 0 : i64, scratch_operands = 0 : i64, tpu.core_type = #tpu.core_type<tc>, window_params = [{transform_indices = @transform_0, window_bounds = array<i64: 2, 512, 128>}, {transform_indices = @transform_1, window_bounds = array<i64: 512, 128>}, {pipeline_mode = #tpu.pipeline_mode<synchronous>, transform_indices = @transform_2, window_bounds = array<i64: 2, 128, 128>}, {pipeline_mode = #tpu.pipeline_mode<synchronous>, transform_indices = @transform_3, window_bounds = array<i64: 128, 128>}, {pipeline_mode = #tpu.pipeline_mode<synchronous>, transform_indices = @transform_4, window_bounds = array<i64: 1, 128>}, {transform_indices = @transform_5, window_bounds = array<i64: 512, 128>}]} {
    %get3A = arith.constant 0 : index
    %get3A_0 = arith.constant 0 : index
    %get3A_1 = arith.constant 0 : index
    %get3A_2 = vector.load %arg1[%get3A, %get3A_0, %get3A_1] : memref<2x512x128xf32, #tpu.memory_space<vmem>>, vector<1x512x128xf32>
    %get3A_3 = vector.shape_cast %get3A_2 : vector<1x512x128xf32> to vector<512x128xf32>
    %get3A_4 = arith.constant 0 : index
    %get3A_5 = arith.constant 0 : index
    %get3A_6 = arith.constant 0 : index
    %get3A_7 = vector.load %arg3[%get3A_4, %get3A_5, %get3A_6] : memref<2x128x128xf32, #tpu.memory_space<vmem>>, vector<1x128x128xf32>
    %get3A_8 = vector.shape_cast %get3A_7 : vector<1x128x128xf32> to vector<128x128xf32>
    %dot_general3A = arith.constant dense<0.000000e+00> : vector<512x128xf32>
    %dot_general3A_9 = tpu.matmul %get3A_3, %get3A_8, %dot_general3A {dimension_numbers = #tpu.dot_dimension_numbers<[1], [0], [0], [1], [0, 0, 1, 1], [], []>, transpose_lhs_hint = false} : vector<512x128xf32>, vector<128x128xf32>, vector<512x128xf32> -> vector<512x128xf32>
    %get3A_10 = arith.constant 1 : index
    %get3A_11 = arith.constant 0 : index
    %get3A_12 = arith.constant 0 : index
    %get3A_13 = vector.load %arg1[%get3A_10, %get3A_11, %get3A_12] : memref<2x512x128xf32, #tpu.memory_space<vmem>>, vector<1x512x128xf32>
    %get3A_14 = vector.shape_cast %get3A_13 : vector<1x512x128xf32> to vector<512x128xf32>
    %get3A_15 = arith.constant 1 : index
    %get3A_16 = arith.constant 0 : index
    %get3A_17 = arith.constant 0 : index
    %get3A_18 = vector.load %arg3[%get3A_15, %get3A_16, %get3A_17] : memref<2x128x128xf32, #tpu.memory_space<vmem>>, vector<1x128x128xf32>
    %get3A_19 = vector.shape_cast %get3A_18 : vector<1x128x128xf32> to vector<128x128xf32>
    %dot_general3A_20 = arith.constant dense<0.000000e+00> : vector<512x128xf32>
    %dot_general3A_21 = tpu.matmul %get3A_14, %get3A_19, %dot_general3A_20 {dimension_numbers = #tpu.dot_dimension_numbers<[1], [0], [0], [1], [0, 0, 1, 1], [], []>, transpose_lhs_hint = false} : vector<512x128xf32>, vector<128x128xf32>, vector<512x128xf32> -> vector<512x128xf32>
    %add3A = arith.addf %dot_general3A_9, %dot_general3A_21 : vector<512x128xf32>
    %get3A_22 = arith.constant 0 : index
    %get3A_23 = arith.constant 0 : index
    %get3A_24 = vector.load %arg2[%get3A_22, %get3A_23] : memref<512x128xf32, #tpu.memory_space<vmem>>, vector<512x128xf32>
    %get3A_25 = arith.constant 0 : index
    %get3A_26 = arith.constant 0 : index
    %get3A_27 = vector.load %arg4[%get3A_25, %get3A_26] : memref<128x128xf32, #tpu.memory_space<vmem>>, vector<128x128xf32>
    %dot_general3A_28 = arith.constant dense<0.000000e+00> : vector<512x128xf32>
    %dot_general3A_29 = tpu.matmul %get3A_24, %get3A_27, %dot_general3A_28 {dimension_numbers = #tpu.dot_dimension_numbers<[1], [0], [0], [1], [0, 0, 1, 1], [], []>, transpose_lhs_hint = false} : vector<512x128xf32>, vector<128x128xf32>, vector<512x128xf32> -> vector<512x128xf32>
    %add3A_30 = arith.addf %add3A, %dot_general3A_29 : vector<512x128xf32>
    %get3A_31 = arith.constant 0 : index
    %get3A_32 = arith.constant 0 : index
    %get3A_33 = vector.load %arg5[%get3A_31, %get3A_32] : memref<1x128xf32, #tpu.memory_space<vmem>>, vector<1x128xf32>
    %add3A_34 = vector.broadcast %get3A_33 : vector<1x128xf32> to vector<512x128xf32>
    %add3A_35 = arith.addf %add3A_30, %add3A_34 : vector<512x128xf32>
    %max3A = arith.constant 0.000000e+00 : f32
    %max3A_36 = vector.broadcast %max3A : f32 to vector<512x128xf32>
    %max3A_37 = arith.maximumf %add3A_35, %max3A_36 : vector<512x128xf32>
    %swap3A = arith.constant 0 : index
    %swap3A_38 = arith.constant 0 : index
    %swap3A_39 = vector.load %arg6[%swap3A, %swap3A_38] : memref<512x128xf32, #tpu.memory_space<vmem>>, vector<512x128xf32>
    tpu.vector_store %arg6[%swap3A, %swap3A_38], %max3A_37 {strides = array<i32>} : memref<512x128xf32, #tpu.memory_space<vmem>>, vector<512x128xf32>,
    return
  }
  func.func @transform_0(%arg0: i32) -> (i32, i32, i32) {
    %c0_i32 = arith.constant 0 : i32
    %c0_i32_0 = arith.constant 0 : i32
    %c0_i32_1 = arith.constant 0 : i32
    return %c0_i32, %arg0, %c0_i32_0 : i32, i32, i32
  }
  func.func @transform_1(%arg0: i32) -> (i32, i32) {
    %c0_i32 = arith.constant 0 : i32
    %c0_i32_0 = arith.constant 0 : i32
    return %arg0, %c0_i32 : i32, i32
  }
  func.func @transform_2(%arg0: i32) -> (i32, i32, i32) {
    %c0_i32 = arith.constant 0 : i32
    %c0_i32_0 = arith.constant 0 : i32
    %c0_i32_1 = arith.constant 0 : i32
    %c0_i32_2 = arith.constant 0 : i32
    return %c0_i32, %c0_i32_0, %c0_i32_1 : i32, i32, i32
  }
  func.func @transform_3(%arg0: i32) -> (i32, i32) {
    %c0_i32 = arith.constant 0 : i32
    %c0_i32_0 = arith.constant 0 : i32
    %c0_i32_1 = arith.constant 0 : i32
    return %c0_i32, %c0_i32_0 : i32, i32
  }
  func.func @transform_4(%arg0: i32) -> (i32, i32) {
    %c0_i32 = arith.constant 0 : i32
    %c0_i32_0 = arith.constant 0 : i32
    %c0_i32_1 = arith.constant 0 : i32
    return %c0_i32, %c0_i32_0 : i32, i32
  }
  func.func @transform_5(%arg0: i32) -> (i32, i32) {
    %c0_i32 = arith.constant 0 : i32
    %c0_i32_0 = arith.constant 0 : i32
    return %arg0, %c0_i32 : i32, i32
  }
}

</mosaic_0001>

<sc_bundles>
// kernel: kernel.4.cloned.1.call-start
scs
__scs_entry_jumppad:
0x0: {  	(pc) =	sbr.rel $0x88, $3  }
0x1: {  	(tag) =	ssettag $0x0;
	lr =	simm.s32 $0x1  }
0x2: {  	[smem:$0x3F9B] =	sst lr;
	_ =	strace $0xD0000000  }
0x3: {  	_ = 	snop  }
0x4: {  	_ = 	snop  }
0x5: {  	_ = 	snop  }
0x6: {  	_ = 	snop  }
0x7: {  	_ = 	snop  }
__scs_overlays_trampoline_lowered:
0x8: {  	[smem:$0x3FAA] =	sst s0  }
0x9: {  	[smem:$0x3FAB] =	sst s1  }
0xa: {  	[smem:$0x3FAC] =	sst s2  }
0xb: {  	[smem:$0x3FAD] =	sst s3  }
0xc: {  	[smem:$0x3FAE] =	sst s4  }
0xd: {  	[smem:$0x3FAF] =	sst s5  }
0xe: {  	[smem:$0x3FB0] =	sst s6  }
0xf: {  	[smem:$0x3FB1] =	sst s7  }
0x10: {  	[smem:$0x3FB2] =	sst s8  }
0x11: {  	[smem:$0x3FB3] =	sst s9;
	s0 =	simm.s32 @!p0 $0x0  }
0x12: {  	s1 =	sld [smem:$0x3F99];
	s0 =	simm.s32 @p0 $0x1  }
0x13: {  	[smem:$0x3FB4] =	sst s0;
	s0 =	simm.s32 @!p1 $0x0  }
0x14: {  	s2 =	sld [smem:$0x3F98];
	s0 =	simm.s32 @p1 $0x1  }
0x15: {  	[smem:$0x3FB5] =	sst s0;
	s0 =	simm.s32 @!p2 $0x0  }
0x16: {  	s3 =	sld [smem:$0x3FDB];
	s0 =	simm.s32 @p2 $0x1  }
0x17: {  	s4 =	simm.s32 $0x1BF5;
	[smem:$0x3FB7] =	sst s0  }
0x18: {  	s0 =	sld [smem:$0x3F9A];
	_ =	swait.ge [sflag:s4], $0x0  }
0x19: {  	s7 =	sld [smem:$0x3F9B]  }
0x1a: {  	s8 =	sadd.s32 $0xFFFFE003, lr  }
0x1b: {  	s9 =	sadd.s32 $0xFFFFFEF7, lr;
	s5 =	simm.s32 $0xFFFFFFFF;
	p2 =	slt.u32 s8, $0xFFFFF086  }
0x1c: {  	p1 =	slt.u32 s9, $0xF7A;
	s5 =	simm.s32 @!p2 $0x0  }
0x1d: {  	s5 =	simm.s32 @p1 $0x1;
	p0 =	seq.s32 s7, s2  }
0x1e: {  	s7 =	smul.u32 @!p0 $0xF7A, s2;
	p2 =	seq.s32 @!p0 s5, $0x0  }
0x1f: {  	s9 =	smul.u32 $0xF7A, s1;
	s8 =	simm.s32 @!p0 $0x1BF5;
	p2 =	por !p2, p0  }
0x20: {  	[sflag:s8] =	ssyncset.s32 @!p0 $0xFFFFF086;
	s6 =	sadd.s32 @!p0 s3, s7;
	s7 =	simm.s32 @!p0 $0x108  }
0x21: {  	s3 =	sadd.s32 s3, s9;
	s6 =	sadd.s32 @!p0 $0x88, s6;
	s7 =	simm.s32 @p2 $0x1082  }
0x22: {  	[simem:s7], [sflag:s8] =	dma.local @!p0 [hbm:s6], $0xF7A  }
0x23: {  	s9 =	sor.u32 $0xD0000000, s2;
	s6 =	simm.s32 $0x108;
	_ =	swait.ge @!p0 [sflag:s8], $0x0  }
0x24: {  	s3 =	sadd.s32 $0x88, s3;
	s6 =	simm.s32 @!p1 $0x1082;
	[sflag:s4] =	ssyncset.s32 $0xFFFFF086  }
0x25: {  	[simem:s6], [sflag:s4] =	dma.local [hbm:s3], $0xF7A  }
0x26: {  	[smem:$0x3F9B] =	sst s1;
	(tag) =	ssettag s2;
	_ =	strace s9  }
0x27: {  	s1 =	sld [smem:$0x3FAB]  }
0x28: {  	s2 =	sld [smem:$0x3FAC]  }
0x29: {  	s4 =	sld [smem:$0x3FAE]  }
0x2a: {  	p0 =	seq.s32 s5, $0x0;
	s5 =	sld [smem:$0x3FAF]  }
0x2b: {  	s6 =	sld [smem:$0x3FB0]  }
0x2c: {  	s7 =	sld [smem:$0x3FB1]  }
0x2d: {  	s3 =	simm.s32 $0x108;
	s8 =	sld [smem:$0x3FB2]  }
0x2e: {  	s3 =	simm.s32 @!p0 $0x1082;
	s9 =	sld [smem:$0x3FB3]  }
0x2f: {  	lr =	sadd.s32 s0, s3;
	s0 =	sld [smem:$0x3FAA]  }
0x30: {  	s3 =	sld [smem:$0x3FAD]  }
0x31: {  	[smem:$0x3FB6] =	sst s10  }
0x32: {  	s10 =	sld [smem:$0x3FB4];
	_ =	sdelay $0x3  }
0x33: {  	p0 =	seq.s32 s10, $0x1;
	s10 =	sld [smem:$0x3FB6];
	_ =	sdelay $0x3  }
0x34: {  	[smem:$0x3FB6] =	sst s10  }
0x35: {  	s10 =	sld [smem:$0x3FB5];
	_ =	sdelay $0x3  }
0x36: {  	p1 =	seq.s32 s10, $0x1;
	s10 =	sld [smem:$0x3FB6];
	_ =	sdelay $0x3  }
0x37: {  	[smem:$0x3FB6] =	sst s10  }
0x38: {  	s10 =	sld [smem:$0x3FB7]  }
0x39: {  	_ = 	snop;
	(pc) =	sbr.ind lr, $3  }
0x3a: {  	_ = 	snop  }
0x3b: {  	_ = 	snop  }
0x3c: {  	p2 =	seq.s32 s10, $0x1;
	s10 =	sld [smem:$0x3FB6]  }
0x3d: {  	_ =	shalt  }
0x3e: {  	_ =	shalt  }
0x3f: {  	_ =	shalt  }
0x40: {  	_ =	shalt  }
0x41: {  	_ =	shalt  }
0x42: {  	_ =	shalt  }
0x43: {  	_ =	shalt  }
0x44: {  	_ =	shalt  }
0x45: {  	_ =	shalt  }
0x46: {  	_ =	shalt  }
0x47: {  	_ =	shalt  }
0x48: {  	_ =	shalt  }
0x49: {  	_ =	shalt  }
0x4a: {  	_ =	shalt  }
0x4b: {  	_ =	shalt  }
0x4c: {  	_ =	shalt  }
0x4d: {  	_ =	shalt  }
0x4e: {  	_ =	shalt  }
0x4f: {  	_ =	shalt  }
0x50: {  	_ =	shalt  }
0x51: {  	_ =	shalt  }
0x52: {  	_ =	shalt  }
0x53: {  	_ =	shalt  }
0x54: {  	_ =	shalt  }
0x55: {  	_ =	shalt  }
0x56: {  	_ =	shalt  }
0x57: {  	_ =	shalt  }
0x58: {  	_ =	shalt  }
0x59: {  	_ =	shalt  }
0x5a: {  	_ =	shalt  }
0x5b: {  	_ =	shalt  }
0x5c: {  	_ =	shalt  }
0x5d: {  	_ =	shalt  }
0x5e: {  	_ =	shalt  }
0x5f: {  	_ =	shalt  }
0x60: {  	_ =	shalt  }
0x61: {  	_ =	shalt  }
0x62: {  	_ =	shalt  }
0x63: {  	_ =	shalt  }
0x64: {  	_ =	shalt  }
0x65: {  	_ =	shalt  }
0x66: {  	_ =	shalt  }
0x67: {  	_ =	shalt  }
0x68: {  	_ =	shalt  }
0x69: {  	_ =	shalt  }
0x6a: {  	_ =	shalt  }
0x6b: {  	_ =	shalt  }
0x6c: {  	_ =	shalt  }
0x6d: {  	_ =	shalt  }
0x6e: {  	_ =	shalt  }
0x6f: {  	_ =	shalt  }
0x70: {  	_ =	shalt  }
0x71: {  	_ =	shalt  }
0x72: {  	_ =	shalt  }
0x73: {  	_ =	shalt  }
0x74: {  	_ =	shalt  }
0x75: {  	_ =	shalt  }
0x76: {  	_ =	shalt  }
0x77: {  	_ =	shalt  }
0x78: {  	_ =	shalt  }
0x79: {  	_ =	shalt  }
0x7a: {  	_ =	shalt  }
0x7b: {  	_ =	shalt  }
0x7c: {  	_ =	shalt  }
0x7d: {  	_ =	shalt  }
0x7e: {  	_ =	shalt  }
0x7f: {  	_ =	shalt  }
0x80: {  	_ =	shalt  }
0x81: {  	_ =	shalt  }
0x82: {  	_ =	shalt  }
0x83: {  	_ =	shalt  }
0x84: {  	_ =	shalt  }
0x85: {  	_ =	shalt  }
0x86: {  	_ =	shalt  }
0x87: {  	_ =	shalt  }
.Lfunc_end0:
.L_simem_size_0:
called_computation_lowered:
.L_overlay_start_0:
0x88: {  	s2 =	sld [smem:$0x3FD9]  }
0x89: {  	s3 =	sld [smem:$0x3FFE];
	_ =	sdelay $0x1  }
0x8a: {  	s1 =	srdreg.scid  }
0x8b: {  	s0 =	sand.u32 $0x1, s1  }
0x8c: {  	s17 =	sshll.u32 s0, $0xA;
	s2 =	sadd.s32 s3, s2  }
0x8d: {  	s2 =	sadd.s32 s2, s17  }
0x8e: {  	[smem:$0x3FC2] =	sst s2  }
0x8f: {  	_ = 	snop  }
0x90: {  	s2 =	sld [smem:$0x3FC9]  }
0x91: {  	s18 =	sld [smem:$0x3FD0];
	(tm) =	ssettm $0x1  }
0x92: {  	s4 =	sld [smem:$0x3FFB];
	_ =	sdelay $0x3  }
0x93: {  	_ =	strace s4  }
0x94: {  	s4 =	sld [smem:$0x3FFC];
	_ =	sdelay $0x3  }
0x95: {  	_ =	strace s4  }
0x96: {  	s4 =	sld [smem:$0x3FFD];
	_ =	sdelay $0x3  }
0x97: {  	_ =	strace s4  }
0x98: {  	_ =	strace $0x8FFFFFFF  }
0x99: {  	s19 =	sld [smem:$0x3FDB];
	_ =	sdelay $0x1  }
0x9a: {  	s5 =	simm.s32 $_scs_section_size  }
0x9b: {  	s6 =	simm.s32 $_size__tile_overlayer_lowered;
	s7 =	simm.s32 $_tile_overlayer_lowered  }
0x9c: {  	s22 =	simm.s32 $0x1BFF;
	s21 =	sshll.u32 s7, $0x1;
	s4 =	sadd.s32 s5, s19  }
0x9d: {  	s8 =	simm.s32 $0x0;
	s20 =	sshll.u32 s6, $0x1;
	s6 =	sadd.s32 s21, s4  }
0x9e: {  	[timem:s8], [sflag:s22] =	dma.local [hbm:s6], s20  }
0x9f: {  	_ =	swait.ge [sflag:s22], s20  }
0xa0: {  	s5 =	ssub.s32 $0x0, s20;
	[sflag:s22] =	ssyncset.done $0x0  }
0xa1: {  	[sflag:s22] =	ssyncadd.s32 s5;
	_ =	sdelay $0x1  }
0xa2: {  	s23 =	simm.s32 $0x1B8B  }
0xa3: {  	_ =	swait.ge [sflag:s23], $0x1  }
0xa4: {  	[sflag:s23] =	ssyncset.done $0x0  }
0xa5: {  	s25 =	simm.s32 $0x1B8E;
	s24 =	sld [smem:$0x3FFE];
	[sflag:s23] =	ssyncadd.s32 $0xFFFFFFFF  }
0xa6: {  	s26 =	simm.s32 $execute0_lowered;
	[smem:$0x3FD2] =	sst s25  }
0xa7: {  	s6 =	sshll.u32 s26, $0x1;
	_ =	strace $0x80000046;
	[dreg:$0x1] =	wrdreg $0xFFFFFFFF  }
0xa8: {  	s28 =	simm.s32 $_size_execute0_lowered;
	s4 =	sadd.s32 s4, s6;
	[dreg:$0x0] =	wrdreg $0x0  }
0xa9: {  	s6 =	sshll.u32 s28, $0x1;
	[dreg:$0x2] =	wrdreg s4  }
0xaa: {  	[dreg:$0x3] =	wrdreg s6  }
0xab: {  	[dreg:$0x4] =	wrdreg $0xC0  }
0xac: {  	_ =	task [dreg:s8], $0x5FFFF  }
0xad: {  	[dreg:$0x1] =	wrdreg $0xFFFFFFFF  }
0xae: {  	[dreg:$0x0] =	wrdreg $0x60  }
0xaf: {  	[dreg:$0x2] =	wrdreg s2  }
0xb0: {  	[dreg:$0x3] =	wrdreg s18  }
0xb1: {  	[dreg:$0x4] =	wrdreg s24  }
0xb2: {  	[dreg:$0x5] =	wrdreg $0xA0000  }
0xb3: {  	[dreg:$0x6] =	wrdreg $0x9  }
0xb4: {  	_ =	task.clear_ibuf [dreg:s8], $0x7FFFF;
	_ =	strace $0x90000046  }
0xb5: {  	s29 =	simm.s32 $0x9;
	_ =	strace $0x80000048  }
0xb6: {  	_ =	swait.ge [sflag:s29], $0x1  }
0xb7: {  	[sflag:s29] =	ssyncadd.s32 $0xFFFFFFFF  }
0xb8: {  	_ =	strace $0x90000048  }
0xb9: {  	_ =	sfence  }
0xba: {  	s30 =	sld [smem:$0x0];
	_ =	sdelay $0x2  }
0xbb: {  	s31 =	sshll.u32 s1, $0xD;
	s1 =	sshrl.u32 s1, $0x2  }
0xbc: {  	s3 =	sand.u32 $0x4000, s31;
	s1 =	sadd.s32 s1, s30  }
0xbd: {  	s0 =	sor.u32 s3, s0;
	s1 =	sshll.u32 s1, $0x11  }
0xbe: {  	s0 =	sor.u32 s1, s0  }
0xbf: {  	s0 =	sadd.s32 $0x8F2B, s0  }
0xc0: {  	[sflag:s0] =	ssyncadd.remote.s32 $0x1  }
0xc1: {  	_ =	sfence.sel $0xFFFF  }
0xc2: {  	[dreg:$0x0] =	wrdreg $0xFFFFFFFF;
	(pc) =	sbr.abs _section_cstart, $3  }
0xc3: {  	[dreg:$0x1] =	wrdreg $0xFFFFFFFF  }
0xc4: {  	_ =	task.clear_ibuf [dreg:s8], $0x2FFFF;
	_ =	strace $0x9FFFFFFF  }
0xc5: {  	(tm) =	ssettm $0x7FFFFFFF  }
tec
execute0_lowered:
.L_overlay_start_1:
0x0: {  	(tag) =	ssettag $0x1  }
0x1: {  	s0 =	srdreg.scid;
	s12 =	stileid.u32  }
0x2: {  	s1 =	rddreg [dreg:$0x0];
	s5 =	sand.u32 $0x1, s0;
	s2 =	smul.u32 $0xC000, s12  }
0x3: {  	s6 =	rddreg [dreg:$0x2];
	s4 =	smul.u32 $0x6000, s5  }
0x4: {  	s3 =	rddreg [dreg:$0x3]  }
0x5: {  	s0 =	rddreg [dreg:$0x1];
	s7 =	sadd.s32 s4, s2;
	s4 =	simm.s32 $0x0  }
0x6: {  	s18 =	simm.s32 $0x100;
	[smem:$0x7FF] =	sst s4  }
0x7: {  	s19 =	simm.s32 $0x1080;
	_ =	strace $0x80000047;
	[dreg:$0x9] =	wrdreg s18  }
0x8: {  	s20 =	simm.s32 $0x180;
	[dreg:$0xa] =	wrdreg s19  }
0x9: {  	s21 =	simm.s32 $0x1100;
	[dreg:$0xb] =	wrdreg s20  }
0xa: {  	s22 =	simm.s32 $0x200;
	[dreg:$0xc] =	wrdreg s21  }
0xb: {  	s23 =	simm.s32 $0x1180;
	[dreg:$0xd] =	wrdreg s22  }
0xc: {  	s24 =	simm.s32 $0x280;
	[dreg:$0xe] =	wrdreg s23  }
0xd: {  	s25 =	simm.s32 $0x1200;
	[dreg:$0xf] =	wrdreg s24  }
0xe: {  	s26 =	simm.s32 $0x300;
	[dreg:$0x10] =	wrdreg s25  }
0xf: {  	s10 =	simm.s32 $0x1300;
	[dreg:$0x11] =	wrdreg s26  }
0x10: {  	s11 =	simm.s32 $0x400;
	[dreg:$0x14] =	wrdreg s10  }
0x11: {  	s14 =	simm.s32 $0x1380;
	[dreg:$0x15] =	wrdreg s11  }
0x12: {  	s16 =	simm.s32 $0x480;
	[dreg:$0x16] =	wrdreg s14  }
0x13: {  	s10 =	sadd.s32 $0x19A00, s6;
	[dreg:$0x17] =	wrdreg s16  }
0x14: {  	s18 =	simm.s32 $0x500;
	[smem:$0x7DD] =	sst s10  }
0x15: {  	s19 =	simm.s32 $0x1480;
	[dreg:$0x19] =	wrdreg s18  }
0x16: {  	s20 =	simm.s32 $0x580;
	[dreg:$0x1a] =	wrdreg s19  }
0x17: {  	s22 =	simm.s32 $0x1500;
	[dreg:$0x1b] =	wrdreg s20  }
0x18: {  	s28 =	simm.s32 $0xE00;
	s24 =	simm.s32 $0x600;
	[dreg:$0x1c] =	wrdreg s22  }
0x19: {  	s29 =	simm.s32 $0x1D80;
	s25 =	simm.s32 $0x1580;
	[dreg:$0x1d] =	wrdreg s24  }
0x1a: {  	s2 =	sadd.s32 $0x1A00, s6;
	s11 =	simm.s32 $0x1600;
	[dreg:$0x1e] =	wrdreg s25  }
0x1b: {  	s8 =	sor.u32 $0x1000, s7;
	s14 =	simm.s32 $0x700;
	[smem:$0x7DE] =	sst s11  }
0x1c: {  	s8 =	sshrl.u32 s8, $0x3;
	s16 =	simm.s32 $0x1680;
	[smem:$0x7DF] =	sst s14  }
0x1d: {  	s7 =	sor.u32 $0x1800, s7;
	s9 =	sadd.s32 s8, s2;
	[smem:$0x7E0] =	sst s16  }
0x1e: {  	s7 =	sshrl.u32 s7, $0x3;
	s8 =	sadd.s32 s8, s0;
	[dreg:$0x5] =	wrdreg s9  }
0x1f: {  	s30 =	simm.s32 $0xE80;
	s17 =	sadd.s32 s7, s2;
	[dreg:$0x6] =	wrdreg s8  }
0x20: {  	s31 =	simm.s32 $0x1E00;
	s7 =	sadd.s32 s7, s0;
	[dreg:$0x7] =	wrdreg s17  }
0x21: {  	s15 =	smul.u32 $0x14000, s12;
	s10 =	simm.s32 $0x680;
	[dreg:$0x8] =	wrdreg s7  }
0x22: {  	s13 =	smul.u32 $0x140000, s5;
	s18 =	simm.s32 $0x1700;
	[dreg:$0x1f] =	wrdreg s10  }
0x23: {  	s21 =	ssub.s32 $0x2, s5;
	s20 =	simm.s32 $0x1780;
	[smem:$0x7E2] =	sst s18  }
0x24: {  	s26 =	sshll.u32 s12, $0x1;
	s22 =	simm.s32 $0x880;
	[smem:$0x7E3] =	sst s20  }
0x25: {  	s23 =	sshrl.u32 s21, $0x1;
	s24 =	simm.s32 $0x1880;
	[smem:$0x7E4] =	sst s22  }
0x26: {  	s5 =	sor.u32 s5, s26;
	s25 =	simm.s32 $0x980;
	[smem:$0x7E6] =	sst s24  }
0x27: {  	s19 =	sshll.u32 s12, $0x6;
	s26 =	simm.s32 $0x1900;
	[smem:$0x7E7] =	sst s25  }
0x28: {  	s14 =	simm.s32 $0xA80;
	s16 =	simm.s32 $0x1A00;
	[smem:$0x7EA] =	sst s26  }
0x29: {  	s8 =	simm.s32 $0x1280;
	s9 =	simm.s32 $0x380;
	[smem:$0x7F1] =	sst s14  }
0x2a: {  	s17 =	simm.s32 $0x1400;
	s7 =	ssub.s32 s21, s23;
	[smem:$0x7F2] =	sst s16  }
0x2b: {  	s21 =	sor.u32 $0x1C05, s19;
	s23 =	simm.s32 $0x900;
	[dreg:$0x12] =	wrdreg s8  }
0x2c: {  	s14 =	simm.s32 $0x5;
	s18 =	simm.s32 $0x1A80;
	[dreg:$0x13] =	wrdreg s9  }
0x2d: {  	s19 =	simm.s32 $0xB80;
	s16 =	simm.s32 $0x3;
	[dreg:$0x18] =	wrdreg s17  }
0x2e: {  	s20 =	simm.s32 $0x1B00;
	s22 =	simm.s32 $0x1B80;
	[smem:$0x7E5] =	sst s23  }
0x2f: {  	s24 =	simm.s32 $0x1C00;
	s25 =	simm.s32 $0xD00;
	[smem:$0x7F4] =	sst s18  }
0x30: {  	s8 =	sadd.s32 s15, s13;
	s13 =	smul.u32 $0x50000, s12;
	[smem:$0x7F5] =	sst s19  }
0x31: {  	s26 =	simm.s32 $0x1C80;
	s15 =	smul.u32 $0x6000, s5;
	[smem:$0x7F6] =	sst s20  }
0x32: {  	s17 =	simm.s32 $0x780;
	s5 =	smul.u32 $0xC00, s5;
	[smem:$0x7F8] =	sst s22  }
0x33: {  	s12 =	simm.s32 $0x1980;
	s18 =	simm.s32 $0x1800;
	[smem:$0x7FA] =	sst s24  }
0x34: {  	s19 =	simm.s32 $0x80;
	s23 =	simm.s32 $0xC80;
	[smem:$0x7FB] =	sst s25  }
0x35: {  	s20 =	simm.s32 $0x2000;
	s22 =	simm.s32 $0x6000;
	[smem:$0x7FC] =	sst s26  }
0x36: {  	s24 =	simm.s32 $0x4;
	s25 =	simm.s32 $0xD80;
	[smem:$0x7E1] =	sst s17  }
0x37: {  	s26 =	simm.s32 $0x1D00;
	s8 =	sshrl.u32 s8, $0x3;
	[smem:$0x7EF] =	sst s12  }
0x38: {  	s17 =	simm.s32 $0xB00;
	[smem:$0x7F9] =	sst s23;
	s23 =	simm.s32 $0x2  }
0x39: {  	s9 =	sadd.s32 s8, s6;
	s8 =	sshrl.u32 s13, $0x2;
	s10 =	sshrl.u32 s15, $0x3  }
0x3a: {  	s2 =	sadd.s32 s2, s5;
	s15 =	smax.u32 s7, $0x1;
	[smem:$0x7F3] =	sst s17  }
0x3b: {  	s7 =	smov.u32 s21;
	s17 =	simm.s32 $0x800;
	[smem:$0x7EB] =	sst s2  }
0x3c: {  	s21 =	simm.s32 $0xC00;
	s5 =	simm.s32 $0xF80;
	[smem:$0x7F0] =	sst s15  }
0x3d: {  	s11 =	sadd.s32 s8, s3;
	s10 =	sadd.s32 s0, s10;
	[smem:$0x7F7] =	sst s21  }
0x3e: {  	s2 =	sadd.s32 $0x100, s2;
	s13 =	sadd.s32 $0x1C200, s9;
	[smem:$0x7E8] =	sst s10  }
0x3f: {  	s15 =	simm.s32 $0x1000;
	s21 =	simm.s32 $0x1;
	[smem:$0x7EC] =	sst s2  }
0x40: {  	s0 =	simm.s32 $0x1E80;
	s8 =	sadd.s32 $0x100, s10;
	[smem:$0x7EE] =	sst s13  }
0x41: {  	s9 =	simm.s32 $0x1F00;
	s10 =	simm.s32 $0xA00;
	[smem:$0x7E9] =	sst s8  }
0x42: {  	s2 =	simm.s32 $0xF00;
	[smem:$0x7ED] =	sst s10;
	s8 =	sshrl.u32 s11, $0x3  }
0x43: {  	s10 =	simm.s32 $0x1F80;
	s11 =	simm.s32 $0x0;
	[smem:$0x7FD] =	sst s8  }
.LBB2_1:
0x44: {  	s6 =	sld [smem:$0x7DD];
	_ =	sdelay $0x2  }
0x45: {  	[spmem:s8], [sflag:s7] =	dma.local [hbm:s6], $0x2800  }
0x46: {  	_ =	swait.ge [sflag:s14], $0x2800  }
0x47: {  	s13 =	smov.u32 s7;
	s7 =	sld [smem:$0x7E8]  }
0x48: {  	[sflag:s14] =	ssyncset.done $0x0  }
0x49: {  	s8 =	sld [smem:$0x7EB];
	[sflag:s14] =	ssyncadd.s32 $0xFFFFD800  }
0x4a: {  	[tilespmem:s4], [sflag:$0x3] =	stream.linear.gather [hbm4b:s7+s4], $0x800, $0x38;
	[tilespmem:$0x1E000] =	vst v63  }
0x4b: {  	_ = 	snop  }
0x4c: {  	[tilespmem:s15], [sflag:$0x3] =	stream.linear.gather [hbm4b:s8+s4], $0x800, $0x38;
	[tilespmem:$0x1E000] =	vst v63  }
0x4d: {  	_ =	swait.ge [sflag:s16], $0x800  }
0x4e: {  	[sflag:s16] =	ssyncset.done $0x0  }
0x4f: {  	[sflag:s16] =	ssyncadd.s32 $0xFFFFF800  }
0x50: {  	_ =	swait.ge [sflag:s16], $0x800  }
0x51: {  	s12 =	sld [smem:$0x7E9]  }
0x52: {  	[sflag:s16] =	ssyncset.done $0x0  }
0x53: {  	s7 =	sld [smem:$0x7EC];
	[sflag:s16] =	ssyncadd.s32 $0xFFFFF800  }
0x54: {  	[tilespmem:s17], [sflag:$0x4] =	stream.linear.gather [hbm4b:s12+s4], $0x800, $0x38;
	[tilespmem:$0x1E000] =	vst v63  }
0x55: {  	_ = 	snop  }
0x56: {  	[tilespmem:s18], [sflag:$0x4] =	stream.linear.gather [hbm4b:s7+s4], $0x800, $0x38;
	[tilespmem:$0x1E000] =	vst v63  }
0x57: {  	[bflag:$0x0] =	sbarrier.arrive $0xFFFF  }
0x58: {  	[tilespmem:s20], [sflag:$0x1] =	stream.indirect.gather [hbm4b:s1+s19], $0x80, s4, s19, $0xb8;
	[tilespmem:$0x1E000] =	vst v63  }
0x59: {  	_ =	swait.ge [sflag:s21], $0x4000  }
0x5a: {  	[sflag:s21] =	ssyncset.done $0x0  }
0x5b: {  	[sflag:s21] =	ssyncadd.s32 $0xFFFFC000  }
0x5c: {  	[tilespmem:s22], [sflag:$0x2] =	stream.indirect.gather [hbm4b:s1+s19], $0x80, s19, s19, $0xb8;
	[tilespmem:$0x1E000] =	vst v63  }
0x5d: {  	_ = 	snop  }
0x5e: {  	[spmem:s3] =	stream.indirect.scatter.add.f32 [tilespmem:s20], [sflag:$0x5], $0x80, s15, s19, $0xb8;
	[tilespmem:$0x1E000] =	vst v63  }
0x5f: {  	_ =	swait.ge [sflag:s14], $0x4000  }
0x60: {  	[sflag:s14] =	ssyncset.done $0x0  }
0x61: {  	[sflag:s14] =	ssyncadd.s32 $0xFFFFC000  }
0x62: {  	_ =	swait.ge [sflag:s23], $0x4000  }
0x63: {  	[sflag:s23] =	ssyncset.done $0x0  }
0x64: {  	s8 =	rddreg [dreg:$0x9];
	[sflag:s23] =	ssyncadd.s32 $0xFFFFC000  }
0x65: {  	[tilespmem:s20], [sflag:$0x1] =	stream.indirect.gather [hbm4b:s1+s19], $0x80, s8, s19, $0xb8;
	[tilespmem:$0x1E000] =	vst v63  }
0x66: {  	s12 =	rddreg [dreg:$0xa]  }
0x67: {  	[spmem:s3] =	stream.indirect.scatter.add.f32 [tilespmem:s22], [sflag:$0x5], $0x80, s12, s19, $0xb8;
	[tilespmem:$0x1E000] =	vst v63  }
0x68: {  	_ =	swait.ge [sflag:s14], $0x4000  }
0x69: {  	[sflag:s14] =	ssyncset.done $0x0  }
0x6a: {  	[sflag:s14] =	ssyncadd.s32 $0xFFFFC000  }
0x6b: {  	_ =	swait.ge [sflag:s21], $0x4000  }
0x6c: {  	[sflag:s21] =	ssyncset.done $0x0  }
0x6d: {  	s6 =	rddreg [dreg:$0xb];
	[sflag:s21] =	ssyncadd.s32 $0xFFFFC000  }
0x6e: {  	[tilespmem:s22], [sflag:$0x2] =	stream.indirect.gather [hbm4b:s1+s19], $0x80, s6, s19, $0xb8;
	[tilespmem:$0x1E000] =	vst v63  }
0x6f: {  	s8 =	rddreg [dreg:$0xc]  }
0x70: {  	[spmem:s3] =	stream.indirect.scatter.add.f32 [tilespmem:s20], [sflag:$0x5], $0x80, s8, s19, $0xb8;
	[tilespmem:$0x1E000] =	vst v63  }
0x71: {  	_ =	swait.ge [sflag:s14], $0x4000  }
0x72: {  	[sflag:s14] =	ssyncset.done $0x0  }
0x73: {  	[sflag:s14] =	ssyncadd.s32 $0xFFFFC000  }
0x74: {  	_ =	swait.ge [sflag:s23], $0x4000  }
0x75: {  	[sflag:s23] =	ssyncset.done $0x0  }
0x76: {  	s6 =	rddreg [dreg:$0xd];
	[sflag:s23] =	ssyncadd.s32 $0xFFFFC000  }
0x77: {  	[tilespmem:s20], [sflag:$0x1] =	stream.indirect.gather [hbm4b:s1+s19], $0x80, s6, s19, $0xb8;
	[tilespmem:$0x1E000] =	vst v63  }
0x78: {  	s8 =	rddreg [dreg:$0xe]  }
0x79: {  	[spmem:s3] =	stream.indirect.scatter.add.f32 [tilespmem:s22], [sflag:$0x5], $0x80, s8, s19, $0xb8;
	[tilespmem:$0x1E000] =	vst v63  }
0x7a: {  	_ =	swait.ge [sflag:s14], $0x4000  }
0x7b: {  	[sflag:s14] =	ssyncset.done $0x0  }
0x7c: {  	[sflag:s14] =	ssyncadd.s32 $0xFFFFC000  }
0x7d: {  	_ =	swait.ge [sflag:s21], $0x4000  }
0x7e: {  	[sflag:s21] =	ssyncset.done $0x0  }
0x7f: {  	s6 =	rddreg [dreg:$0xf];
	[sflag:s21] =	ssyncadd.s32 $0xFFFFC000  }
0x80: {  	[tilespmem:s22], [sflag:$0x2] =	stream.indirect.gather [hbm4b:s1+s19], $0x80, s6, s19, $0xb8;
	[tilespmem:$0x1E000] =	vst v63  }
0x81: {  	s8 =	rddreg [dreg:$0x10]  }
0x82: {  	[spmem:s3] =	stream.indirect.scatter.add.f32 [tilespmem:s20], [sflag:$0x5], $0x80, s8, s19, $0xb8;
	[tilespmem:$0x1E000] =	vst v63  }
0x83: {  	_ =	swait.ge [sflag:s14], $0x4000  }
0x84: {  	[sflag:s14] =	ssyncset.done $0x0  }
0x85: {  	[sflag:s14] =	ssyncadd.s32 $0xFFFFC000  }
0x86: {  	_ =	swait.ge [sflag:s23], $0x4000  }
0x87: {  	[sflag:s23] =	ssyncset.done $0x0  }
0x88: {  	s6 =	rddreg [dreg:$0x11];
	[sflag:s23] =	ssyncadd.s32 $0xFFFFC000  }
0x89: {  	[tilespmem:s20], [sflag:$0x1] =	stream.indirect.gather [hbm4b:s1+s19], $0x80, s6, s19, $0xb8;
	[tilespmem:$0x1E000] =	vst v63  }
0x8a: {  	s8 =	rddreg [dreg:$0x12]  }
0x8b: {  	[spmem:s3] =	stream.indirect.scatter.add.f32 [tilespmem:s22], [sflag:$0x5], $0x80, s8, s19, $0xb8;
	[tilespmem:$0x1E000] =	vst v63  }
0x8c: {  	_ =	swait.ge [sflag:s14], $0x4000  }
0x8d: {  	[sflag:s14] =	ssyncset.done $0x0  }
0x8e: {  	[sflag:s14] =	ssyncadd.s32 $0xFFFFC000  }
0x8f: {  	_ =	swait.ge [sflag:s21], $0x4000  }
0x90: {  	[sflag:s21] =	ssyncset.done $0x0  }
0x91: {  	s6 =	rddreg [dreg:$0x13];
	[sflag:s21] =	ssyncadd.s32 $0xFFFFC000  }
0x92: {  	[tilespmem:s22], [sflag:$0x2] =	stream.indirect.gather [hbm4b:s1+s19], $0x80, s6, s19, $0xb8;
	[tilespmem:$0x1E000] =	vst v63  }
0x93: {  	s8 =	rddreg [dreg:$0x14]  }
0x94: {  	[spmem:s3] =	stream.indirect.scatter.add.f32 [tilespmem:s20], [sflag:$0x5], $0x80, s8, s19, $0xb8;
	[tilespmem:$0x1E000] =	vst v63  }
0x95: {  	_ =	swait.ge [sflag:s14], $0x4000  }
0x96: {  	[sflag:s14] =	ssyncset.done $0x0  }
0x97: {  	[sflag:s14] =	ssyncadd.s32 $0xFFFFC000  }
0x98: {  	_ =	swait.ge [sflag:s23], $0x4000  }
0x99: {  	[sflag:s23] =	ssyncset.done $0x0  }
0x9a: {  	s6 =	rddreg [dreg:$0x15];
	[sflag:s23] =	ssyncadd.s32 $0xFFFFC000  }
0x9b: {  	[tilespmem:s20], [sflag:$0x1] =	stream.indirect.gather [hbm4b:s1+s19], $0x80, s6, s19, $0xb8;
	[tilespmem:$0x1E000] =	vst v63  }
0x9c: {  	s8 =	rddreg [dreg:$0x16]  }
0x9d: {  	[spmem:s3] =	stream.indirect.scatter.add.f32 [tilespmem:s22], [sflag:$0x5], $0x80, s8, s19, $0xb8;
	[tilespmem:$0x1E000] =	vst v63  }
0x9e: {  	_ =	swait.ge [sflag:s14], $0x4000  }
0x9f: {  	[sflag:s14] =	ssyncset.done $0x0  }
0xa0: {  	[sflag:s14] =	ssyncadd.s32 $0xFFFFC000  }
0xa1: {  	_ =	swait.ge [sflag:s21], $0x4000  }
0xa2: {  	[sflag:s21] =	ssyncset.done $0x0  }
0xa3: {  	s6 =	rddreg [dreg:$0x17];
	[sflag:s21] =	ssyncadd.s32 $0xFFFFC000  }
0xa4: {  	[tilespmem:s22], [sflag:$0x2] =	stream.indirect.gather [hbm4b:s1+s19], $0x80, s6, s19, $0xb8;
	[tilespmem:$0x1E000] =	vst v63  }
0xa5: {  	s8 =	rddreg [dreg:$0x18]  }
0xa6: {  	[spmem:s3] =	stream.indirect.scatter.add.f32 [tilespmem:s20], [sflag:$0x5], $0x80, s8, s19, $0xb8;
	[tilespmem:$0x1E000] =	vst v63  }
0xa7: {  	_ =	swait.ge [sflag:s14], $0x4000  }
0xa8: {  	[sflag:s14] =	ssyncset.done $0x0  }
0xa9: {  	[sflag:s14] =	ssyncadd.s32 $0xFFFFC000  }
0xaa: {  	_ =	swait.ge [sflag:s23], $0x4000  }
0xab: {  	[sflag:s23] =	ssyncset.done $0x0  }
0xac: {  	s6 =	rddreg [dreg:$0x19];
	[sflag:s23] =	ssyncadd.s32 $0xFFFFC000  }
0xad: {  	[tilespmem:s20], [sflag:$0x1] =	stream.indirect.gather [hbm4b:s1+s19], $0x80, s6, s19, $0xb8;
	[tilespmem:$0x1E000] =	vst v63  }
0xae: {  	s8 =	rddreg [dreg:$0x1a]  }
0xaf: {  	[spmem:s3] =	stream.indirect.scatter.add.f32 [tilespmem:s22], [sflag:$0x5], $0x80, s8, s19, $0xb8;
	[tilespmem:$0x1E000] =	vst v63  }
0xb0: {  	_ =	swait.ge [sflag:s14], $0x4000  }
0xb1: {  	[sflag:s14] =	ssyncset.done $0x0  }
0xb2: {  	[sflag:s14] =	ssyncadd.s32 $0xFFFFC000  }
0xb3: {  	_ =	swait.ge [sflag:s21], $0x4000  }
0xb4: {  	[sflag:s21] =	ssyncset.done $0x0  }
0xb5: {  	s6 =	rddreg [dreg:$0x1b];
	[sflag:s21] =	ssyncadd.s32 $0xFFFFC000  }
0xb6: {  	[tilespmem:s22], [sflag:$0x2] =	stream.indirect.gather [hbm4b:s1+s19], $0x80, s6, s19, $0xb8;
	[tilespmem:$0x1E000] =	vst v63  }
0xb7: {  	s8 =	rddreg [dreg:$0x1c]  }
0xb8: {  	[spmem:s3] =	stream.indirect.scatter.add.f32 [tilespmem:s20], [sflag:$0x5], $0x80, s8, s19, $0xb8;
	[tilespmem:$0x1E000] =	vst v63  }
0xb9: {  	_ =	swait.ge [sflag:s14], $0x4000  }
0xba: {  	[sflag:s14] =	ssyncset.done $0x0  }
0xbb: {  	[sflag:s14] =	ssyncadd.s32 $0xFFFFC000  }
0xbc: {  	_ =	swait.ge [sflag:s23], $0x4000  }
0xbd: {  	[sflag:s23] =	ssyncset.done $0x0  }
0xbe: {  	s6 =	rddreg [dreg:$0x1d];
	[sflag:s23] =	ssyncadd.s32 $0xFFFFC000  }
0xbf: {  	[tilespmem:s20], [sflag:$0x1] =	stream.indirect.gather [hbm4b:s1+s19], $0x80, s6, s19, $0xb8;
	[tilespmem:$0x1E000] =	vst v63  }
0xc0: {  	s8 =	rddreg [dreg:$0x1e]  }
0xc1: {  	[spmem:s3] =	stream.indirect.scatter.add.f32 [tilespmem:s22], [sflag:$0x5], $0x80, s8, s19, $0xb8;
	[tilespmem:$0x1E000] =	vst v63  }
0xc2: {  	_ =	swait.ge [sflag:s14], $0x4000  }
0xc3: {  	[sflag:s14] =	ssyncset.done $0x0  }
0xc4: {  	[sflag:s14] =	ssyncadd.s32 $0xFFFFC000  }
0xc5: {  	_ =	swait.ge [sflag:s21], $0x4000  }
0xc6: {  	s6 =	rddreg [dreg:$0x1f];
	[sflag:s21] =	ssyncset.done $0x0  }
0xc7: {  	s8 =	sld [smem:$0x7DE];
	[sflag:s21] =	ssyncadd.s32 $0xFFFFC000  }
0xc8: {  	[tilespmem:s22], [sflag:$0x2] =	stream.indirect.gather [hbm4b:s1+s19], $0x80, s6, s19, $0xb8;
	[tilespmem:$0x1E000] =	vst v63  }
0xc9: {  	_ = 	snop  }
0xca: {  	[spmem:s3] =	stream.indirect.scatter.add.f32 [tilespmem:s20], [sflag:$0x5], $0x80, s8, s19, $0xb8;
	[tilespmem:$0x1E000] =	vst v63  }
0xcb: {  	_ =	swait.ge [sflag:s14], $0x4000  }
0xcc: {  	[sflag:s14] =	ssyncset.done $0x0  }
0xcd: {  	[sflag:s14] =	ssyncadd.s32 $0xFFFFC000  }
0xce: {  	_ =	swait.ge [sflag:s23], $0x4000  }
0xcf: {  	s6 =	sld [smem:$0x7DF]  }
0xd0: {  	[sflag:s23] =	ssyncset.done $0x0  }
0xd1: {  	s8 =	sld [smem:$0x7E0];
	[sflag:s23] =	ssyncadd.s32 $0xFFFFC000  }
0xd2: {  	[tilespmem:s20], [sflag:$0x1] =	stream.indirect.gather [hbm4b:s1+s19], $0x80, s6, s19, $0xb8;
	[tilespmem:$0x1E000] =	vst v63  }
0xd3: {  	_ = 	snop  }
0xd4: {  	[spmem:s3] =	stream.indirect.scatter.add.f32 [tilespmem:s22], [sflag:$0x5], $0x80, s8, s19, $0xb8;
	[tilespmem:$0x1E000] =	vst v63  }
0xd5: {  	_ =	swait.ge [sflag:s14], $0x4000  }
0xd6: {  	[sflag:s14] =	ssyncset.done $0x0  }
0xd7: {  	[sflag:s14] =	ssyncadd.s32 $0xFFFFC000  }
0xd8: {  	_ =	swait.ge [sflag:s21], $0x4000  }
0xd9: {  	s12 =	sld [smem:$0x7E1]  }
0xda: {  	[sflag:s21] =	ssyncset.done $0x0  }
0xdb: {  	s6 =	sld [smem:$0x7E2];
	[sflag:s21] =	ssyncadd.s32 $0xFFFFC000  }
0xdc: {  	[tilespmem:s22], [sflag:$0x2] =	stream.indirect.gather [hbm4b:s1+s19], $0x80, s12, s19, $0xb8;
	[tilespmem:$0x1E000] =	vst v63  }
0xdd: {  	_ = 	snop  }
0xde: {  	[spmem:s3] =	stream.indirect.scatter.add.f32 [tilespmem:s20], [sflag:$0x5], $0x80, s6, s19, $0xb8;
	[tilespmem:$0x1E000] =	vst v63  }
0xdf: {  	_ =	swait.ge [sflag:s14], $0x4000  }
0xe0: {  	[sflag:s14] =	ssyncset.done $0x0  }
0xe1: {  	[sflag:s14] =	ssyncadd.s32 $0xFFFFC000  }
0xe2: {  	_ =	swait.ge [sflag:s23], $0x4000  }
0xe3: {  	[sflag:s23] =	ssyncset.done $0x0  }
0xe4: {  	[sflag:s23] =	ssyncadd.s32 $0xFFFFC000  }
0xe5: {  	_ =	swait.ge [sflag:s24], $0x800  }
0xe6: {  	[sflag:s24] =	ssyncset.done $0x0  }
0xe7: {  	[sflag:s24] =	ssyncadd.s32 $0xFFFFF800  }
0xe8: {  	_ =	swait.ge [sflag:s24], $0x800  }
0xe9: {  	[sflag:s24] =	ssyncset.done $0x0  }
0xea: {  	s8 =	sld [smem:$0x7E3];
	[sflag:s24] =	ssyncadd.s32 $0xFFFFF800  }
0xeb: {  	[tilespmem:s20], [sflag:$0x1] =	stream.indirect.gather [hbm4b:s1+s19], $0x80, s17, s19, $0xb8;
	[tilespmem:$0x1E000] =	vst v63  }
0xec: {  	_ = 	snop  }
0xed: {  	[spmem:s3] =	stream.indirect.scatter.add.f32 [tilespmem:s22], [sflag:$0x5], $0x80, s8, s19, $0xb8;
	[tilespmem:$0x1E000] =	vst v63  }
0xee: {  	_ =	swait.ge [sflag:s14], $0x4000  }
0xef: {  	s12 =	rddreg [dreg:$0x6];
	[sflag:s14] =	ssyncset.done $0x0  }
0xf0: {  	s6 =	rddreg [dreg:$0x5];
	[sflag:s14] =	ssyncadd.s32 $0xFFFFC000;
	s7 =	sadd.s32 $0x0, s12  }
0xf1: {  	[tilespmem:s4], [sflag:$0x3] =	stream.linear.gather [hbm4b:s7+s4], $0x800, $0x38;
	[tilespmem:$0x1E000] =	vst v63  }
0xf2: {  	s8 =	sadd.s32 $0x0, s6  }
0xf3: {  	[tilespmem:s15], [sflag:$0x3] =	stream.linear.gather [hbm4b:s8+s4], $0x800, $0x38;
	[tilespmem:$0x1E000] =	vst v63  }
0xf4: {  	_ =	swait.ge [sflag:s21], $0x4000  }
0xf5: {  	s12 =	sld [smem:$0x7E4]  }
0xf6: {  	[sflag:s21] =	ssyncset.done $0x0  }
0xf7: {  	[sflag:s21] =	ssyncadd.s32 $0xFFFFC000  }
0xf8: {  	[tilespmem:s22], [sflag:$0x2] =	stream.indirect.gather [hbm4b:s1+s19], $0x80, s12, s19, $0xb8;
	[tilespmem:$0x1E000] =	vst v63  }
0xf9: {  	_ = 	snop  }
0xfa: {  	[spmem:s3] =	stream.indirect.scatter.add.f32 [tilespmem:s20], [sflag:$0x5], $0x80, s18, s19, $0xb8;
	[tilespmem:$0x1E000] =	vst v63  }
0xfb: {  	_ =	swait.ge [sflag:s14], $0x4000  }
0xfc: {  	[sflag:s14] =	ssyncset.done $0x0  }
0xfd: {  	[sflag:s14] =	ssyncadd.s32 $0xFFFFC000  }
0xfe: {  	_ =	swait.ge [sflag:s23], $0x4000  }
0xff: {  	s6 =	sld [smem:$0x7E5]  }
0x100: {  	[sflag:s23] =	ssyncset.done $0x0  }
0x101: {  	s8 =	sld [smem:$0x7E6];
	[sflag:s23] =	ssyncadd.s32 $0xFFFFC000  }
0x102: {  	[tilespmem:s20], [sflag:$0x1] =	stream.indirect.gather [hbm4b:s1+s19], $0x80, s6, s19, $0xb8;
	[tilespmem:$0x1E000] =	vst v63  }
0x103: {  	_ = 	snop  }
0x104: {  	[spmem:s3] =	stream.indirect.scatter.add.f32 [tilespmem:s22], [sflag:$0x5], $0x80, s8, s19, $0xb8;
	[tilespmem:$0x1E000] =	vst v63  }
0x105: {  	_ =	swait.ge [sflag:s14], $0x4000  }
0x106: {  	[sflag:s14] =	ssyncset.done $0x0  }
0x107: {  	[sflag:s14] =	ssyncadd.s32 $0xFFFFC000  }
0x108: {  	_ =	swait.ge [sflag:s21], $0x4000  }
0x109: {  	s6 =	sld [smem:$0x7E7]  }
0x10a: {  	[sflag:s21] =	ssyncset.done $0x0  }
0x10b: {  	s8 =	sld [smem:$0x7EA];
	[sflag:s21] =	ssyncadd.s32 $0xFFFFC000  }
0x10c: {  	[tilespmem:s22], [sflag:$0x2] =	stream.indirect.gather [hbm4b:s1+s19], $0x80, s6, s19, $0xb8;
	[tilespmem:$0x1E000] =	vst v63  }
0x10d: {  	_ = 	snop  }
0x10e: {  	[spmem:s3] =	stream.indirect.scatter.add.f32 [tilespmem:s20], [sflag:$0x5], $0x80, s8, s19, $0xb8;
	[tilespmem:$0x1E000] =	vst v63  }
0x10f: {  	_ =	swait.ge [sflag:s14], $0x4000  }
0x110: {  	[sflag:s14] =	ssyncset.done $0x0  }
0x111: {  	[sflag:s14] =	ssyncadd.s32 $0xFFFFC000  }
0x112: {  	_ =	swait.ge [sflag:s23], $0x4000  }
0x113: {  	s6 =	sld [smem:$0x7ED]  }
0x114: {  	[sflag:s23] =	ssyncset.done $0x0  }
0x115: {  	s8 =	sld [smem:$0x7EF];
	[sflag:s23] =	ssyncadd.s32 $0xFFFFC000  }
0x116: {  	[tilespmem:s20], [sflag:$0x1] =	stream.indirect.gather [hbm4b:s1+s19], $0x80, s6, s19, $0xb8;
	[tilespmem:$0x1E000] =	vst v63  }
0x117: {  	_ = 	snop  }
0x118: {  	[spmem:s3] =	stream.indirect.scatter.add.f32 [tilespmem:s22], [sflag:$0x5], $0x80, s8, s19, $0xb8;
	[tilespmem:$0x1E000] =	vst v63  }
0x119: {  	_ =	swait.ge [sflag:s14], $0x4000  }
0x11a: {  	[sflag:s14] =	ssyncset.done $0x0  }
0x11b: {  	[sflag:s14] =	ssyncadd.s32 $0xFFFFC000  }
0x11c: {  	_ =	swait.ge [sflag:s21], $0x4000  }
0x11d: {  	s6 =	sld [smem:$0x7F1]  }
0x11e: {  	[sflag:s21] =	ssyncset.done $0x0  }
0x11f: {  	s8 =	sld [smem:$0x7F2];
	[sflag:s21] =	ssyncadd.s32 $0xFFFFC000  }
0x120: {  	[tilespmem:s22], [sflag:$0x2] =	stream.indirect.gather [hbm4b:s1+s19], $0x80, s6, s19, $0xb8;
	[tilespmem:$0x1E000] =	vst v63  }
0x121: {  	_ = 	snop  }
0x122: {  	[spmem:s3] =	stream.indirect.scatter.add.f32 [tilespmem:s20], [sflag:$0x5], $0x80, s8, s19, $0xb8;
	[tilespmem:$0x1E000] =	vst v63  }
0x123: {  	_ =	swait.ge [sflag:s14], $0x4000  }
0x124: {  	[sflag:s14] =	ssyncset.done $0x0  }
0x125: {  	[sflag:s14] =	ssyncadd.s32 $0xFFFFC000  }
0x126: {  	_ =	swait.ge [sflag:s23], $0x4000  }
0x127: {  	s6 =	sld [smem:$0x7F3]  }
0x128: {  	[sflag:s23] =	ssyncset.done $0x0  }
0x129: {  	s8 =	sld [smem:$0x7F4];
	[sflag:s23] =	ssyncadd.s32 $0xFFFFC000  }
0x12a: {  	[tilespmem:s20], [sflag:$0x1] =	stream.indirect.gather [hbm4b:s1+s19], $0x80, s6, s19, $0xb8;
	[tilespmem:$0x1E000] =	vst v63  }
0x12b: {  	_ = 	snop  }
0x12c: {  	[spmem:s3] =	stream.indirect.scatter.add.f32 [tilespmem:s22], [sflag:$0x5], $0x80, s8, s19, $0xb8;
	[tilespmem:$0x1E000] =	vst v63  }
0x12d: {  	_ =	swait.ge [sflag:s14], $0x4000  }
0x12e: {  	[sflag:s14] =	ssyncset.done $0x0  }
0x12f: {  	[sflag:s14] =	ssyncadd.s32 $0xFFFFC000  }
0x130: {  	_ =	swait.ge [sflag:s21], $0x4000  }
0x131: {  	s6 =	sld [smem:$0x7F5]  }
0x132: {  	[sflag:s21] =	ssyncset.done $0x0  }
0x133: {  	s8 =	sld [smem:$0x7F6];
	[sflag:s21] =	ssyncadd.s32 $0xFFFFC000  }
0x134: {  	[tilespmem:s22], [sflag:$0x2] =	stream.indirect.gather [hbm4b:s1+s19], $0x80, s6, s19, $0xb8;
	[tilespmem:$0x1E000] =	vst v63  }
0x135: {  	_ = 	snop  }
0x136: {  	[spmem:s3] =	stream.indirect.scatter.add.f32 [tilespmem:s20], [sflag:$0x5], $0x80, s8, s19, $0xb8;
	[tilespmem:$0x1E000] =	vst v63  }
0x137: {  	_ =	swait.ge [sflag:s14], $0x4000  }
0x138: {  	[sflag:s14] =	ssyncset.done $0x0  }
0x139: {  	[sflag:s14] =	ssyncadd.s32 $0xFFFFC000  }
0x13a: {  	_ =	swait.ge [sflag:s23], $0x4000  }
0x13b: {  	s6 =	sld [smem:$0x7F7]  }
0x13c: {  	[sflag:s23] =	ssyncset.done $0x0  }
0x13d: {  	s8 =	sld [smem:$0x7F8];
	[sflag:s23] =	ssyncadd.s32 $0xFFFFC000  }
0x13e: {  	[tilespmem:s20], [sflag:$0x1] =	stream.indirect.gather [hbm4b:s1+s19], $0x80, s6, s19, $0xb8;
	[tilespmem:$0x1E000] =	vst v63  }
0x13f: {  	_ = 	snop  }
0x140: {  	[spmem:s3] =	stream.indirect.scatter.add.f32 [tilespmem:s22], [sflag:$0x5], $0x80, s8, s19, $0xb8;
	[tilespmem:$0x1E000] =	vst v63  }
0x141: {  	_ =	swait.ge [sflag:s14], $0x4000  }
0x142: {  	[sflag:s14] =	ssyncset.done $0x0  }
0x143: {  	[sflag:s14] =	ssyncadd.s32 $0xFFFFC000  }
0x144: {  	_ =	swait.ge [sflag:s21], $0x4000  }
0x145: {  	s6 =	sld [smem:$0x7F9]  }
0x146: {  	[sflag:s21] =	ssyncset.done $0x0  }
0x147: {  	s8 =	sld [smem:$0x7FA];
	[sflag:s21] =	ssyncadd.s32 $0xFFFFC000  }
0x148: {  	[tilespmem:s22], [sflag:$0x2] =	stream.indirect.gather [hbm4b:s1+s19], $0x80, s6, s19, $0xb8;
	[tilespmem:$0x1E000] =	vst v63  }
0x149: {  	_ = 	snop  }
0x14a: {  	[spmem:s3] =	stream.indirect.scatter.add.f32 [tilespmem:s20], [sflag:$0x5], $0x80, s8, s19, $0xb8;
	[tilespmem:$0x1E000] =	vst v63  }
0x14b: {  	_ =	swait.ge [sflag:s14], $0x4000  }
0x14c: {  	[sflag:s14] =	ssyncset.done $0x0  }
0x14d: {  	[sflag:s14] =	ssyncadd.s32 $0xFFFFC000  }
0x14e: {  	_ =	swait.ge [sflag:s23], $0x4000  }
0x14f: {  	s6 =	sld [smem:$0x7FB]  }
0x150: {  	[sflag:s23] =	ssyncset.done $0x0  }
0x151: {  	s8 =	sld [smem:$0x7FC];
	[sflag:s23] =	ssyncadd.s32 $0xFFFFC000  }
0x152: {  	[tilespmem:s20], [sflag:$0x1] =	stream.indirect.gather [hbm4b:s1+s19], $0x80, s6, s19, $0xb8;
	[tilespmem:$0x1E000] =	vst v63  }
0x153: {  	_ = 	snop  }
0x154: {  	[spmem:s3] =	stream.indirect.scatter.add.f32 [tilespmem:s22], [sflag:$0x5], $0x80, s8, s19, $0xb8;
	[tilespmem:$0x1E000] =	vst v63  }
0x155: {  	_ =	swait.ge [sflag:s14], $0x4000  }
0x156: {  	[sflag:s14] =	ssyncset.done $0x0  }
0x157: {  	[sflag:s14] =	ssyncadd.s32 $0xFFFFC000  }
0x158: {  	_ =	swait.ge [sflag:s21], $0x4000  }
0x159: {  	[sflag:s21] =	ssyncset.done $0x0  }
0x15a: {  	[sflag:s21] =	ssyncadd.s32 $0xFFFFC000  }
0x15b: {  	[tilespmem:s22], [sflag:$0x2] =	stream.indirect.gather [hbm4b:s1+s19], $0x80, s25, s19, $0xb8;
	[tilespmem:$0x1E000] =	vst v63  }
0x15c: {  	_ = 	snop  }
0x15d: {  	[spmem:s3] =	stream.indirect.scatter.add.f32 [tilespmem:s20], [sflag:$0x5], $0x80, s26, s19, $0xb8;
	[tilespmem:$0x1E000] =	vst v63  }
0x15e: {  	_ =	swait.ge [sflag:s14], $0x4000  }
0x15f: {  	[sflag:s14] =	ssyncset.done $0x0  }
0x160: {  	[sflag:s14] =	ssyncadd.s32 $0xFFFFC000  }
0x161: {  	_ =	swait.ge [sflag:s23], $0x4000  }
0x162: {  	[sflag:s23] =	ssyncset.done $0x0  }
0x163: {  	[sflag:s23] =	ssyncadd.s32 $0xFFFFC000  }
0x164: {  	[tilespmem:s20], [sflag:$0x1] =	stream.indirect.gather [hbm4b:s1+s19], $0x80, s28, s19, $0xb8;
	[tilespmem:$0x1E000] =	vst v63  }
0x165: {  	_ = 	snop  }
0x166: {  	[spmem:s3] =	stream.indirect.scatter.add.f32 [tilespmem:s22], [sflag:$0x5], $0x80, s29, s19, $0xb8;
	[tilespmem:$0x1E000] =	vst v63  }
0x167: {  	_ =	swait.ge [sflag:s14], $0x4000  }
0x168: {  	[sflag:s14] =	ssyncset.done $0x0  }
0x169: {  	[sflag:s14] =	ssyncadd.s32 $0xFFFFC000  }
0x16a: {  	_ =	swait.ge [sflag:s21], $0x4000  }
0x16b: {  	[sflag:s21] =	ssyncset.done $0x0  }
0x16c: {  	[sflag:s21] =	ssyncadd.s32 $0xFFFFC000  }
0x16d: {  	[tilespmem:s22], [sflag:$0x2] =	stream.indirect.gather [hbm4b:s1+s19], $0x80, s30, s19, $0xb8;
	[tilespmem:$0x1E000] =	vst v63  }
0x16e: {  	_ = 	snop  }
0x16f: {  	[spmem:s3] =	stream.indirect.scatter.add.f32 [tilespmem:s20], [sflag:$0x5], $0x80, s31, s19, $0xb8;
	[tilespmem:$0x1E000] =	vst v63  }
0x170: {  	_ =	swait.ge [sflag:s14], $0x4000  }
0x171: {  	[sflag:s14] =	ssyncset.done $0x0  }
0x172: {  	[sflag:s14] =	ssyncadd.s32 $0xFFFFC000  }
0x173: {  	_ =	swait.ge [sflag:s23], $0x4000  }
0x174: {  	[sflag:s23] =	ssyncset.done $0x0  }
0x175: {  	[sflag:s23] =	ssyncadd.s32 $0xFFFFC000  }
0x176: {  	[tilespmem:s20], [sflag:$0x1] =	stream.indirect.gather [hbm4b:s1+s19], $0x80, s2, s19, $0xb8;
	[tilespmem:$0x1E000] =	vst v63  }
0x177: {  	_ = 	snop  }
0x178: {  	[spmem:s3] =	stream.indirect.scatter.add.f32 [tilespmem:s22], [sflag:$0x5], $0x80, s0, s19, $0xb8;
	[tilespmem:$0x1E000] =	vst v63  }
0x179: {  	_ =	swait.ge [sflag:s14], $0x4000  }
0x17a: {  	[sflag:s14] =	ssyncset.done $0x0  }
0x17b: {  	[sflag:s14] =	ssyncadd.s32 $0xFFFFC000  }
0x17c: {  	_ =	swait.ge [sflag:s21], $0x4000  }
0x17d: {  	[sflag:s21] =	ssyncset.done $0x0  }
0x17e: {  	[sflag:s21] =	ssyncadd.s32 $0xFFFFC000  }
0x17f: {  	[tilespmem:s22], [sflag:$0x2] =	stream.indirect.gather [hbm4b:s1+s19], $0x80, s5, s19, $0xb8;
	[tilespmem:$0x1E000] =	vst v63  }
0x180: {  	_ = 	snop  }
0x181: {  	[spmem:s3] =	stream.indirect.scatter.add.f32 [tilespmem:s20], [sflag:$0x5], $0x80, s9, s19, $0xb8;
	[tilespmem:$0x1E000] =	vst v63  }
0x182: {  	_ =	swait.ge [sflag:s14], $0x4000  }
0x183: {  	[sflag:s14] =	ssyncset.done $0x0  }
0x184: {  	[sflag:s14] =	ssyncadd.s32 $0xFFFFC000  }
0x185: {  	_ =	swait.ge [sflag:s23], $0x4000  }
0x186: {  	[sflag:s23] =	ssyncset.done $0x0  }
0x187: {  	[sflag:s23] =	ssyncadd.s32 $0xFFFFC000  }
0x188: {  	_ =	swait.ge [sflag:s16], $0x800  }
0x189: {  	[sflag:s16] =	ssyncset.done $0x0  }
0x18a: {  	[sflag:s16] =	ssyncadd.s32 $0xFFFFF800  }
0x18b: {  	_ =	swait.ge [sflag:s16], $0x800  }
0x18c: {  	[sflag:s16] =	ssyncset.done $0x0  }
0x18d: {  	[sflag:s16] =	ssyncadd.s32 $0xFFFFF800  }
0x18e: {  	[tilespmem:s20], [sflag:$0x1] =	stream.indirect.gather [hbm4b:s1+s19], $0x80, s4, s19, $0xb8;
	[tilespmem:$0x1E000] =	vst v63  }
0x18f: {  	_ = 	snop  }
0x190: {  	[spmem:s3] =	stream.indirect.scatter.add.f32 [tilespmem:s22], [sflag:$0x5], $0x80, s10, s19, $0xb8;
	[tilespmem:$0x1E000] =	vst v63  }
0x191: {  	_ =	swait.ge [sflag:s14], $0x4000  }
0x192: {  	s12 =	rddreg [dreg:$0x8];
	[sflag:s14] =	ssyncset.done $0x0  }
0x193: {  	s6 =	rddreg [dreg:$0x7];
	[sflag:s14] =	ssyncadd.s32 $0xFFFFC000;
	s7 =	sadd.s32 $0x0, s12  }
0x194: {  	[tilespmem:s17], [sflag:$0x4] =	stream.linear.gather [hbm4b:s7+s4], $0x800, $0x38;
	[tilespmem:$0x1E000] =	vst v63  }
0x195: {  	s12 =	simm.s32 $0x200;
	s7 =	sadd.s32 $0x0, s6  }
.LBB2_2:
0x196: {  	[tilespmem:s18], [sflag:$0x4] =	stream.linear.gather [hbm4b:s7+s4], $0x800, $0x38;
	[tilespmem:$0x1E000] =	vst v63  }
0x197: {  	_ =	swait.ge [sflag:s21], $0x4000  }
0x198: {  	[sflag:s21] =	ssyncset.done $0x0  }
0x199: {  	[sflag:s21] =	ssyncadd.s32 $0xFFFFC000  }
0x19a: {  	[tilespmem:s22], [sflag:$0x2] =	stream.indirect.gather [hbm4b:s1+s19], $0x80, s19, s19, $0xb8;
	[tilespmem:$0x1E000] =	vst v63  }
0x19b: {  	_ = 	snop  }
0x19c: {  	[spmem:s3] =	stream.indirect.scatter.add.f32 [tilespmem:s20], [sflag:$0x5], $0x80, s15, s19, $0xb8;
	[tilespmem:$0x1E000] =	vst v63  }
0x19d: {  	_ =	swait.ge [sflag:s14], $0x4000  }
0x19e: {  	[sflag:s14] =	ssyncset.done $0x0  }
0x19f: {  	[sflag:s14] =	ssyncadd.s32 $0xFFFFC000  }
0x1a0: {  	_ =	swait.ge [sflag:s23], $0x4000  }
0x1a1: {  	[sflag:s23] =	ssyncset.done $0x0  }
0x1a2: {  	s8 =	rddreg [dreg:$0x9];
	[sflag:s23] =	ssyncadd.s32 $0xFFFFC000  }
0x1a3: {  	[tilespmem:s20], [sflag:$0x1] =	stream.indirect.gather [hbm4b:s1+s19], $0x80, s8, s19, $0xb8;
	[tilespmem:$0x1E000] =	vst v63  }
0x1a4: {  	s6 =	rddreg [dreg:$0xa]  }
0x1a5: {  	[spmem:s3] =	stream.indirect.scatter.add.f32 [tilespmem:s22], [sflag:$0x5], $0x80, s6, s19, $0xb8;
	[tilespmem:$0x1E000] =	vst v63  }
0x1a6: {  	_ =	swait.ge [sflag:s14], $0x4000  }
0x1a7: {  	[sflag:s14] =	ssyncset.done $0x0  }
0x1a8: {  	[sflag:s14] =	ssyncadd.s32 $0xFFFFC000  }
0x1a9: {  	_ =	swait.ge [sflag:s21], $0x4000  }
0x1aa: {  	[sflag:s21] =	ssyncset.done $0x0  }
0x1ab: {  	s6 =	rddreg [dreg:$0xb];
	[sflag:s21] =	ssyncadd.s32 $0xFFFFC000  }
0x1ac: {  	[tilespmem:s22], [sflag:$0x2] =	stream.indirect.gather [hbm4b:s1+s19], $0x80, s6, s19, $0xb8;
	[tilespmem:$0x1E000] =	vst v63  }
0x1ad: {  	s8 =	rddreg [dreg:$0xc]  }
0x1ae: {  	[spmem:s3] =	stream.indirect.scatter.add.f32 [tilespmem:s20], [sflag:$0x5], $0x80, s8, s19, $0xb8;
	[tilespmem:$0x1E000] =	vst v63  }
0x1af: {  	_ =	swait.ge [sflag:s14], $0x4000  }
0x1b0: {  	[sflag:s14] =	ssyncset.done $0x0  }
0x1b1: {  	[sflag:s14] =	ssyncadd.s32 $0xFFFFC000  }
0x1b2: {  	_ =	swait.ge [sflag:s23], $0x4000  }
0x1b3: {  	[sflag:s23] =	ssyncset.done $0x0  }
0x1b4: {  	s6 =	rddreg [dreg:$0xd];
	[sflag:s23] =	ssyncadd.s32 $0xFFFFC000  }
0x1b5: {  	[tilespmem:s20], [sflag:$0x1] =	stream.indirect.gather [hbm4b:s1+s19], $0x80, s6, s19, $0xb8;
	[tilespmem:$0x1E000] =	vst v63  }
0x1b6: {  	s8 =	rddreg [dreg:$0xe]  }
0x1b7: {  	[spmem:s3] =	stream.indirect.scatter.add.f32 [tilespmem:s22], [sflag:$0x5], $0x80, s8, s19, $0xb8;
	[tilespmem:$0x1E000] =	vst v63  }
0x1b8: {  	_ =	swait.ge [sflag:s14], $0x4000  }
0x1b9: {  	[sflag:s14] =	ssyncset.done $0x0  }
0x1ba: {  	[sflag:s14] =	ssyncadd.s32 $0xFFFFC000  }
0x1bb: {  	_ =	swait.ge [sflag:s21], $0x4000  }
0x1bc: {  	[sflag:s21] =	ssyncset.done $0x0  }
0x1bd: {  	s6 =	rddreg [dreg:$0xf];
	[sflag:s21] =	ssyncadd.s32 $0xFFFFC000  }
0x1be: {  	[tilespmem:s22], [sflag:$0x2] =	stream.indirect.gather [hbm4b:s1+s19], $0x80, s6, s19, $0xb8;
	[tilespmem:$0x1E000] =	vst v63  }
0x1bf: {  	s8 =	rddreg [dreg:$0x10]  }
0x1c0: {  	[spmem:s3] =	stream.indirect.scatter.add.f32 [tilespmem:s20], [sflag:$0x5], $0x80, s8, s19, $0xb8;
	[tilespmem:$0x1E000] =	vst v63  }
0x1c1: {  	_ =	swait.ge [sflag:s14], $0x4000  }
0x1c2: {  	[sflag:s14] =	ssyncset.done $0x0  }
0x1c3: {  	[sflag:s14] =	ssyncadd.s32 $0xFFFFC000  }
0x1c4: {  	_ =	swait.ge [sflag:s23], $0x4000  }
0x1c5: {  	[sflag:s23] =	ssyncset.done $0x0  }
0x1c6: {  	s6 =	rddreg [dreg:$0x11];
	[sflag:s23] =	ssyncadd.s32 $0xFFFFC000  }
0x1c7: {  	[tilespmem:s20], [sflag:$0x1] =	stream.indirect.gather [hbm4b:s1+s19], $0x80, s6, s19, $0xb8;
	[tilespmem:$0x1E000] =	vst v63  }
0x1c8: {  	s8 =	rddreg [dreg:$0x12]  }
0x1c9: {  	[spmem:s3] =	stream.indirect.scatter.add.f32 [tilespmem:s22], [sflag:$0x5], $0x80, s8, s19, $0xb8;
	[tilespmem:$0x1E000] =	vst v63  }
0x1ca: {  	_ =	swait.ge [sflag:s14], $0x4000  }
0x1cb: {  	[sflag:s14] =	ssyncset.done $0x0  }
0x1cc: {  	[sflag:s14] =	ssyncadd.s32 $0xFFFFC000  }
0x1cd: {  	_ =	swait.ge [sflag:s21], $0x4000  }
0x1ce: {  	[sflag:s21] =	ssyncset.done $0x0  }
0x1cf: {  	s6 =	rddreg [dreg:$0x13];
	[sflag:s21] =	ssyncadd.s32 $0xFFFFC000  }
0x1d0: {  	[tilespmem:s22], [sflag:$0x2] =	stream.indirect.gather [hbm4b:s1+s19], $0x80, s6, s19, $0xb8;
	[tilespmem:$0x1E000] =	vst v63  }
0x1d1: {  	s8 =	rddreg [dreg:$0x14]  }
0x1d2: {  	[spmem:s3] =	stream.indirect.scatter.add.f32 [tilespmem:s20], [sflag:$0x5], $0x80, s8, s19, $0xb8;
	[tilespmem:$0x1E000] =	vst v63  }
0x1d3: {  	_ =	swait.ge [sflag:s14], $0x4000  }
0x1d4: {  	[sflag:s14] =	ssyncset.done $0x0  }
0x1d5: {  	[sflag:s14] =	ssyncadd.s32 $0xFFFFC000  }
0x1d6: {  	_ =	swait.ge [sflag:s23], $0x4000  }
0x1d7: {  	[sflag:s23] =	ssyncset.done $0x0  }
0x1d8: {  	s6 =	rddreg [dreg:$0x15];
	[sflag:s23] =	ssyncadd.s32 $0xFFFFC000  }
0x1d9: {  	[tilespmem:s20], [sflag:$0x1] =	stream.indirect.gather [hbm4b:s1+s19], $0x80, s6, s19, $0xb8;
	[tilespmem:$0x1E000] =	vst v63  }
0x1da: {  	s8 =	rddreg [dreg:$0x16]  }
0x1db: {  	[spmem:s3] =	stream.indirect.scatter.add.f32 [tilespmem:s22], [sflag:$0x5], $0x80, s8, s19, $0xb8;
	[tilespmem:$0x1E000] =	vst v63  }
0x1dc: {  	_ =	swait.ge [sflag:s14], $0x4000  }
0x1dd: {  	[sflag:s14] =	ssyncset.done $0x0  }
0x1de: {  	[sflag:s14] =	ssyncadd.s32 $0xFFFFC000  }
0x1df: {  	_ =	swait.ge [sflag:s21], $0x4000  }
0x1e0: {  	[sflag:s21] =	ssyncset.done $0x0  }
0x1e1: {  	s6 =	rddreg [dreg:$0x17];
	[sflag:s21] =	ssyncadd.s32 $0xFFFFC000  }
0x1e2: {  	[tilespmem:s22], [sflag:$0x2] =	stream.indirect.gather [hbm4b:s1+s19], $0x80, s6, s19, $0xb8;
	[tilespmem:$0x1E000] =	vst v63  }
0x1e3: {  	s8 =	rddreg [dreg:$0x18]  }
0x1e4: {  	[spmem:s3] =	stream.indirect.scatter.add.f32 [tilespmem:s20], [sflag:$0x5], $0x80, s8, s19, $0xb8;
	[tilespmem:$0x1E000] =	vst v63  }
0x1e5: {  	_ =	swait.ge [sflag:s14], $0x4000  }
0x1e6: {  	[sflag:s14] =	ssyncset.done $0x0  }
0x1e7: {  	[sflag:s14] =	ssyncadd.s32 $0xFFFFC000  }
0x1e8: {  	_ =	swait.ge [sflag:s23], $0x4000  }
0x1e9: {  	[sflag:s23] =	ssyncset.done $0x0  }
0x1ea: {  	s6 =	rddreg [dreg:$0x19];
	[sflag:s23] =	ssyncadd.s32 $0xFFFFC000  }
0x1eb: {  	[tilespmem:s20], [sflag:$0x1] =	stream.indirect.gather [hbm4b:s1+s19], $0x80, s6, s19, $0xb8;
	[tilespmem:$0x1E000] =	vst v63  }
0x1ec: {  	s8 =	rddreg [dreg:$0x1a]  }
0x1ed: {  	[spmem:s3] =	stream.indirect.scatter.add.f32 [tilespmem:s22], [sflag:$0x5], $0x80, s8, s19, $0xb8;
	[tilespmem:$0x1E000] =	vst v63  }
0x1ee: {  	_ =	swait.ge [sflag:s14], $0x4000  }
0x1ef: {  	[sflag:s14] =	ssyncset.done $0x0  }
0x1f0: {  	[sflag:s14] =	ssyncadd.s32 $0xFFFFC000  }
0x1f1: {  	_ =	swait.ge [sflag:s21], $0x4000  }
0x1f2: {  	[sflag:s21] =	ssyncset.done $0x0  }
0x1f3: {  	s6 =	rddreg [dreg:$0x1b];
	[sflag:s21] =	ssyncadd.s32 $0xFFFFC000  }
0x1f4: {  	[tilespmem:s22], [sflag:$0x2] =	stream.indirect.gather [hbm4b:s1+s19], $0x80, s6, s19, $0xb8;
	[tilespmem:$0x1E000] =	vst v63  }
0x1f5: {  	s8 =	rddreg [dreg:$0x1c]  }
0x1f6: {  	[spmem:s3] =	stream.indirect.scatter.add.f32 [tilespmem:s20], [sflag:$0x5], $0x80, s8, s19, $0xb8;
	[tilespmem:$0x1E000] =	vst v63  }
0x1f7: {  	_ =	swait.ge [sflag:s14], $0x4000  }
0x1f8: {  	[sflag:s14] =	ssyncset.done $0x0  }
0x1f9: {  	[sflag:s14] =	ssyncadd.s32 $0xFFFFC000  }
0x1fa: {  	_ =	swait.ge [sflag:s23], $0x4000  }
0x1fb: {  	[sflag:s23] =	ssyncset.done $0x0  }
0x1fc: {  	s6 =	rddreg [dreg:$0x1d];
	[sflag:s23] =	ssyncadd.s32 $0xFFFFC000  }
0x1fd: {  	[tilespmem:s20], [sflag:$0x1] =	stream.indirect.gather [hbm4b:s1+s19], $0x80, s6, s19, $0xb8;
	[tilespmem:$0x1E000] =	vst v63  }
0x1fe: {  	s8 =	rddreg [dreg:$0x1e]  }
0x1ff: {  	[spmem:s3] =	stream.indirect.scatter.add.f32 [tilespmem:s22], [sflag:$0x5], $0x80, s8, s19, $0xb8;
	[tilespmem:$0x1E000] =	vst v63  }
0x200: {  	_ =	swait.ge [sflag:s14], $0x4000  }
0x201: {  	[sflag:s14] =	ssyncset.done $0x0  }
0x202: {  	[sflag:s14] =	ssyncadd.s32 $0xFFFFC000  }
0x203: {  	_ =	swait.ge [sflag:s21], $0x4000  }
0x204: {  	s6 =	rddreg [dreg:$0x1f];
	[sflag:s21] =	ssyncset.done $0x0  }
0x205: {  	s8 =	sld [smem:$0x7DE];
	[sflag:s21] =	ssyncadd.s32 $0xFFFFC000  }
0x206: {  	[tilespmem:s22], [sflag:$0x2] =	stream.indirect.gather [hbm4b:s1+s19], $0x80, s6, s19, $0xb8;
	[tilespmem:$0x1E000] =	vst v63  }
0x207: {  	_ = 	snop  }
0x208: {  	[spmem:s3] =	stream.indirect.scatter.add.f32 [tilespmem:s20], [sflag:$0x5], $0x80, s8, s19, $0xb8;
	[tilespmem:$0x1E000] =	vst v63  }
0x209: {  	_ =	swait.ge [sflag:s14], $0x4000  }
0x20a: {  	[sflag:s14] =	ssyncset.done $0x0  }
0x20b: {  	[sflag:s14] =	ssyncadd.s32 $0xFFFFC000  }
0x20c: {  	_ =	swait.ge [sflag:s23], $0x4000  }
0x20d: {  	s6 =	sld [smem:$0x7DF]  }
0x20e: {  	[sflag:s23] =	ssyncset.done $0x0  }
0x20f: {  	s8 =	sld [smem:$0x7E0];
	[sflag:s23] =	ssyncadd.s32 $0xFFFFC000  }
0x210: {  	[tilespmem:s20], [sflag:$0x1] =	stream.indirect.gather [hbm4b:s1+s19], $0x80, s6, s19, $0xb8;
	[tilespmem:$0x1E000] =	vst v63  }
0x211: {  	_ = 	snop  }
0x212: {  	[spmem:s3] =	stream.indirect.scatter.add.f32 [tilespmem:s22], [sflag:$0x5], $0x80, s8, s19, $0xb8;
	[tilespmem:$0x1E000] =	vst v63  }
0x213: {  	_ =	swait.ge [sflag:s14], $0x4000  }
0x214: {  	[sflag:s14] =	ssyncset.done $0x0  }
0x215: {  	[sflag:s14] =	ssyncadd.s32 $0xFFFFC000  }
0x216: {  	_ =	swait.ge [sflag:s21], $0x4000  }
0x217: {  	s6 =	sld [smem:$0x7E1]  }
0x218: {  	[sflag:s21] =	ssyncset.done $0x0  }
0x219: {  	s8 =	sld [smem:$0x7E2];
	[sflag:s21] =	ssyncadd.s32 $0xFFFFC000  }
0x21a: {  	[tilespmem:s22], [sflag:$0x2] =	stream.indirect.gather [hbm4b:s1+s19], $0x80, s6, s19, $0xb8;
	[tilespmem:$0x1E000] =	vst v63  }
0x21b: {  	_ = 	snop  }
0x21c: {  	[spmem:s3] =	stream.indirect.scatter.add.f32 [tilespmem:s20], [sflag:$0x5], $0x80, s8, s19, $0xb8;
	[tilespmem:$0x1E000] =	vst v63  }
0x21d: {  	_ =	swait.ge [sflag:s14], $0x4000  }
0x21e: {  	[sflag:s14] =	ssyncset.done $0x0  }
0x21f: {  	[sflag:s14] =	ssyncadd.s32 $0xFFFFC000  }
0x220: {  	_ =	swait.ge [sflag:s23], $0x4000  }
0x221: {  	[sflag:s23] =	ssyncset.done $0x0  }
0x222: {  	[sflag:s23] =	ssyncadd.s32 $0xFFFFC000  }
0x223: {  	_ =	swait.ge [sflag:s24], $0x800  }
0x224: {  	[sflag:s24] =	ssyncset.done $0x0  }
0x225: {  	[sflag:s24] =	ssyncadd.s32 $0xFFFFF800  }
0x226: {  	_ =	swait.ge [sflag:s24], $0x800  }
0x227: {  	[sflag:s24] =	ssyncset.done $0x0  }
0x228: {  	s8 =	sld [smem:$0x7E3];
	[sflag:s24] =	ssyncadd.s32 $0xFFFFF800  }
0x229: {  	[tilespmem:s20], [sflag:$0x1] =	stream.indirect.gather [hbm4b:s1+s19], $0x80, s17, s19, $0xb8;
	[tilespmem:$0x1E000] =	vst v63  }
0x22a: {  	_ = 	snop  }
0x22b: {  	[spmem:s3] =	stream.indirect.scatter.add.f32 [tilespmem:s22], [sflag:$0x5], $0x80, s8, s19, $0xb8;
	[tilespmem:$0x1E000] =	vst v63  }
0x22c: {  	_ =	swait.ge [sflag:s14], $0x4000  }
0x22d: {  	s7 =	smov.u32 s12;
	s6 =	rddreg [dreg:$0x6];
	[sflag:s14] =	ssyncset.done $0x0  }
0x22e: {  	s8 =	rddreg [dreg:$0x5];
	[sflag:s14] =	ssyncadd.s32 $0xFFFFC000;
	s6 =	sadd.s32 s7, s6  }
0x22f: {  	[tilespmem:s4], [sflag:$0x3] =	stream.linear.gather [hbm4b:s6+s4], $0x800, $0x38;
	[tilespmem:$0x1E000] =	vst v63  }
0x230: {  	s8 =	sadd.s32 s7, s8  }
0x231: {  	[tilespmem:s15], [sflag:$0x3] =	stream.linear.gather [hbm4b:s8+s4], $0x800, $0x38;
	[tilespmem:$0x1E000] =	vst v63  }
0x232: {  	_ =	swait.ge [sflag:s21], $0x4000  }
0x233: {  	s8 =	sld [smem:$0x7E4]  }
0x234: {  	[sflag:s21] =	ssyncset.done $0x0  }
0x235: {  	[sflag:s21] =	ssyncadd.s32 $0xFFFFC000  }
0x236: {  	[tilespmem:s22], [sflag:$0x2] =	stream.indirect.gather [hbm4b:s1+s19], $0x80, s8, s19, $0xb8;
	[tilespmem:$0x1E000] =	vst v63  }
0x237: {  	_ = 	snop  }
0x238: {  	[spmem:s3] =	stream.indirect.scatter.add.f32 [tilespmem:s20], [sflag:$0x5], $0x80, s18, s19, $0xb8;
	[tilespmem:$0x1E000] =	vst v63  }
0x239: {  	_ =	swait.ge [sflag:s14], $0x4000  }
0x23a: {  	[sflag:s14] =	ssyncset.done $0x0  }
0x23b: {  	[sflag:s14] =	ssyncadd.s32 $0xFFFFC000  }
0x23c: {  	_ =	swait.ge [sflag:s23], $0x4000  }
0x23d: {  	s6 =	sld [smem:$0x7E5]  }
0x23e: {  	[sflag:s23] =	ssyncset.done $0x0  }
0x23f: {  	s8 =	sld [smem:$0x7E6];
	[sflag:s23] =	ssyncadd.s32 $0xFFFFC000  }
0x240: {  	[tilespmem:s20], [sflag:$0x1] =	stream.indirect.gather [hbm4b:s1+s19], $0x80, s6, s19, $0xb8;
	[tilespmem:$0x1E000] =	vst v63  }
0x241: {  	_ = 	snop  }
0x242: {  	[spmem:s3] =	stream.indirect.scatter.add.f32 [tilespmem:s22], [sflag:$0x5], $0x80, s8, s19, $0xb8;
	[tilespmem:$0x1E000] =	vst v63  }
0x243: {  	_ =	swait.ge [sflag:s14], $0x4000  }
0x244: {  	[sflag:s14] =	ssyncset.done $0x0  }
0x245: {  	[sflag:s14] =	ssyncadd.s32 $0xFFFFC000  }
0x246: {  	_ =	swait.ge [sflag:s21], $0x4000  }
0x247: {  	s6 =	sld [smem:$0x7E7]  }
0x248: {  	[sflag:s21] =	ssyncset.done $0x0  }
0x249: {  	s8 =	sld [smem:$0x7EA];
	[sflag:s21] =	ssyncadd.s32 $0xFFFFC000  }
0x24a: {  	[tilespmem:s22], [sflag:$0x2] =	stream.indirect.gather [hbm4b:s1+s19], $0x80, s6, s19, $0xb8;
	[tilespmem:$0x1E000] =	vst v63  }
0x24b: {  	_ = 	snop  }
0x24c: {  	[spmem:s3] =	stream.indirect.scatter.add.f32 [tilespmem:s20], [sflag:$0x5], $0x80, s8, s19, $0xb8;
	[tilespmem:$0x1E000] =	vst v63  }
0x24d: {  	_ =	swait.ge [sflag:s14], $0x4000  }
0x24e: {  	[sflag:s14] =	ssyncset.done $0x0  }
0x24f: {  	[sflag:s14] =	ssyncadd.s32 $0xFFFFC000  }
0x250: {  	_ =	swait.ge [sflag:s23], $0x4000  }
0x251: {  	s6 =	sld [smem:$0x7ED]  }
0x252: {  	[sflag:s23] =	ssyncset.done $0x0  }
0x253: {  	s8 =	sld [smem:$0x7EF];
	[sflag:s23] =	ssyncadd.s32 $0xFFFFC000  }
0x254: {  	[tilespmem:s20], [sflag:$0x1] =	stream.indirect.gather [hbm4b:s1+s19], $0x80, s6, s19, $0xb8;
	[tilespmem:$0x1E000] =	vst v63  }
0x255: {  	_ = 	snop  }
0x256: {  	[spmem:s3] =	stream.indirect.scatter.add.f32 [tilespmem:s22], [sflag:$0x5], $0x80, s8, s19, $0xb8;
	[tilespmem:$0x1E000] =	vst v63  }
0x257: {  	_ =	swait.ge [sflag:s14], $0x4000  }
0x258: {  	[sflag:s14] =	ssyncset.done $0x0  }
0x259: {  	[sflag:s14] =	ssyncadd.s32 $0xFFFFC000  }
0x25a: {  	_ =	swait.ge [sflag:s21], $0x4000  }
0x25b: {  	s6 =	sld [smem:$0x7F1]  }
0x25c: {  	[sflag:s21] =	ssyncset.done $0x0  }
0x25d: {  	s8 =	sld [smem:$0x7F2];
	[sflag:s21] =	ssyncadd.s32 $0xFFFFC000  }
0x25e: {  	[tilespmem:s22], [sflag:$0x2] =	stream.indirect.gather [hbm4b:s1+s19], $0x80, s6, s19, $0xb8;
	[tilespmem:$0x1E000] =	vst v63  }
0x25f: {  	_ = 	snop  }
0x260: {  	[spmem:s3] =	stream.indirect.scatter.add.f32 [tilespmem:s20], [sflag:$0x5], $0x80, s8, s19, $0xb8;
	[tilespmem:$0x1E000] =	vst v63  }
0x261: {  	_ =	swait.ge [sflag:s14], $0x4000  }
0x262: {  	[sflag:s14] =	ssyncset.done $0x0  }
0x263: {  	[sflag:s14] =	ssyncadd.s32 $0xFFFFC000  }
0x264: {  	_ =	swait.ge [sflag:s23], $0x4000  }
0x265: {  	s6 =	sld [smem:$0x7F3]  }
0x266: {  	[sflag:s23] =	ssyncset.done $0x0  }
0x267: {  	s8 =	sld [smem:$0x7F4];
	[sflag:s23] =	ssyncadd.s32 $0xFFFFC000  }
0x268: {  	[tilespmem:s20], [sflag:$0x1] =	stream.indirect.gather [hbm4b:s1+s19], $0x80, s6, s19, $0xb8;
	[tilespmem:$0x1E000] =	vst v63  }
0x269: {  	_ = 	snop  }
0x26a: {  	[spmem:s3] =	stream.indirect.scatter.add.f32 [tilespmem:s22], [sflag:$0x5], $0x80, s8, s19, $0xb8;
	[tilespmem:$0x1E000] =	vst v63  }
0x26b: {  	_ =	swait.ge [sflag:s14], $0x4000  }
0x26c: {  	[sflag:s14] =	ssyncset.done $0x0  }
0x26d: {  	[sflag:s14] =	ssyncadd.s32 $0xFFFFC000  }
0x26e: {  	_ =	swait.ge [sflag:s21], $0x4000  }
0x26f: {  	s6 =	sld [smem:$0x7F5]  }
0x270: {  	[sflag:s21] =	ssyncset.done $0x0  }
0x271: {  	s8 =	sld [smem:$0x7F6];
	[sflag:s21] =	ssyncadd.s32 $0xFFFFC000  }
0x272: {  	[tilespmem:s22], [sflag:$0x2] =	stream.indirect.gather [hbm4b:s1+s19], $0x80, s6, s19, $0xb8;
	[tilespmem:$0x1E000] =	vst v63  }
0x273: {  	_ = 	snop  }
0x274: {  	[spmem:s3] =	stream.indirect.scatter.add.f32 [tilespmem:s20], [sflag:$0x5], $0x80, s8, s19, $0xb8;
	[tilespmem:$0x1E000] =	vst v63  }
0x275: {  	_ =	swait.ge [sflag:s14], $0x4000  }
0x276: {  	[sflag:s14] =	ssyncset.done $0x0  }
0x277: {  	[sflag:s14] =	ssyncadd.s32 $0xFFFFC000  }
0x278: {  	_ =	swait.ge [sflag:s23], $0x4000  }
0x279: {  	s6 =	sld [smem:$0x7F7]  }
0x27a: {  	[sflag:s23] =	ssyncset.done $0x0  }
0x27b: {  	s8 =	sld [smem:$0x7F8];
	[sflag:s23] =	ssyncadd.s32 $0xFFFFC000  }
0x27c: {  	[tilespmem:s20], [sflag:$0x1] =	stream.indirect.gather [hbm4b:s1+s19], $0x80, s6, s19, $0xb8;
	[tilespmem:$0x1E000] =	vst v63  }
0x27d: {  	_ = 	snop  }
0x27e: {  	[spmem:s3] =	stream.indirect.scatter.add.f32 [tilespmem:s22], [sflag:$0x5], $0x80, s8, s19, $0xb8;
	[tilespmem:$0x1E000] =	vst v63  }
0x27f: {  	_ =	swait.ge [sflag:s14], $0x4000  }
0x280: {  	[sflag:s14] =	ssyncset.done $0x0  }
0x281: {  	[sflag:s14] =	ssyncadd.s32 $0xFFFFC000  }
0x282: {  	_ =	swait.ge [sflag:s21], $0x4000  }
0x283: {  	s6 =	sld [smem:$0x7F9]  }
0x284: {  	[sflag:s21] =	ssyncset.done $0x0  }
0x285: {  	s8 =	sld [smem:$0x7FA];
	[sflag:s21] =	ssyncadd.s32 $0xFFFFC000  }
0x286: {  	[tilespmem:s22], [sflag:$0x2] =	stream.indirect.gather [hbm4b:s1+s19], $0x80, s6, s19, $0xb8;
	[tilespmem:$0x1E000] =	vst v63  }
0x287: {  	_ = 	snop  }
0x288: {  	[spmem:s3] =	stream.indirect.scatter.add.f32 [tilespmem:s20], [sflag:$0x5], $0x80, s8, s19, $0xb8;
	[tilespmem:$0x1E000] =	vst v63  }
0x289: {  	_ =	swait.ge [sflag:s14], $0x4000  }
0x28a: {  	[sflag:s14] =	ssyncset.done $0x0  }
0x28b: {  	[sflag:s14] =	ssyncadd.s32 $0xFFFFC000  }
0x28c: {  	_ =	swait.ge [sflag:s23], $0x4000  }
0x28d: {  	s6 =	sld [smem:$0x7FB]  }
0x28e: {  	[sflag:s23] =	ssyncset.done $0x0  }
0x28f: {  	s8 =	sld [smem:$0x7FC];
	[sflag:s23] =	ssyncadd.s32 $0xFFFFC000  }
0x290: {  	[tilespmem:s20], [sflag:$0x1] =	stream.indirect.gather [hbm4b:s1+s19], $0x80, s6, s19, $0xb8;
	[tilespmem:$0x1E000] =	vst v63  }
0x291: {  	_ = 	snop  }
0x292: {  	[spmem:s3] =	stream.indirect.scatter.add.f32 [tilespmem:s22], [sflag:$0x5], $0x80, s8, s19, $0xb8;
	[tilespmem:$0x1E000] =	vst v63  }
0x293: {  	_ =	swait.ge [sflag:s14], $0x4000  }
0x294: {  	[sflag:s14] =	ssyncset.done $0x0  }
0x295: {  	[sflag:s14] =	ssyncadd.s32 $0xFFFFC000  }
0x296: {  	_ =	swait.ge [sflag:s21], $0x4000  }
0x297: {  	[sflag:s21] =	ssyncset.done $0x0  }
0x298: {  	[sflag:s21] =	ssyncadd.s32 $0xFFFFC000  }
0x299: {  	[tilespmem:s22], [sflag:$0x2] =	stream.indirect.gather [hbm4b:s1+s19], $0x80, s25, s19, $0xb8;
	[tilespmem:$0x1E000] =	vst v63  }
0x29a: {  	_ = 	snop  }
0x29b: {  	[spmem:s3] =	stream.indirect.scatter.add.f32 [tilespmem:s20], [sflag:$0x5], $0x80, s26, s19, $0xb8;
	[tilespmem:$0x1E000] =	vst v63  }
0x29c: {  	_ =	swait.ge [sflag:s14], $0x4000  }
0x29d: {  	[sflag:s14] =	ssyncset.done $0x0  }
0x29e: {  	[sflag:s14] =	ssyncadd.s32 $0xFFFFC000  }
0x29f: {  	_ =	swait.ge [sflag:s23], $0x4000  }
0x2a0: {  	[sflag:s23] =	ssyncset.done $0x0  }
0x2a1: {  	[sflag:s23] =	ssyncadd.s32 $0xFFFFC000  }
0x2a2: {  	[tilespmem:s20], [sflag:$0x1] =	stream.indirect.gather [hbm4b:s1+s19], $0x80, s28, s19, $0xb8;
	[tilespmem:$0x1E000] =	vst v63  }
0x2a3: {  	_ = 	snop  }
0x2a4: {  	[spmem:s3] =	stream.indirect.scatter.add.f32 [tilespmem:s22], [sflag:$0x5], $0x80, s29, s19, $0xb8;
	[tilespmem:$0x1E000] =	vst v63  }
0x2a5: {  	_ =	swait.ge [sflag:s14], $0x4000  }
0x2a6: {  	[sflag:s14] =	ssyncset.done $0x0  }
0x2a7: {  	[sflag:s14] =	ssyncadd.s32 $0xFFFFC000  }
0x2a8: {  	_ =	swait.ge [sflag:s21], $0x4000  }
0x2a9: {  	[sflag:s21] =	ssyncset.done $0x0  }
0x2aa: {  	[sflag:s21] =	ssyncadd.s32 $0xFFFFC000  }
0x2ab: {  	[tilespmem:s22], [sflag:$0x2] =	stream.indirect.gather [hbm4b:s1+s19], $0x80, s30, s19, $0xb8;
	[tilespmem:$0x1E000] =	vst v63  }
0x2ac: {  	_ = 	snop  }
0x2ad: {  	[spmem:s3] =	stream.indirect.scatter.add.f32 [tilespmem:s20], [sflag:$0x5], $0x80, s31, s19, $0xb8;
	[tilespmem:$0x1E000] =	vst v63  }
0x2ae: {  	_ =	swait.ge [sflag:s14], $0x4000  }
0x2af: {  	[sflag:s14] =	ssyncset.done $0x0  }
0x2b0: {  	[sflag:s14] =	ssyncadd.s32 $0xFFFFC000  }
0x2b1: {  	_ =	swait.ge [sflag:s23], $0x4000  }
0x2b2: {  	[sflag:s23] =	ssyncset.done $0x0  }
0x2b3: {  	[sflag:s23] =	ssyncadd.s32 $0xFFFFC000  }
0x2b4: {  	[tilespmem:s20], [sflag:$0x1] =	stream.indirect.gather [hbm4b:s1+s19], $0x80, s2, s19, $0xb8;
	[tilespmem:$0x1E000] =	vst v63  }
0x2b5: {  	_ = 	snop  }
0x2b6: {  	[spmem:s3] =	stream.indirect.scatter.add.f32 [tilespmem:s22], [sflag:$0x5], $0x80, s0, s19, $0xb8;
	[tilespmem:$0x1E000] =	vst v63  }
0x2b7: {  	_ =	swait.ge [sflag:s14], $0x4000  }
0x2b8: {  	[sflag:s14] =	ssyncset.done $0x0  }
0x2b9: {  	[sflag:s14] =	ssyncadd.s32 $0xFFFFC000  }
0x2ba: {  	_ =	swait.ge [sflag:s21], $0x4000  }
0x2bb: {  	[sflag:s21] =	ssyncset.done $0x0  }
0x2bc: {  	[sflag:s21] =	ssyncadd.s32 $0xFFFFC000  }
0x2bd: {  	[tilespmem:s22], [sflag:$0x2] =	stream.indirect.gather [hbm4b:s1+s19], $0x80, s5, s19, $0xb8;
	[tilespmem:$0x1E000] =	vst v63  }
0x2be: {  	_ = 	snop  }
0x2bf: {  	[spmem:s3] =	stream.indirect.scatter.add.f32 [tilespmem:s20], [sflag:$0x5], $0x80, s9, s19, $0xb8;
	[tilespmem:$0x1E000] =	vst v63  }
0x2c0: {  	_ =	swait.ge [sflag:s14], $0x4000  }
0x2c1: {  	[sflag:s14] =	ssyncset.done $0x0  }
0x2c2: {  	[sflag:s14] =	ssyncadd.s32 $0xFFFFC000  }
0x2c3: {  	_ =	swait.ge [sflag:s23], $0x4000  }
0x2c4: {  	[sflag:s23] =	ssyncset.done $0x0  }
0x2c5: {  	[sflag:s23] =	ssyncadd.s32 $0xFFFFC000  }
0x2c6: {  	_ =	swait.ge [sflag:s16], $0x800  }
0x2c7: {  	[sflag:s16] =	ssyncset.done $0x0  }
0x2c8: {  	[sflag:s16] =	ssyncadd.s32 $0xFFFFF800  }
0x2c9: {  	_ =	swait.ge [sflag:s16], $0x800  }
0x2ca: {  	[sflag:s16] =	ssyncset.done $0x0  }
0x2cb: {  	[sflag:s16] =	ssyncadd.s32 $0xFFFFF800  }
0x2cc: {  	[tilespmem:s20], [sflag:$0x1] =	stream.indirect.gather [hbm4b:s1+s19], $0x80, s4, s19, $0xb8;
	[tilespmem:$0x1E000] =	vst v63  }
0x2cd: {  	p0 =	sne.s32 s12, $0x800  }
0x2ce: {  	[spmem:s3] =	stream.indirect.scatter.add.f32 [tilespmem:s22], [sflag:$0x5], $0x80, s10, s19, $0xb8;
	[tilespmem:$0x1E000] =	vst v63  }
.Ltmp0:
0x2cf: {  	_ =	swait.ge [sflag:s14], $0x4000;
	(pc) =	sbr.rel @p0 .LBB2_2-.Ltmp0, $4  }
0x2d0: {  	s6 =	rddreg [dreg:$0x8]  }
0x2d1: {  	s12 =	sadd.s32 $0x200, s12;
	s8 =	rddreg [dreg:$0x7];
	[sflag:s14] =	ssyncset.done $0x0  }
0x2d2: {  	[sflag:s14] =	ssyncadd.s32 $0xFFFFC000;
	s6 =	sadd.s32 s7, s6;
	s7 =	sadd.s32 s7, s8  }
0x2d3: {  	[tilespmem:s17], [sflag:$0x4] =	stream.linear.gather [hbm4b:s6+s4], $0x800, $0x38;
	[tilespmem:$0x1E000] =	vst v63  }
0x2d4: {  	[tilespmem:s18], [sflag:$0x4] =	stream.linear.gather [hbm4b:s7+s4], $0x800, $0x38;
	[tilespmem:$0x1E000] =	vst v63  }
0x2d5: {  	_ =	swait.ge [sflag:s24], $0x800  }
0x2d6: {  	[sflag:s24] =	ssyncset.done $0x0  }
0x2d7: {  	[sflag:s24] =	ssyncadd.s32 $0xFFFFF800  }
0x2d8: {  	_ =	swait.ge [sflag:s24], $0x800  }
0x2d9: {  	[sflag:s24] =	ssyncset.done $0x0  }
0x2da: {  	[sflag:s24] =	ssyncadd.s32 $0xFFFFF800  }
0x2db: {  	_ =	swait.ge [sflag:s21], $0x4000  }
0x2dc: {  	[sflag:s21] =	ssyncset.done $0x0  }
0x2dd: {  	[sflag:s21] =	ssyncadd.s32 $0xFFFFC000  }
0x2de: {  	[bflag:$0x0] =	sbarrier.arrive $0xFFFF  }
0x2df: {  	s6 =	sld [smem:$0x7EE]  }
0x2e0: {  	s8 =	sld [smem:$0x7FD];
	_ =	sdelay $0x2  }
0x2e1: {  	[hbm:s6], [sflag:s13] =	dma.local [spmem:s8], $0x2800  }
0x2e2: {  	_ =	swait.ge [sflag:s14], $0x2800  }
0x2e3: {  	s7 =	smov.u32 s13;
	s13 =	sld [smem:$0x7F0];
	_ =	sdelay $0x1  }
0x2e4: {  	s11 =	sadd.s32 $0x1, s11  }
0x2e5: {  	p0 =	sne.s32 s11, s13  }
.Ltmp1:
0x2e6: {  	_ = 	snop;
	(pc) =	sbr.rel @p0 .LBB2_1-.Ltmp1, $3  }
0x2e7: {  	_ =	sdelay $0x1  }
0x2e8: {  	[sflag:s14] =	ssyncset.done $0x0  }
0x2e9: {  	[sflag:s14] =	ssyncadd.s32 $0xFFFFD800  }
0x2ea: {  	_ =	sfence.sel $0x180000  }
0x2eb: {  	[bflag:$0x0] =	sbarrier.arrive $0xFFFF  }
0x2ec: {  	_ =	strace $0x90000047  }
0x2ed: {  	s0 =	stileid.u32;
	[bflag:$0x2] =	sbarrier.arrive $0xFFFF  }
0x2ee: {  	p0 =	sne.s32 s0, $0x0;
	s0 =	rddreg [dreg:$0x4]  }
0x2ef: {  	s0 =	sadd.s32 @!p0 $0x100000, s0  }
0x2f0: {  	[sflag:s0] =	ssyncadd.tile.s32 @!p0 $0x1;
	_ =	shalt  }
.Lfunc_end2:
_tile_overlayer_lowered:
.L_overlay_start_2:
0x2f1: {  	(tag) =	ssettag $0x2  }
0x2f2: {  	s0 =	rddreg [dreg:$0x0];
	s2 =	stileid.u32  }
0x2f3: {  	s1 =	rddreg [dreg:$0x1];
	p0 =	sne.s32 s2, $0x0  }
0x2f4: {  	s3 =	rddreg [dreg:$0x2];
	[bflag:$0x3] =	sbarrier.arrive $0xFFFF;
	s2 =	simm.s32 @!p0 $0x1C05  }
0x2f5: {  	[timem:s3], [sflag:s2] =	dma.local @!p0 [hbm:s0], s1  }
0x2f6: {  	s0 =	simm.s32 @!p0 $0x5  }
0x2f7: {  	_ =	swait.ge @!p0 [sflag:s0], s1  }
0x2f8: {  	s1 =	ssub.s32 @!p0 $0x0, s1;
	[sflag:s0] =	ssyncset.done @!p0 $0x0  }
0x2f9: {  	[sflag:s0] =	ssyncadd.s32 @!p0 s1  }
0x2fa: {  	[bflag:$0x3] =	sbarrier.arrive $0xFFFF  }
0x2fb: {  	_ =	shalt  }

</sc_bundles>
